<compile_context>
chip_gen: v7x
topology: tpu7x:2x2x1
jax: 0.10.2.dev20260603
libtpu: 0.0.44.dev20260713+nightly
codegen_flags: <defaults>
</compile_context>

<pallas_src>
import functools

import jax
import jax.numpy as jnp
from jax import lax
from jax.experimental import pallas as pl
from jax.experimental.pallas import tpu as pltpu
from jax.experimental.pallas import tpu_sc as plsc

N_NODES = 10000
D = 128
N_EDGES = 320000
NC = 2
NS = 16
NW = NC * NS
CH = 128
RPT = 80
RPT0 = 112
RPT1 = 48
TOT_ROWS = NS * (RPT0 + RPT1)
KG = 8
E_PAD = TOT_ROWS * CH
N_ACC = 10112
PER = N_ACC // NS
CW = 128


def _make_seg():
    mesh = plsc.VectorSubcoreMesh(core_axis_name="c", subcore_axis_name="s")

    @functools.partial(
        pl.kernel, mesh=mesh,
        out_type=[jax.ShapeDtypeStruct((NC, N_ACC, D), jnp.float32)],
        scratch_types=dict(
            acc_sh=pltpu.VMEM_SHARED((N_ACC, D), jnp.float32),
            src_v=pltpu.VMEM((KG, CH), jnp.int32),
            dst_v=pltpu.VMEM((KG, CH), jnp.int32),
            buf_a=pltpu.VMEM((CH, D), jnp.float32),
            buf_b=pltpu.VMEM((CH, D), jnp.float32),
            sem_a=pltpu.SemaphoreType.DMA,
            sem_b=pltpu.SemaphoreType.DMA,
        ))
    def seg(y_hbm, src_hbm, dst_hbm, outa_hbm, *, acc_sh, src_v, dst_v,
            buf_a, buf_b, sem_a, sem_b):
        c = lax.axis_index("c")
        s = lax.axis_index("s")
        start = jnp.where(c == 0, s * RPT0, NS * RPT0 + s * RPT1)
        ngroups = jnp.where(c == 0, RPT0 // KG, RPT1 // KG)
        zero16 = jnp.zeros((16,), jnp.float32)
        bufs = (buf_a, buf_b)
        sems = (sem_a, sem_b)

        def zrow(i, carry):
            def zcol(k, cc):
                buf_a[i, pl.ds(k * 16, 16)] = zero16
                return cc
            return lax.fori_loop(0, D // 16, zcol, carry)
        lax.fori_loop(0, CH, zrow, 0)

        base = s * PER

        def zacc(k, carry):
            pltpu.sync_copy(buf_a, acc_sh.at[pl.ds(base + k * CH, CH)])
            return carry
        lax.fori_loop(0, PER // CH, zacc, 0)
        rem = PER % CH
        if rem:
            pltpu.sync_copy(buf_a.at[pl.ds(0, rem)],
                            acc_sh.at[pl.ds(base + (PER // CH) * CH, rem)])
        plsc.subcore_barrier()

        def group(g, carry):
            row = start + g * KG
            pltpu.sync_copy(src_hbm.at[pl.ds(row, KG)], src_v)
            pltpu.sync_copy(dst_hbm.at[pl.ds(row, KG)], dst_v)
            cps = [None] * KG
            cps[0] = pltpu.async_copy(y_hbm.at[src_v.at[0]], bufs[0],
                                      sems[0])
            for j in range(KG):
                if j + 1 < KG:
                    cps[j + 1] = pltpu.async_copy(
                        y_hbm.at[src_v.at[j + 1]], bufs[(j + 1) % 2],
                        sems[(j + 1) % 2])
                cps[j].wait()
                pltpu.sync_copy(bufs[j % 2], acc_sh.at[dst_v.at[j]],
                                add=True)
            return carry
        lax.fori_loop(0, ngroups, group, 0)
        plsc.subcore_barrier()

        pltpu.sync_copy(acc_sh.at[pl.ds(base, PER)],
                        outa_hbm.at[c, pl.ds(base, PER)])

    return seg


def _make_cnt():
    mesh = plsc.VectorSubcoreMesh(core_axis_name="c", subcore_axis_name="s")

    @functools.partial(
        pl.kernel, mesh=mesh,
        out_type=[jax.ShapeDtypeStruct((NC, N_ACC, CW), jnp.float32)],
        scratch_types=dict(
            cnt_sh=pltpu.VMEM_SHARED((N_ACC, CW), jnp.float32),
            dst_v=pltpu.VMEM((KG, CH), jnp.int32),
            buf_v=pltpu.VMEM((CH, CW), jnp.float32),
        ))
    def cntk(dst_hbm, outc_hbm, *, cnt_sh, dst_v, buf_v):
        c = lax.axis_index("c")
        s = lax.axis_index("s")
        w = c * NS + s

        def fill(val):
            v16 = jnp.full((16,), val, jnp.float32)

            def frow(i, carry):
                def fcol(k, cc):
                    buf_v[i, pl.ds(k * 16, 16)] = v16
                    return cc
                return lax.fori_loop(0, CW // 16, fcol, carry)
            lax.fori_loop(0, CH, frow, 0)

        fill(0.0)
        base = s * PER
        for k in range(PER // CH):
            pltpu.sync_copy(buf_v, cnt_sh.at[pl.ds(base + k * CH, CH)])
        if PER % CH:
            pltpu.sync_copy(buf_v.at[pl.ds(0, PER % CH)],
                            cnt_sh.at[pl.ds(base + (PER // CH) * CH,
                                            PER % CH)])
        fill(1.0)
        plsc.subcore_barrier()

        def group(g, carry):
            pltpu.sync_copy(dst_hbm.at[pl.ds(w * RPT + g * KG, KG)], dst_v)

            def step(j, cc):
                pltpu.sync_copy(buf_v, cnt_sh.at[dst_v.at[j]], add=True)
                return cc
            return lax.fori_loop(0, KG, step, carry)
        lax.fori_loop(0, RPT // KG, group, 0)
        plsc.subcore_barrier()

        pltpu.sync_copy(cnt_sh.at[pl.ds(base, PER)],
                        outc_hbm.at[c, pl.ds(base, PER)])

    return cntk


_sc_cache = {}


def _seg(*args):
    if "seg" not in _sc_cache:
        _sc_cache["seg"] = _make_seg()
    return _sc_cache["seg"](*args)


def _cnt(*args):
    if "cnt" not in _sc_cache:
        _sc_cache["cnt"] = _make_cnt()
    return _sc_cache["cnt"](*args)


_BR = 1000
_row = pl.BlockSpec((_BR, D), lambda i: (i, 0))
_roww = pl.BlockSpec((_BR, CW), lambda i: (i, 0))
_full = pl.BlockSpec((D, D), lambda i: (0, 0))
_bias = pl.BlockSpec((1, D), lambda i: (0, 0))
_f32 = jnp.float32


def _pre_body(x_ref, wt_ref, y_ref):
    y_ref[...] = jnp.dot(x_ref[...], wt_ref[...],
                         preferred_element_type=_f32)


def _pre(x, wt1l):
    return pl.pallas_call(
        _pre_body,
        grid=(N_NODES // _BR,),
        in_specs=[_row, _full],
        out_specs=_row,
        out_shape=jax.ShapeDtypeStruct((N_NODES, D), _f32),
    )(x, wt1l)


def _mid_body(x_ref, a0_ref, a1_ref, c0_ref, c1_ref, wt1r_ref, b1_ref,
              wt2l_ref, wt2r_ref, b2_ref, y2_ref, r2b_ref):
    cnt = c0_ref[:, 0:1] + c1_ref[:, 0:1]
    inv = 1.0 / jnp.maximum(cnt, 1.0)
    agg = (a0_ref[...] + a1_ref[...]) * inv
    root = jnp.dot(x_ref[...], wt1r_ref[...], preferred_element_type=_f32)
    h = jnp.maximum(agg + b1_ref[...] + root, 0.0)
    y2_ref[...] = jnp.dot(h, wt2l_ref[...], preferred_element_type=_f32)
    r2b_ref[...] = (jnp.dot(h, wt2r_ref[...], preferred_element_type=_f32)
                    + b2_ref[...])


def _mid(x, a0, a1, c0, c1, wt1r, b1, wt2l, wt2r, b2):
    return pl.pallas_call(
        _mid_body,
        grid=(N_NODES // _BR,),
        in_specs=[_row, _row, _row, _roww, _roww, _full, _bias, _full,
                  _full, _bias],
        out_specs=[_row, _row],
        out_shape=[jax.ShapeDtypeStruct((N_NODES, D), _f32),
                   jax.ShapeDtypeStruct((N_NODES, D), _f32)],
    )(x, a0, a1, c0, c1, wt1r, b1, wt2l, wt2r, b2)


def _fin_body(a0_ref, a1_ref, c0_ref, c1_ref, r2b_ref, out_ref):
    cnt = c0_ref[:, 0:1] + c1_ref[:, 0:1]
    inv = 1.0 / jnp.maximum(cnt, 1.0)
    o = jnp.maximum((a0_ref[...] + a1_ref[...]) * inv + r2b_ref[...], 0.0)
    m = jnp.max(o, axis=1, keepdims=True)
    e = jnp.exp(o - m)
    lse = jnp.log(jnp.sum(e, axis=1, keepdims=True))
    out_ref[...] = o - m - lse


def _fin(a0, a1, c0, c1, r2b):
    return pl.pallas_call(
        _fin_body,
        grid=(N_NODES // _BR,),
        in_specs=[_row, _row, _roww, _roww, _row],
        out_specs=_row,
        out_shape=jax.ShapeDtypeStruct((N_NODES, D), _f32),
    )(a0, a1, c0, c1, r2b)


def kernel(x, edge_index, W1_l, b1_l, W1_r, W2_l, b2_l, W2_r):
    src = edge_index[0].astype(jnp.int32)
    dst = edge_index[1].astype(jnp.int32)
    npad = E_PAD - N_EDGES
    src = jnp.concatenate([src, jnp.zeros((npad,), jnp.int32)])
    dst = jnp.concatenate([dst, jnp.full((npad,), N_NODES, jnp.int32)])
    src2 = src.reshape(TOT_ROWS, CH)
    dst2 = dst.reshape(TOT_ROWS, CH)

    y1 = _pre(x, W1_l.T)
    (cnt,) = _cnt(dst2)
    (acc1,) = _seg(y1, src2, dst2)
    c0, c1 = cnt[0, :N_NODES], cnt[1, :N_NODES]
    y2, r2b = _mid(x, acc1[0, :N_NODES], acc1[1, :N_NODES], c0, c1,
                   W1_r.T, b1_l.reshape(1, D),
                   W2_l.T, W2_r.T, b2_l.reshape(1, D))
    (acc2,) = _seg(y2, src2, dst2)
    return _fin(acc2[0, :N_NODES], acc2[1, :N_NODES], c0, c1, r2b)

# --- scband reference (transcript-rebuilt; emitter-appended) ---
"""Pipeline reference for scband-graph-sage-20512763806336 (READ-ONLY COPY).

The authoritative reference and input builder live on the scoring server;
editing this copy changes nothing except your own understanding.
"""

import jax, jax.numpy as jnp
import numpy as np

N_NODES = 10000
N_EDGES = 320000
D_IN = 128
D_HID = 128
D_OUT = 128


def setup_inputs(seed: int = 0) -> dict:
    key = jax.random.key(seed)
    ks = jax.random.split(key, 9)
    x = jax.random.normal(ks[0], (N_NODES, D_IN), dtype=jnp.float32)
    edge_index = jax.random.randint(ks[1], (2, N_EDGES), 0, N_NODES, dtype=jnp.int64)
    # SAGEConv layer 1 params (PyG style: lin_l applied to aggregated neighbors w/ bias, lin_r to root w/o bias)
    W1_l = jax.random.normal(ks[2], (D_HID, D_IN), dtype=jnp.float32) * (1.0 / np.sqrt(D_IN))
    b1_l = jnp.zeros((D_HID,), dtype=jnp.float32)
    W1_r = jax.random.normal(ks[3], (D_HID, D_IN), dtype=jnp.float32) * (1.0 / np.sqrt(D_IN))
    # SAGEConv layer 2 params
    W2_l = jax.random.normal(ks[4], (D_OUT, D_HID), dtype=jnp.float32) * (1.0 / np.sqrt(D_HID))
    b2_l = jnp.zeros((D_OUT,), dtype=jnp.float32)
    W2_r = jax.random.normal(ks[5], (D_OUT, D_HID), dtype=jnp.float32) * (1.0 / np.sqrt(D_HID))
    return {
        "x": x,
        "edge_index": edge_index,
        "W1_l": W1_l, "b1_l": b1_l, "W1_r": W1_r,
        "W2_l": W2_l, "b2_l": b2_l, "W2_r": W2_r,
    }


def _sage_conv(x, edge_index, W_l, b_l, W_r):
    src = edge_index[0]
    dst = edge_index[1]
    msgs = x[src]  # gather source-node features
    agg = jax.ops.segment_sum(msgs, dst, num_segments=x.shape[0])
    cnt = jax.ops.segment_sum(jnp.ones((edge_index.shape[1],), dtype=x.dtype), dst, num_segments=x.shape[0])
    agg = agg / jnp.clip(cnt, 1.0, None)[:, None]  # mean aggregation
    return agg @ W_l.T + b_l + x @ W_r.T


def reference(x, edge_index, W1_l, b1_l, W1_r, W2_l, b2_l, W2_r):
    h = jax.nn.relu(_sage_conv(x, edge_index, W1_l, b1_l, W1_r))
    h = jax.nn.relu(_sage_conv(h, edge_index, W2_l, b2_l, W2_r))
    return jax.nn.log_softmax(h, axis=-1)

if __name__ == "__main__":
    import jax
    _d = setup_inputs()
    print(jax.jit(kernel)(*tuple(_d.values())))

</pallas_src>

<mosaic_0001>
#map = affine_map<(d0, d1) -> (0, 0)>
#map1 = affine_map<(d0, d1) -> (0, 0, 0)>
module attributes {stable_mosaic.version = 14 : i64} {
  func.func @seg(%arg0: i32, %arg1: i32, %arg2: memref<10000x128xf32, #tpu.memory_space<hbm>>, %arg3: memref<2560x128xi32, #tpu.memory_space<hbm>>, %arg4: memref<2560x128xi32, #tpu.memory_space<hbm>>, %arg5: memref<2x10112x128xf32, #tpu.memory_space<hbm>>, %arg6: memref<10112x128xf32, #tpu.memory_space<vmem_shared>>, %arg7: memref<128x128xf32, #tpu.memory_space<vmem>>, %arg8: memref<128x128xf32, #tpu.memory_space<vmem>>, %arg9: memref<8x128xi32, #tpu.memory_space<vmem>>, %arg10: memref<!tpu.dma_semaphore, #tpu.memory_space<semaphore_mem>>, %arg11: memref<!tpu.dma_semaphore, #tpu.memory_space<semaphore_mem>>, %arg12: memref<8x128xi32, #tpu.memory_space<vmem>>) attributes {dimension_semantics = [#tpu.dimension_semantics<core_parallel>, #tpu.dimension_semantics<subcore_parallel>], iteration_bounds = array<i64: 2, 16>, scalar_prefetch = 0 : i64, scratch_operands = 7 : i64, tpu.core_type = #tpu.core_type<sc_vector_subcore>, window_params = [{transform_indices = #map}, {transform_indices = #map}, {transform_indices = #map}, {transform_indices = #map1}]} {
    %eq3A = arith.constant 0 : i32
    %eq3A_0 = arith.cmpi eq, %arg0, %eq3A : i32
    %mul3A = arith.constant 112 : i32
    %mul3A_1 = arith.muli %arg1, %mul3A : i32
    %mul3A_2 = arith.constant 48 : i32
    %mul3A_3 = arith.muli %arg1, %mul3A_2 : i32
    %add3A = arith.constant 1792 : i32
    %add3A_4 = arith.addi %add3A, %mul3A_3 : i32
    %select_n3A = arith.select %eq3A_0, %mul3A_1, %add3A_4 : i32
    %eq3A_5 = arith.constant 0 : i32
    %eq3A_6 = arith.cmpi eq, %arg0, %eq3A_5 : i32
    %jit3A = arith.constant 14 : i32
    %jit3A_7 = arith.constant 6 : i32
    %select_n3A_8 = arith.select %eq3A_6, %jit3A, %jit3A_7 : i32
    %broadcast_in_dim3A = arith.constant 0.000000e+00 : f32
    %broadcast_in_dim3A_9 = vector.broadcast %broadcast_in_dim3A : f32 to vector<16xf32>
    %scan3A = arith.constant 0 : i32
    %scan3A_10 = arith.constant 0 : i32
    %scan3A_11 = arith.constant 128 : i32
    %scan3A_12 = arith.addi %scan3A_10, %scan3A_11 : i32
    %scan3A_13 = arith.constant 1 : i32
    scf.for %scan3A_35 = %scan3A_10 to %scan3A_12 step %scan3A_13  : i32 {
      %scan3A_36 = arith.constant 0 : i32
      %scan3A_37 = arith.constant 8 : i32
      %scan3A_38 = arith.addi %scan3A_36, %scan3A_37 : i32
      %scan3A_39 = arith.constant 1 : i32
      scf.for %scan3A_41 = %scan3A_36 to %scan3A_38 step %scan3A_39  : i32 {
        %mul3A_42 = arith.constant 16 : i32
        %mul3A_43 = arith.muli %scan3A_41, %mul3A_42 : i32
        %swap3A = arith.index_cast %scan3A_35 : i32 to index
        %swap3A_44 = arith.index_cast %mul3A_43 : i32 to index
        %swap3A_45 = tpu.vector_load %arg7[%swap3A, %swap3A_44] {strides = array<i32>} : memref<128x128xf32, #tpu.memory_space<vmem>>, vector<1x16xf32>,
        %swap3A_46 = vector.shape_cast %swap3A_45 : vector<1x16xf32> to vector<16xf32>
        %swap3A_47 = vector.shape_cast %broadcast_in_dim3A_9 : vector<16xf32> to vector<1x16xf32>
        tpu.vector_store %arg7[%swap3A, %swap3A_44], %swap3A_47 {strides = array<i32>} : memref<128x128xf32, #tpu.memory_space<vmem>>, vector<1x16xf32>,
      }
      %scan3A_40 = arith.constant 8 : i32
    }
    %scan3A_14 = arith.constant 128 : i32
    %mul3A_15 = arith.constant 632 : i32
    %mul3A_16 = arith.muli %arg1, %mul3A_15 : i32
    %scan3A_17 = arith.constant 0 : i32
    %scan3A_18 = arith.constant 0 : i32
    %scan3A_19 = arith.constant 4 : i32
    %scan3A_20 = arith.addi %scan3A_18, %scan3A_19 : i32
    %scan3A_21 = arith.constant 1 : i32
    scf.for %scan3A_35 = %scan3A_18 to %scan3A_20 step %scan3A_21  : i32 {
      %mul3A_36 = arith.constant 128 : i32
      %mul3A_37 = arith.muli %scan3A_35, %mul3A_36 : i32
      %add3A_38 = arith.addi %mul3A_16, %mul3A_37 : i32
      "tpu.region"() ({
        %run_scoped3A = tpu.sem_alloc : memref<!tpu.dma_semaphore, #tpu.memory_space<semaphore_mem>>
        %dma_start3A = arith.constant 0 : i32
        %dma_start3A_39 = tpu.memref_slice %arg6[%add3A_38, %dma_start3A] : memref<10112x128xf32, #tpu.memory_space<vmem_shared>> -> memref<128x128xf32, #tpu.memory_space<vmem_shared>>
        %dma_start3A_40 = arith.constant 0 : i32
        %dma_start3A_41 = tpu.memref_slice %arg6[%add3A_38, %dma_start3A_40] : memref<10112x128xf32, #tpu.memory_space<vmem_shared>> -> memref<128x128xf32, #tpu.memory_space<vmem_shared>>
        tpu.enqueue_dma source(%arg7 : memref<128x128xf32, #tpu.memory_space<vmem>>) target(%dma_start3A_41 : memref<128x128xf32, #tpu.memory_space<vmem_shared>>) target_semaphore(%run_scoped3A : memref<!tpu.dma_semaphore, #tpu.memory_space<semaphore_mem>>)
        %dma_wait3A = arith.constant 0 : i32
        %dma_wait3A_42 = tpu.memref_slice %arg6[%add3A_38, %dma_wait3A] : memref<10112x128xf32, #tpu.memory_space<vmem_shared>> -> memref<128x128xf32, #tpu.memory_space<vmem_shared>>
        %dma_wait3A_43 = arith.constant 0 : i32
        %dma_wait3A_44 = tpu.memref_slice %arg6[%add3A_38, %dma_wait3A_43] : memref<10112x128xf32, #tpu.memory_space<vmem_shared>> -> memref<128x128xf32, #tpu.memory_space<vmem_shared>>
        tpu.wait_dma2 semaphore(%run_scoped3A : memref<!tpu.dma_semaphore, #tpu.memory_space<semaphore_mem>>) src(%arg7 : memref<128x128xf32, #tpu.memory_space<vmem>>) dst(%dma_wait3A_44 : memref<128x128xf32, #tpu.memory_space<vmem_shared>>)
        tpu.yield
      }) : () -> ()
    }
    %scan3A_22 = arith.constant 4 : i32
    %add3A_23 = arith.constant 512 : i32
    %add3A_24 = arith.addi %mul3A_16, %add3A_23 : i32
    "tpu.region"() ({
      %run_scoped3A = tpu.sem_alloc : memref<!tpu.dma_semaphore, #tpu.memory_space<semaphore_mem>>
      %dma_start3A = arith.constant 0 : i32
      %dma_start3A_35 = arith.constant 0 : i32
      %dma_start3A_36 = tpu.memref_slice %arg7[%dma_start3A, %dma_start3A_35] : memref<128x128xf32, #tpu.memory_space<vmem>> -> memref<120x128xf32, #tpu.memory_space<vmem>>
      %dma_start3A_37 = arith.constant 0 : i32
      %dma_start3A_38 = tpu.memref_slice %arg6[%add3A_24, %dma_start3A_37] : memref<10112x128xf32, #tpu.memory_space<vmem_shared>> -> memref<120x128xf32, #tpu.memory_space<vmem_shared>>
      %dma_start3A_39 = arith.constant 0 : i32
      %dma_start3A_40 = tpu.memref_slice %arg6[%add3A_24, %dma_start3A_39] : memref<10112x128xf32, #tpu.memory_space<vmem_shared>> -> memref<120x128xf32, #tpu.memory_space<vmem_shared>>
      %dma_start3A_41 = arith.constant 0 : i32
      %dma_start3A_42 = arith.constant 0 : i32
      %dma_start3A_43 = tpu.memref_slice %arg7[%dma_start3A_41, %dma_start3A_42] : memref<128x128xf32, #tpu.memory_space<vmem>> -> memref<120x128xf32, #tpu.memory_space<vmem>>
      tpu.enqueue_dma source(%dma_start3A_43 : memref<120x128xf32, #tpu.memory_space<vmem>>) target(%dma_start3A_40 : memref<120x128xf32, #tpu.memory_space<vmem_shared>>) target_semaphore(%run_scoped3A : memref<!tpu.dma_semaphore, #tpu.memory_space<semaphore_mem>>)
      %dma_wait3A = arith.constant 0 : i32
      %dma_wait3A_44 = arith.constant 0 : i32
      %dma_wait3A_45 = tpu.memref_slice %arg7[%dma_wait3A, %dma_wait3A_44] : memref<128x128xf32, #tpu.memory_space<vmem>> -> memref<120x128xf32, #tpu.memory_space<vmem>>
      %dma_wait3A_46 = arith.constant 0 : i32
      %dma_wait3A_47 = tpu.memref_slice %arg6[%add3A_24, %dma_wait3A_46] : memref<10112x128xf32, #tpu.memory_space<vmem_shared>> -> memref<120x128xf32, #tpu.memory_space<vmem_shared>>
      %dma_wait3A_48 = arith.constant 0 : i32
      %dma_wait3A_49 = tpu.memref_slice %arg6[%add3A_24, %dma_wait3A_48] : memref<10112x128xf32, #tpu.memory_space<vmem_shared>> -> memref<120x128xf32, #tpu.memory_space<vmem_shared>>
      %dma_wait3A_50 = arith.constant 0 : i32
      %dma_wait3A_51 = arith.constant 0 : i32
      %dma_wait3A_52 = tpu.memref_slice %arg7[%dma_wait3A_50, %dma_wait3A_51] : memref<128x128xf32, #tpu.memory_space<vmem>> -> memref<120x128xf32, #tpu.memory_space<vmem>>
      tpu.wait_dma2 semaphore(%run_scoped3A : memref<!tpu.dma_semaphore, #tpu.memory_space<semaphore_mem>>) src(%dma_wait3A_52 : memref<120x128xf32, #tpu.memory_space<vmem>>) dst(%dma_wait3A_49 : memref<120x128xf32, #tpu.memory_space<vmem_shared>>)
      tpu.yield
    }) : () -> ()
    %barrier3A = arith.constant 0 : index
    tpu.barrier barrier_id(%barrier3A)
    %while3A = arith.constant 0 : i32
    %while3A_25 = arith.constant 0 : i32
    %while3A_26 = arith.subi %select_n3A_8, %while3A_25 : i32
    %while3A_27 = arith.addi %while3A_25, %while3A_26 : i32
    %while3A_28 = arith.constant 1 : i32
    %while3A_29 = arith.divsi %while3A_26, %while3A_28 : i32
    %while3A_30 = arith.muli %while3A_29, %while3A_28 : i32
    %while3A_31 = arith.addi %while3A_25, %while3A_30 : i32
    %while3A_32 = arith.constant 1 : i32
    scf.for %while3A_35 = %while3A_25 to %while3A_31 step %while3A_32  : i32 {
      %mul3A_36 = arith.constant 8 : i32
      %mul3A_37 = arith.muli %while3A_35, %mul3A_36 : i32
      %add3A_38 = arith.addi %select_n3A, %mul3A_37 : i32
      "tpu.region"() ({
        %run_scoped3A_156 = tpu.sem_alloc : memref<!tpu.dma_semaphore, #tpu.memory_space<semaphore_mem>>
        %dma_start3A_157 = arith.constant 0 : i32
        %dma_start3A_158 = tpu.memref_slice %arg3[%add3A_38, %dma_start3A_157] : memref<2560x128xi32, #tpu.memory_space<hbm>> -> memref<8x128xi32, #tpu.memory_space<hbm>>
        %dma_start3A_159 = arith.constant 0 : i32
        %dma_start3A_160 = tpu.memref_slice %arg3[%add3A_38, %dma_start3A_159] : memref<2560x128xi32, #tpu.memory_space<hbm>> -> memref<8x128xi32, #tpu.memory_space<hbm>>
        tpu.enqueue_dma source(%dma_start3A_160 : memref<8x128xi32, #tpu.memory_space<hbm>>) target(%arg12 : memref<8x128xi32, #tpu.memory_space<vmem>>) target_semaphore(%run_scoped3A_156 : memref<!tpu.dma_semaphore, #tpu.memory_space<semaphore_mem>>)
        %dma_wait3A_161 = arith.constant 0 : i32
        %dma_wait3A_162 = tpu.memref_slice %arg3[%add3A_38, %dma_wait3A_161] : memref<2560x128xi32, #tpu.memory_space<hbm>> -> memref<8x128xi32, #tpu.memory_space<hbm>>
        %dma_wait3A_163 = arith.constant 0 : i32
        %dma_wait3A_164 = tpu.memref_slice %arg3[%add3A_38, %dma_wait3A_163] : memref<2560x128xi32, #tpu.memory_space<hbm>> -> memref<8x128xi32, #tpu.memory_space<hbm>>
        tpu.wait_dma2 semaphore(%run_scoped3A_156 : memref<!tpu.dma_semaphore, #tpu.memory_space<semaphore_mem>>) src(%dma_wait3A_164 : memref<8x128xi32, #tpu.memory_space<hbm>>) dst(%arg12 : memref<8x128xi32, #tpu.memory_space<vmem>>)
        tpu.yield
      }) : () -> ()
      "tpu.region"() ({
        %run_scoped3A_156 = tpu.sem_alloc : memref<!tpu.dma_semaphore, #tpu.memory_space<semaphore_mem>>
        %dma_start3A_157 = arith.constant 0 : i32
        %dma_start3A_158 = tpu.memref_slice %arg4[%add3A_38, %dma_start3A_157] : memref<2560x128xi32, #tpu.memory_space<hbm>> -> memref<8x128xi32, #tpu.memory_space<hbm>>
        %dma_start3A_159 = arith.constant 0 : i32
        %dma_start3A_160 = tpu.memref_slice %arg4[%add3A_38, %dma_start3A_159] : memref<2560x128xi32, #tpu.memory_space<hbm>> -> memref<8x128xi32, #tpu.memory_space<hbm>>
        tpu.enqueue_dma source(%dma_start3A_160 : memref<8x128xi32, #tpu.memory_space<hbm>>) target(%arg9 : memref<8x128xi32, #tpu.memory_space<vmem>>) target_semaphore(%run_scoped3A_156 : memref<!tpu.dma_semaphore, #tpu.memory_space<semaphore_mem>>)
        %dma_wait3A_161 = arith.constant 0 : i32
        %dma_wait3A_162 = tpu.memref_slice %arg4[%add3A_38, %dma_wait3A_161] : memref<2560x128xi32, #tpu.memory_space<hbm>> -> memref<8x128xi32, #tpu.memory_space<hbm>>
        %dma_wait3A_163 = arith.constant 0 : i32
        %dma_wait3A_164 = tpu.memref_slice %arg4[%add3A_38, %dma_wait3A_163] : memref<2560x128xi32, #tpu.memory_space<hbm>> -> memref<8x128xi32, #tpu.memory_space<hbm>>
        tpu.wait_dma2 semaphore(%run_scoped3A_156 : memref<!tpu.dma_semaphore, #tpu.memory_space<semaphore_mem>>) src(%dma_wait3A_164 : memref<8x128xi32, #tpu.memory_space<hbm>>) dst(%arg9 : memref<8x128xi32, #tpu.memory_space<vmem>>)
        tpu.yield
      }) : () -> ()
      %dma_start3A = arith.constant 0 : i32
      %dma_start3A_39 = arith.constant 0 : i32
      %dma_start3A_40 = tpu.memref_slice %arg12[%dma_start3A, %dma_start3A_39] : memref<8x128xi32, #tpu.memory_space<vmem>> -> memref<1x128xi32, #tpu.memory_space<vmem>>
      %dma_start3A_41 = tpu.memref_squeeze %dma_start3A_40 : memref<1x128xi32, #tpu.memory_space<vmem>> -> memref<128xi32, #tpu.memory_space<vmem>>
      %dma_start3A_42 = arith.constant 0 : i32
      %dma_start3A_43 = arith.constant 0 : i32
      %dma_start3A_44 = tpu.memref_slice %arg2[%dma_start3A_42, %dma_start3A_43] : memref<10000x128xf32, #tpu.memory_space<hbm>> -> memref<10000x128xf32, #tpu.memory_space<hbm>>
      tpu.enqueue_indirect_dma source(%dma_start3A_44 : memref<10000x128xf32, #tpu.memory_space<hbm>>) target(%arg7 : memref<128x128xf32, #tpu.memory_space<vmem>>) offsets(%dma_start3A_41 : memref<128xi32, #tpu.memory_space<vmem>>) semaphore(%arg10 : memref<!tpu.dma_semaphore, #tpu.memory_space<semaphore_mem>>)
      %dma_start3A_45 = arith.constant 1 : i32
      %dma_start3A_46 = arith.constant 0 : i32
      %dma_start3A_47 = tpu.memref_slice %arg12[%dma_start3A_45, %dma_start3A_46] : memref<8x128xi32, #tpu.memory_space<vmem>> -> memref<1x128xi32, #tpu.memory_space<vmem>>
      %dma_start3A_48 = tpu.memref_squeeze %dma_start3A_47 : memref<1x128xi32, #tpu.memory_space<vmem>> -> memref<128xi32, #tpu.memory_space<vmem>>
      %dma_start3A_49 = arith.constant 0 : i32
      %dma_start3A_50 = arith.constant 0 : i32
      %dma_start3A_51 = tpu.memref_slice %arg2[%dma_start3A_49, %dma_start3A_50] : memref<10000x128xf32, #tpu.memory_space<hbm>> -> memref<10000x128xf32, #tpu.memory_space<hbm>>
      tpu.enqueue_indirect_dma source(%dma_start3A_51 : memref<10000x128xf32, #tpu.memory_space<hbm>>) target(%arg8 : memref<128x128xf32, #tpu.memory_space<vmem>>) offsets(%dma_start3A_48 : memref<128xi32, #tpu.memory_space<vmem>>) semaphore(%arg11 : memref<!tpu.dma_semaphore, #tpu.memory_space<semaphore_mem>>)
      %dma_wait3A = arith.constant 0 : i32
      %dma_wait3A_52 = arith.constant 0 : i32
      %dma_wait3A_53 = tpu.memref_slice %arg12[%dma_wait3A, %dma_wait3A_52] : memref<8x128xi32, #tpu.memory_space<vmem>> -> memref<1x128xi32, #tpu.memory_space<vmem>>
      %dma_wait3A_54 = tpu.memref_squeeze %dma_wait3A_53 : memref<1x128xi32, #tpu.memory_space<vmem>> -> memref<128xi32, #tpu.memory_space<vmem>>
      %dma_wait3A_55 = arith.constant 0 : i32
      %dma_wait3A_56 = arith.constant 0 : i32
      %dma_wait3A_57 = tpu.memref_slice %arg2[%dma_wait3A_55, %dma_wait3A_56] : memref<10000x128xf32, #tpu.memory_space<hbm>> -> memref<10000x128xf32, #tpu.memory_space<hbm>>
      tpu.wait_indirect_dma semaphore(%arg10 : memref<!tpu.dma_semaphore, #tpu.memory_space<semaphore_mem>>) src(%dma_wait3A_57 : memref<10000x128xf32, #tpu.memory_space<hbm>>) dst(%arg7 : memref<128x128xf32, #tpu.memory_space<vmem>>)
      %run_scoped3A = arith.constant 0 : i32
      "tpu.region"() ({
        %run_scoped3A_156 = tpu.sem_alloc : memref<!tpu.dma_semaphore, #tpu.memory_space<semaphore_mem>>
        %dma_start3A_157 = arith.constant 0 : i32
        %dma_start3A_158 = tpu.memref_slice %arg9[%run_scoped3A, %dma_start3A_157] : memref<8x128xi32, #tpu.memory_space<vmem>> -> memref<1x128xi32, #tpu.memory_space<vmem>>
        %dma_start3A_159 = tpu.memref_squeeze %dma_start3A_158 : memref<1x128xi32, #tpu.memory_space<vmem>> -> memref<128xi32, #tpu.memory_space<vmem>>
        %dma_start3A_160 = arith.constant 0 : i32
        %dma_start3A_161 = arith.constant 0 : i32
        %dma_start3A_162 = tpu.memref_slice %arg6[%dma_start3A_160, %dma_start3A_161] : memref<10112x128xf32, #tpu.memory_space<vmem_shared>> -> memref<10112x128xf32, #tpu.memory_space<vmem_shared>>
        tpu.enqueue_indirect_dma source(%arg7 : memref<128x128xf32, #tpu.memory_space<vmem>>) target(%dma_start3A_162 : memref<10112x128xf32, #tpu.memory_space<vmem_shared>>) offsets(%dma_start3A_159 : memref<128xi32, #tpu.memory_space<vmem>>) semaphore(%run_scoped3A_156 : memref<!tpu.dma_semaphore, #tpu.memory_space<semaphore_mem>>) {add = true}
        %dma_wait3A_163 = arith.constant 0 : i32
        %dma_wait3A_164 = tpu.memref_slice %arg9[%run_scoped3A, %dma_wait3A_163] : memref<8x128xi32, #tpu.memory_space<vmem>> -> memref<1x128xi32, #tpu.memory_space<vmem>>
        %dma_wait3A_165 = tpu.memref_squeeze %dma_wait3A_164 : memref<1x128xi32, #tpu.memory_space<vmem>> -> memref<128xi32, #tpu.memory_space<vmem>>
        %dma_wait3A_166 = arith.constant 0 : i32
        %dma_wait3A_167 = arith.constant 0 : i32
        %dma_wait3A_168 = tpu.memref_slice %arg6[%dma_wait3A_166, %dma_wait3A_167] : memref<10112x128xf32, #tpu.memory_space<vmem_shared>> -> memref<10112x128xf32, #tpu.memory_space<vmem_shared>>
        tpu.wait_indirect_dma semaphore(%run_scoped3A_156 : memref<!tpu.dma_semaphore, #tpu.memory_space<semaphore_mem>>) src(%arg7 : memref<128x128xf32, #tpu.memory_space<vmem>>) dst(%dma_wait3A_168 : memref<10112x128xf32, #tpu.memory_space<vmem_shared>>)
        tpu.yield
      }) : () -> ()
      %dma_start3A_58 = arith.constant 2 : i32
      %dma_start3A_59 = arith.constant 0 : i32
      %dma_start3A_60 = tpu.memref_slice %arg12[%dma_start3A_58, %dma_start3A_59] : memref<8x128xi32, #tpu.memory_space<vmem>> -> memref<1x128xi32, #tpu.memory_space<vmem>>
      %dma_start3A_61 = tpu.memref_squeeze %dma_start3A_60 : memref<1x128xi32, #tpu.memory_space<vmem>> -> memref<128xi32, #tpu.memory_space<vmem>>
      %dma_start3A_62 = arith.constant 0 : i32
      %dma_start3A_63 = arith.constant 0 : i32
      %dma_start3A_64 = tpu.memref_slice %arg2[%dma_start3A_62, %dma_start3A_63] : memref<10000x128xf32, #tpu.memory_space<hbm>> -> memref<10000x128xf32, #tpu.memory_space<hbm>>
      tpu.enqueue_indirect_dma source(%dma_start3A_64 : memref<10000x128xf32, #tpu.memory_space<hbm>>) target(%arg7 : memref<128x128xf32, #tpu.memory_space<vmem>>) offsets(%dma_start3A_61 : memref<128xi32, #tpu.memory_space<vmem>>) semaphore(%arg10 : memref<!tpu.dma_semaphore, #tpu.memory_space<semaphore_mem>>)
      %dma_wait3A_65 = arith.constant 1 : i32
      %dma_wait3A_66 = arith.constant 0 : i32
      %dma_wait3A_67 = tpu.memref_slice %arg12[%dma_wait3A_65, %dma_wait3A_66] : memref<8x128xi32, #tpu.memory_space<vmem>> -> memref<1x128xi32, #tpu.memory_space<vmem>>
      %dma_wait3A_68 = tpu.memref_squeeze %dma_wait3A_67 : memref<1x128xi32, #tpu.memory_space<vmem>> -> memref<128xi32, #tpu.memory_space<vmem>>
      %dma_wait3A_69 = arith.constant 0 : i32
      %dma_wait3A_70 = arith.constant 0 : i32
      %dma_wait3A_71 = tpu.memref_slice %arg2[%dma_wait3A_69, %dma_wait3A_70] : memref<10000x128xf32, #tpu.memory_space<hbm>> -> memref<10000x128xf32, #tpu.memory_space<hbm>>
      tpu.wait_indirect_dma semaphore(%arg11 : memref<!tpu.dma_semaphore, #tpu.memory_space<semaphore_mem>>) src(%dma_wait3A_71 : memref<10000x128xf32, #tpu.memory_space<hbm>>) dst(%arg8 : memref<128x128xf32, #tpu.memory_space<vmem>>)
      %run_scoped3A_72 = arith.constant 1 : i32
      "tpu.region"() ({
        %run_scoped3A_156 = tpu.sem_alloc : memref<!tpu.dma_semaphore, #tpu.memory_space<semaphore_mem>>
        %dma_start3A_157 = arith.constant 0 : i32
        %dma_start3A_158 = tpu.memref_slice %arg9[%run_scoped3A_72, %dma_start3A_157] : memref<8x128xi32, #tpu.memory_space<vmem>> -> memref<1x128xi32, #tpu.memory_space<vmem>>
        %dma_start3A_159 = tpu.memref_squeeze %dma_start3A_158 : memref<1x128xi32, #tpu.memory_space<vmem>> -> memref<128xi32, #tpu.memory_space<vmem>>
        %dma_start3A_160 = arith.constant 0 : i32
        %dma_start3A_161 = arith.constant 0 : i32
        %dma_start3A_162 = tpu.memref_slice %arg6[%dma_start3A_160, %dma_start3A_161] : memref<10112x128xf32, #tpu.memory_space<vmem_shared>> -> memref<10112x128xf32, #tpu.memory_space<vmem_shared>>
        tpu.enqueue_indirect_dma source(%arg8 : memref<128x128xf32, #tpu.memory_space<vmem>>) target(%dma_start3A_162 : memref<10112x128xf32, #tpu.memory_space<vmem_shared>>) offsets(%dma_start3A_159 : memref<128xi32, #tpu.memory_space<vmem>>) semaphore(%run_scoped3A_156 : memref<!tpu.dma_semaphore, #tpu.memory_space<semaphore_mem>>) {add = true}
        %dma_wait3A_163 = arith.constant 0 : i32
        %dma_wait3A_164 = tpu.memref_slice %arg9[%run_scoped3A_72, %dma_wait3A_163] : memref<8x128xi32, #tpu.memory_space<vmem>> -> memref<1x128xi32, #tpu.memory_space<vmem>>
        %dma_wait3A_165 = tpu.memref_squeeze %dma_wait3A_164 : memref<1x128xi32, #tpu.memory_space<vmem>> -> memref<128xi32, #tpu.memory_space<vmem>>
        %dma_wait3A_166 = arith.constant 0 : i32
        %dma_wait3A_167 = arith.constant 0 : i32
        %dma_wait3A_168 = tpu.memref_slice %arg6[%dma_wait3A_166, %dma_wait3A_167] : memref<10112x128xf32, #tpu.memory_space<vmem_shared>> -> memref<10112x128xf32, #tpu.memory_space<vmem_shared>>
        tpu.wait_indirect_dma semaphore(%run_scoped3A_156 : memref<!tpu.dma_semaphore, #tpu.memory_space<semaphore_mem>>) src(%arg8 : memref<128x128xf32, #tpu.memory_space<vmem>>) dst(%dma_wait3A_168 : memref<10112x128xf32, #tpu.memory_space<vmem_shared>>)
        tpu.yield
      }) : () -> ()
      %dma_start3A_73 = arith.constant 3 : i32
      %dma_start3A_74 = arith.constant 0 : i32
      %dma_start3A_75 = tpu.memref_slice %arg12[%dma_start3A_73, %dma_start3A_74] : memref<8x128xi32, #tpu.memory_space<vmem>> -> memref<1x128xi32, #tpu.memory_space<vmem>>
      %dma_start3A_76 = tpu.memref_squeeze %dma_start3A_75 : memref<1x128xi32, #tpu.memory_space<vmem>> -> memref<128xi32, #tpu.memory_space<vmem>>
      %dma_start3A_77 = arith.constant 0 : i32
      %dma_start3A_78 = arith.constant 0 : i32
      %dma_start3A_79 = tpu.memref_slice %arg2[%dma_start3A_77, %dma_start3A_78] : memref<10000x128xf32, #tpu.memory_space<hbm>> -> memref<10000x128xf32, #tpu.memory_space<hbm>>
      tpu.enqueue_indirect_dma source(%dma_start3A_79 : memref<10000x128xf32, #tpu.memory_space<hbm>>) target(%arg8 : memref<128x128xf32, #tpu.memory_space<vmem>>) offsets(%dma_start3A_76 : memref<128xi32, #tpu.memory_space<vmem>>) semaphore(%arg11 : memref<!tpu.dma_semaphore, #tpu.memory_space<semaphore_mem>>)
      %dma_wait3A_80 = arith.constant 2 : i32
      %dma_wait3A_81 = arith.constant 0 : i32
      %dma_wait3A_82 = tpu.memref_slice %arg12[%dma_wait3A_80, %dma_wait3A_81] : memref<8x128xi32, #tpu.memory_space<vmem>> -> memref<1x128xi32, #tpu.memory_space<vmem>>
      %dma_wait3A_83 = tpu.memref_squeeze %dma_wait3A_82 : memref<1x128xi32, #tpu.memory_space<vmem>> -> memref<128xi32, #tpu.memory_space<vmem>>
      %dma_wait3A_84 = arith.constant 0 : i32
      %dma_wait3A_85 = arith.constant 0 : i32
      %dma_wait3A_86 = tpu.memref_slice %arg2[%dma_wait3A_84, %dma_wait3A_85] : memref<10000x128xf32, #tpu.memory_space<hbm>> -> memref<10000x128xf32, #tpu.memory_space<hbm>>
      tpu.wait_indirect_dma semaphore(%arg10 : memref<!tpu.dma_semaphore, #tpu.memory_space<semaphore_mem>>) src(%dma_wait3A_86 : memref<10000x128xf32, #tpu.memory_space<hbm>>) dst(%arg7 : memref<128x128xf32, #tpu.memory_space<vmem>>)
      %run_scoped3A_87 = arith.constant 2 : i32
      "tpu.region"() ({
        %run_scoped3A_156 = tpu.sem_alloc : memref<!tpu.dma_semaphore, #tpu.memory_space<semaphore_mem>>
        %dma_start3A_157 = arith.constant 0 : i32
        %dma_start3A_158 = tpu.memref_slice %arg9[%run_scoped3A_87, %dma_start3A_157] : memref<8x128xi32, #tpu.memory_space<vmem>> -> memref<1x128xi32, #tpu.memory_space<vmem>>
        %dma_start3A_159 = tpu.memref_squeeze %dma_start3A_158 : memref<1x128xi32, #tpu.memory_space<vmem>> -> memref<128xi32, #tpu.memory_space<vmem>>
        %dma_start3A_160 = arith.constant 0 : i32
        %dma_start3A_161 = arith.constant 0 : i32
        %dma_start3A_162 = tpu.memref_slice %arg6[%dma_start3A_160, %dma_start3A_161] : memref<10112x128xf32, #tpu.memory_space<vmem_shared>> -> memref<10112x128xf32, #tpu.memory_space<vmem_shared>>
        tpu.enqueue_indirect_dma source(%arg7 : memref<128x128xf32, #tpu.memory_space<vmem>>) target(%dma_start3A_162 : memref<10112x128xf32, #tpu.memory_space<vmem_shared>>) offsets(%dma_start3A_159 : memref<128xi32, #tpu.memory_space<vmem>>) semaphore(%run_scoped3A_156 : memref<!tpu.dma_semaphore, #tpu.memory_space<semaphore_mem>>) {add = true}
        %dma_wait3A_163 = arith.constant 0 : i32
        %dma_wait3A_164 = tpu.memref_slice %arg9[%run_scoped3A_87, %dma_wait3A_163] : memref<8x128xi32, #tpu.memory_space<vmem>> -> memref<1x128xi32, #tpu.memory_space<vmem>>
        %dma_wait3A_165 = tpu.memref_squeeze %dma_wait3A_164 : memref<1x128xi32, #tpu.memory_space<vmem>> -> memref<128xi32, #tpu.memory_space<vmem>>
        %dma_wait3A_166 = arith.constant 0 : i32
        %dma_wait3A_167 = arith.constant 0 : i32
        %dma_wait3A_168 = tpu.memref_slice %arg6[%dma_wait3A_166, %dma_wait3A_167] : memref<10112x128xf32, #tpu.memory_space<vmem_shared>> -> memref<10112x128xf32, #tpu.memory_space<vmem_shared>>
        tpu.wait_indirect_dma semaphore(%run_scoped3A_156 : memref<!tpu.dma_semaphore, #tpu.memory_space<semaphore_mem>>) src(%arg7 : memref<128x128xf32, #tpu.memory_space<vmem>>) dst(%dma_wait3A_168 : memref<10112x128xf32, #tpu.memory_space<vmem_shared>>)
        tpu.yield
      }) : () -> ()
      %dma_start3A_88 = arith.constant 4 : i32
      %dma_start3A_89 = arith.constant 0 : i32
      %dma_start3A_90 = tpu.memref_slice %arg12[%dma_start3A_88, %dma_start3A_89] : memref<8x128xi32, #tpu.memory_space<vmem>> -> memref<1x128xi32, #tpu.memory_space<vmem>>
      %dma_start3A_91 = tpu.memref_squeeze %dma_start3A_90 : memref<1x128xi32, #tpu.memory_space<vmem>> -> memref<128xi32, #tpu.memory_space<vmem>>
      %dma_start3A_92 = arith.constant 0 : i32
      %dma_start3A_93 = arith.constant 0 : i32
      %dma_start3A_94 = tpu.memref_slice %arg2[%dma_start3A_92, %dma_start3A_93] : memref<10000x128xf32, #tpu.memory_space<hbm>> -> memref<10000x128xf32, #tpu.memory_space<hbm>>
      tpu.enqueue_indirect_dma source(%dma_start3A_94 : memref<10000x128xf32, #tpu.memory_space<hbm>>) target(%arg7 : memref<128x128xf32, #tpu.memory_space<vmem>>) offsets(%dma_start3A_91 : memref<128xi32, #tpu.memory_space<vmem>>) semaphore(%arg10 : memref<!tpu.dma_semaphore, #tpu.memory_space<semaphore_mem>>)
      %dma_wait3A_95 = arith.constant 3 : i32
      %dma_wait3A_96 = arith.constant 0 : i32
      %dma_wait3A_97 = tpu.memref_slice %arg12[%dma_wait3A_95, %dma_wait3A_96] : memref<8x128xi32, #tpu.memory_space<vmem>> -> memref<1x128xi32, #tpu.memory_space<vmem>>
      %dma_wait3A_98 = tpu.memref_squeeze %dma_wait3A_97 : memref<1x128xi32, #tpu.memory_space<vmem>> -> memref<128xi32, #tpu.memory_space<vmem>>
      %dma_wait3A_99 = arith.constant 0 : i32
      %dma_wait3A_100 = arith.constant 0 : i32
      %dma_wait3A_101 = tpu.memref_slice %arg2[%dma_wait3A_99, %dma_wait3A_100] : memref<10000x128xf32, #tpu.memory_space<hbm>> -> memref<10000x128xf32, #tpu.memory_space<hbm>>
      tpu.wait_indirect_dma semaphore(%arg11 : memref<!tpu.dma_semaphore, #tpu.memory_space<semaphore_mem>>) src(%dma_wait3A_101 : memref<10000x128xf32, #tpu.memory_space<hbm>>) dst(%arg8 : memref<128x128xf32, #tpu.memory_space<vmem>>)
      %run_scoped3A_102 = arith.constant 3 : i32
      "tpu.region"() ({
        %run_scoped3A_156 = tpu.sem_alloc : memref<!tpu.dma_semaphore, #tpu.memory_space<semaphore_mem>>
        %dma_start3A_157 = arith.constant 0 : i32
        %dma_start3A_158 = tpu.memref_slice %arg9[%run_scoped3A_102, %dma_start3A_157] : memref<8x128xi32, #tpu.memory_space<vmem>> -> memref<1x128xi32, #tpu.memory_space<vmem>>
        %dma_start3A_159 = tpu.memref_squeeze %dma_start3A_158 : memref<1x128xi32, #tpu.memory_space<vmem>> -> memref<128xi32, #tpu.memory_space<vmem>>
        %dma_start3A_160 = arith.constant 0 : i32
        %dma_start3A_161 = arith.constant 0 : i32
        %dma_start3A_162 = tpu.memref_slice %arg6[%dma_start3A_160, %dma_start3A_161] : memref<10112x128xf32, #tpu.memory_space<vmem_shared>> -> memref<10112x128xf32, #tpu.memory_space<vmem_shared>>
        tpu.enqueue_indirect_dma source(%arg8 : memref<128x128xf32, #tpu.memory_space<vmem>>) target(%dma_start3A_162 : memref<10112x128xf32, #tpu.memory_space<vmem_shared>>) offsets(%dma_start3A_159 : memref<128xi32, #tpu.memory_space<vmem>>) semaphore(%run_scoped3A_156 : memref<!tpu.dma_semaphore, #tpu.memory_space<semaphore_mem>>) {add = true}
        %dma_wait3A_163 = arith.constant 0 : i32
        %dma_wait3A_164 = tpu.memref_slice %arg9[%run_scoped3A_102, %dma_wait3A_163] : memref<8x128xi32, #tpu.memory_space<vmem>> -> memref<1x128xi32, #tpu.memory_space<vmem>>
        %dma_wait3A_165 = tpu.memref_squeeze %dma_wait3A_164 : memref<1x128xi32, #tpu.memory_space<vmem>> -> memref<128xi32, #tpu.memory_space<vmem>>
        %dma_wait3A_166 = arith.constant 0 : i32
        %dma_wait3A_167 = arith.constant 0 : i32
        %dma_wait3A_168 = tpu.memref_slice %arg6[%dma_wait3A_166, %dma_wait3A_167] : memref<10112x128xf32, #tpu.memory_space<vmem_shared>> -> memref<10112x128xf32, #tpu.memory_space<vmem_shared>>
        tpu.wait_indirect_dma semaphore(%run_scoped3A_156 : memref<!tpu.dma_semaphore, #tpu.memory_space<semaphore_mem>>) src(%arg8 : memref<128x128xf32, #tpu.memory_space<vmem>>) dst(%dma_wait3A_168 : memref<10112x128xf32, #tpu.memory_space<vmem_shared>>)
        tpu.yield
      }) : () -> ()
      %dma_start3A_103 = arith.constant 5 : i32
      %dma_start3A_104 = arith.constant 0 : i32
      %dma_start3A_105 = tpu.memref_slice %arg12[%dma_start3A_103, %dma_start3A_104] : memref<8x128xi32, #tpu.memory_space<vmem>> -> memref<1x128xi32, #tpu.memory_space<vmem>>
      %dma_start3A_106 = tpu.memref_squeeze %dma_start3A_105 : memref<1x128xi32, #tpu.memory_space<vmem>> -> memref<128xi32, #tpu.memory_space<vmem>>
      %dma_start3A_107 = arith.constant 0 : i32
      %dma_start3A_108 = arith.constant 0 : i32
      %dma_start3A_109 = tpu.memref_slice %arg2[%dma_start3A_107, %dma_start3A_108] : memref<10000x128xf32, #tpu.memory_space<hbm>> -> memref<10000x128xf32, #tpu.memory_space<hbm>>
      tpu.enqueue_indirect_dma source(%dma_start3A_109 : memref<10000x128xf32, #tpu.memory_space<hbm>>) target(%arg8 : memref<128x128xf32, #tpu.memory_space<vmem>>) offsets(%dma_start3A_106 : memref<128xi32, #tpu.memory_space<vmem>>) semaphore(%arg11 : memref<!tpu.dma_semaphore, #tpu.memory_space<semaphore_mem>>)
      %dma_wait3A_110 = arith.constant 4 : i32
      %dma_wait3A_111 = arith.constant 0 : i32
      %dma_wait3A_112 = tpu.memref_slice %arg12[%dma_wait3A_110, %dma_wait3A_111] : memref<8x128xi32, #tpu.memory_space<vmem>> -> memref<1x128xi32, #tpu.memory_space<vmem>>
      %dma_wait3A_113 = tpu.memref_squeeze %dma_wait3A_112 : memref<1x128xi32, #tpu.memory_space<vmem>> -> memref<128xi32, #tpu.memory_space<vmem>>
      %dma_wait3A_114 = arith.constant 0 : i32
      %dma_wait3A_115 = arith.constant 0 : i32
      %dma_wait3A_116 = tpu.memref_slice %arg2[%dma_wait3A_114, %dma_wait3A_115] : memref<10000x128xf32, #tpu.memory_space<hbm>> -> memref<10000x128xf32, #tpu.memory_space<hbm>>
      tpu.wait_indirect_dma semaphore(%arg10 : memref<!tpu.dma_semaphore, #tpu.memory_space<semaphore_mem>>) src(%dma_wait3A_116 : memref<10000x128xf32, #tpu.memory_space<hbm>>) dst(%arg7 : memref<128x128xf32, #tpu.memory_space<vmem>>)
      %run_scoped3A_117 = arith.constant 4 : i32
      "tpu.region"() ({
        %run_scoped3A_156 = tpu.sem_alloc : memref<!tpu.dma_semaphore, #tpu.memory_space<semaphore_mem>>
        %dma_start3A_157 = arith.constant 0 : i32
        %dma_start3A_158 = tpu.memref_slice %arg9[%run_scoped3A_117, %dma_start3A_157] : memref<8x128xi32, #tpu.memory_space<vmem>> -> memref<1x128xi32, #tpu.memory_space<vmem>>
        %dma_start3A_159 = tpu.memref_squeeze %dma_start3A_158 : memref<1x128xi32, #tpu.memory_space<vmem>> -> memref<128xi32, #tpu.memory_space<vmem>>
        %dma_start3A_160 = arith.constant 0 : i32
        %dma_start3A_161 = arith.constant 0 : i32
        %dma_start3A_162 = tpu.memref_slice %arg6[%dma_start3A_160, %dma_start3A_161] : memref<10112x128xf32, #tpu.memory_space<vmem_shared>> -> memref<10112x128xf32, #tpu.memory_space<vmem_shared>>
        tpu.enqueue_indirect_dma source(%arg7 : memref<128x128xf32, #tpu.memory_space<vmem>>) target(%dma_start3A_162 : memref<10112x128xf32, #tpu.memory_space<vmem_shared>>) offsets(%dma_start3A_159 : memref<128xi32, #tpu.memory_space<vmem>>) semaphore(%run_scoped3A_156 : memref<!tpu.dma_semaphore, #tpu.memory_space<semaphore_mem>>) {add = true}
        %dma_wait3A_163 = arith.constant 0 : i32
        %dma_wait3A_164 = tpu.memref_slice %arg9[%run_scoped3A_117, %dma_wait3A_163] : memref<8x128xi32, #tpu.memory_space<vmem>> -> memref<1x128xi32, #tpu.memory_space<vmem>>
        %dma_wait3A_165 = tpu.memref_squeeze %dma_wait3A_164 : memref<1x128xi32, #tpu.memory_space<vmem>> -> memref<128xi32, #tpu.memory_space<vmem>>
        %dma_wait3A_166 = arith.constant 0 : i32
        %dma_wait3A_167 = arith.constant 0 : i32
        %dma_wait3A_168 = tpu.memref_slice %arg6[%dma_wait3A_166, %dma_wait3A_167] : memref<10112x128xf32, #tpu.memory_space<vmem_shared>> -> memref<10112x128xf32, #tpu.memory_space<vmem_shared>>
        tpu.wait_indirect_dma semaphore(%run_scoped3A_156 : memref<!tpu.dma_semaphore, #tpu.memory_space<semaphore_mem>>) src(%arg7 : memref<128x128xf32, #tpu.memory_space<vmem>>) dst(%dma_wait3A_168 : memref<10112x128xf32, #tpu.memory_space<vmem_shared>>)
        tpu.yield
      }) : () -> ()
      %dma_start3A_118 = arith.constant 6 : i32
      %dma_start3A_119 = arith.constant 0 : i32
      %dma_start3A_120 = tpu.memref_slice %arg12[%dma_start3A_118, %dma_start3A_119] : memref<8x128xi32, #tpu.memory_space<vmem>> -> memref<1x128xi32, #tpu.memory_space<vmem>>
      %dma_start3A_121 = tpu.memref_squeeze %dma_start3A_120 : memref<1x128xi32, #tpu.memory_space<vmem>> -> memref<128xi32, #tpu.memory_space<vmem>>
      %dma_start3A_122 = arith.constant 0 : i32
      %dma_start3A_123 = arith.constant 0 : i32
      %dma_start3A_124 = tpu.memref_slice %arg2[%dma_start3A_122, %dma_start3A_123] : memref<10000x128xf32, #tpu.memory_space<hbm>> -> memref<10000x128xf32, #tpu.memory_space<hbm>>
      tpu.enqueue_indirect_dma source(%dma_start3A_124 : memref<10000x128xf32, #tpu.memory_space<hbm>>) target(%arg7 : memref<128x128xf32, #tpu.memory_space<vmem>>) offsets(%dma_start3A_121 : memref<128xi32, #tpu.memory_space<vmem>>) semaphore(%arg10 : memref<!tpu.dma_semaphore, #tpu.memory_space<semaphore_mem>>)
      %dma_wait3A_125 = arith.constant 5 : i32
      %dma_wait3A_126 = arith.constant 0 : i32
      %dma_wait3A_127 = tpu.memref_slice %arg12[%dma_wait3A_125, %dma_wait3A_126] : memref<8x128xi32, #tpu.memory_space<vmem>> -> memref<1x128xi32, #tpu.memory_space<vmem>>
      %dma_wait3A_128 = tpu.memref_squeeze %dma_wait3A_127 : memref<1x128xi32, #tpu.memory_space<vmem>> -> memref<128xi32, #tpu.memory_space<vmem>>
      %dma_wait3A_129 = arith.constant 0 : i32
      %dma_wait3A_130 = arith.constant 0 : i32
      %dma_wait3A_131 = tpu.memref_slice %arg2[%dma_wait3A_129, %dma_wait3A_130] : memref<10000x128xf32, #tpu.memory_space<hbm>> -> memref<10000x128xf32, #tpu.memory_space<hbm>>
      tpu.wait_indirect_dma semaphore(%arg11 : memref<!tpu.dma_semaphore, #tpu.memory_space<semaphore_mem>>) src(%dma_wait3A_131 : memref<10000x128xf32, #tpu.memory_space<hbm>>) dst(%arg8 : memref<128x128xf32, #tpu.memory_space<vmem>>)
      %run_scoped3A_132 = arith.constant 5 : i32
      "tpu.region"() ({
        %run_scoped3A_156 = tpu.sem_alloc : memref<!tpu.dma_semaphore, #tpu.memory_space<semaphore_mem>>
        %dma_start3A_157 = arith.constant 0 : i32
        %dma_start3A_158 = tpu.memref_slice %arg9[%run_scoped3A_132, %dma_start3A_157] : memref<8x128xi32, #tpu.memory_space<vmem>> -> memref<1x128xi32, #tpu.memory_space<vmem>>
        %dma_start3A_159 = tpu.memref_squeeze %dma_start3A_158 : memref<1x128xi32, #tpu.memory_space<vmem>> -> memref<128xi32, #tpu.memory_space<vmem>>
        %dma_start3A_160 = arith.constant 0 : i32
        %dma_start3A_161 = arith.constant 0 : i32
        %dma_start3A_162 = tpu.memref_slice %arg6[%dma_start3A_160, %dma_start3A_161] : memref<10112x128xf32, #tpu.memory_space<vmem_shared>> -> memref<10112x128xf32, #tpu.memory_space<vmem_shared>>
        tpu.enqueue_indirect_dma source(%arg8 : memref<128x128xf32, #tpu.memory_space<vmem>>) target(%dma_start3A_162 : memref<10112x128xf32, #tpu.memory_space<vmem_shared>>) offsets(%dma_start3A_159 : memref<128xi32, #tpu.memory_space<vmem>>) semaphore(%run_scoped3A_156 : memref<!tpu.dma_semaphore, #tpu.memory_space<semaphore_mem>>) {add = true}
        %dma_wait3A_163 = arith.constant 0 : i32
        %dma_wait3A_164 = tpu.memref_slice %arg9[%run_scoped3A_132, %dma_wait3A_163] : memref<8x128xi32, #tpu.memory_space<vmem>> -> memref<1x128xi32, #tpu.memory_space<vmem>>
        %dma_wait3A_165 = tpu.memref_squeeze %dma_wait3A_164 : memref<1x128xi32, #tpu.memory_space<vmem>> -> memref<128xi32, #tpu.memory_space<vmem>>
        %dma_wait3A_166 = arith.constant 0 : i32
        %dma_wait3A_167 = arith.constant 0 : i32
        %dma_wait3A_168 = tpu.memref_slice %arg6[%dma_wait3A_166, %dma_wait3A_167] : memref<10112x128xf32, #tpu.memory_space<vmem_shared>> -> memref<10112x128xf32, #tpu.memory_space<vmem_shared>>
        tpu.wait_indirect_dma semaphore(%run_scoped3A_156 : memref<!tpu.dma_semaphore, #tpu.memory_space<semaphore_mem>>) src(%arg8 : memref<128x128xf32, #tpu.memory_space<vmem>>) dst(%dma_wait3A_168 : memref<10112x128xf32, #tpu.memory_space<vmem_shared>>)
        tpu.yield
      }) : () -> ()
      %dma_start3A_133 = arith.constant 7 : i32
      %dma_start3A_134 = arith.constant 0 : i32
      %dma_start3A_135 = tpu.memref_slice %arg12[%dma_start3A_133, %dma_start3A_134] : memref<8x128xi32, #tpu.memory_space<vmem>> -> memref<1x128xi32, #tpu.memory_space<vmem>>
      %dma_start3A_136 = tpu.memref_squeeze %dma_start3A_135 : memref<1x128xi32, #tpu.memory_space<vmem>> -> memref<128xi32, #tpu.memory_space<vmem>>
      %dma_start3A_137 = arith.constant 0 : i32
      %dma_start3A_138 = arith.constant 0 : i32
      %dma_start3A_139 = tpu.memref_slice %arg2[%dma_start3A_137, %dma_start3A_138] : memref<10000x128xf32, #tpu.memory_space<hbm>> -> memref<10000x128xf32, #tpu.memory_space<hbm>>
      tpu.enqueue_indirect_dma source(%dma_start3A_139 : memref<10000x128xf32, #tpu.memory_space<hbm>>) target(%arg8 : memref<128x128xf32, #tpu.memory_space<vmem>>) offsets(%dma_start3A_136 : memref<128xi32, #tpu.memory_space<vmem>>) semaphore(%arg11 : memref<!tpu.dma_semaphore, #tpu.memory_space<semaphore_mem>>)
      %dma_wait3A_140 = arith.constant 6 : i32
      %dma_wait3A_141 = arith.constant 0 : i32
      %dma_wait3A_142 = tpu.memref_slice %arg12[%dma_wait3A_140, %dma_wait3A_141] : memref<8x128xi32, #tpu.memory_space<vmem>> -> memref<1x128xi32, #tpu.memory_space<vmem>>
      %dma_wait3A_143 = tpu.memref_squeeze %dma_wait3A_142 : memref<1x128xi32, #tpu.memory_space<vmem>> -> memref<128xi32, #tpu.memory_space<vmem>>
      %dma_wait3A_144 = arith.constant 0 : i32
      %dma_wait3A_145 = arith.constant 0 : i32
      %dma_wait3A_146 = tpu.memref_slice %arg2[%dma_wait3A_144, %dma_wait3A_145] : memref<10000x128xf32, #tpu.memory_space<hbm>> -> memref<10000x128xf32, #tpu.memory_space<hbm>>
      tpu.wait_indirect_dma semaphore(%arg10 : memref<!tpu.dma_semaphore, #tpu.memory_space<semaphore_mem>>) src(%dma_wait3A_146 : memref<10000x128xf32, #tpu.memory_space<hbm>>) dst(%arg7 : memref<128x128xf32, #tpu.memory_space<vmem>>)
      %run_scoped3A_147 = arith.constant 6 : i32
      "tpu.region"() ({
        %run_scoped3A_156 = tpu.sem_alloc : memref<!tpu.dma_semaphore, #tpu.memory_space<semaphore_mem>>
        %dma_start3A_157 = arith.constant 0 : i32
        %dma_start3A_158 = tpu.memref_slice %arg9[%run_scoped3A_147, %dma_start3A_157] : memref<8x128xi32, #tpu.memory_space<vmem>> -> memref<1x128xi32, #tpu.memory_space<vmem>>
        %dma_start3A_159 = tpu.memref_squeeze %dma_start3A_158 : memref<1x128xi32, #tpu.memory_space<vmem>> -> memref<128xi32, #tpu.memory_space<vmem>>
        %dma_start3A_160 = arith.constant 0 : i32
        %dma_start3A_161 = arith.constant 0 : i32
        %dma_start3A_162 = tpu.memref_slice %arg6[%dma_start3A_160, %dma_start3A_161] : memref<10112x128xf32, #tpu.memory_space<vmem_shared>> -> memref<10112x128xf32, #tpu.memory_space<vmem_shared>>
        tpu.enqueue_indirect_dma source(%arg7 : memref<128x128xf32, #tpu.memory_space<vmem>>) target(%dma_start3A_162 : memref<10112x128xf32, #tpu.memory_space<vmem_shared>>) offsets(%dma_start3A_159 : memref<128xi32, #tpu.memory_space<vmem>>) semaphore(%run_scoped3A_156 : memref<!tpu.dma_semaphore, #tpu.memory_space<semaphore_mem>>) {add = true}
        %dma_wait3A_163 = arith.constant 0 : i32
        %dma_wait3A_164 = tpu.memref_slice %arg9[%run_scoped3A_147, %dma_wait3A_163] : memref<8x128xi32, #tpu.memory_space<vmem>> -> memref<1x128xi32, #tpu.memory_space<vmem>>
        %dma_wait3A_165 = tpu.memref_squeeze %dma_wait3A_164 : memref<1x128xi32, #tpu.memory_space<vmem>> -> memref<128xi32, #tpu.memory_space<vmem>>
        %dma_wait3A_166 = arith.constant 0 : i32
        %dma_wait3A_167 = arith.constant 0 : i32
        %dma_wait3A_168 = tpu.memref_slice %arg6[%dma_wait3A_166, %dma_wait3A_167] : memref<10112x128xf32, #tpu.memory_space<vmem_shared>> -> memref<10112x128xf32, #tpu.memory_space<vmem_shared>>
        tpu.wait_indirect_dma semaphore(%run_scoped3A_156 : memref<!tpu.dma_semaphore, #tpu.memory_space<semaphore_mem>>) src(%arg7 : memref<128x128xf32, #tpu.memory_space<vmem>>) dst(%dma_wait3A_168 : memref<10112x128xf32, #tpu.memory_space<vmem_shared>>)
        tpu.yield
      }) : () -> ()
      %dma_wait3A_148 = arith.constant 7 : i32
      %dma_wait3A_149 = arith.constant 0 : i32
      %dma_wait3A_150 = tpu.memref_slice %arg12[%dma_wait3A_148, %dma_wait3A_149] : memref<8x128xi32, #tpu.memory_space<vmem>> -> memref<1x128xi32, #tpu.memory_space<vmem>>
      %dma_wait3A_151 = tpu.memref_squeeze %dma_wait3A_150 : memref<1x128xi32, #tpu.memory_space<vmem>> -> memref<128xi32, #tpu.memory_space<vmem>>
      %dma_wait3A_152 = arith.constant 0 : i32
      %dma_wait3A_153 = arith.constant 0 : i32
      %dma_wait3A_154 = tpu.memref_slice %arg2[%dma_wait3A_152, %dma_wait3A_153] : memref<10000x128xf32, #tpu.memory_space<hbm>> -> memref<10000x128xf32, #tpu.memory_space<hbm>>
      tpu.wait_indirect_dma semaphore(%arg11 : memref<!tpu.dma_semaphore, #tpu.memory_space<semaphore_mem>>) src(%dma_wait3A_154 : memref<10000x128xf32, #tpu.memory_space<hbm>>) dst(%arg8 : memref<128x128xf32, #tpu.memory_space<vmem>>)
      %run_scoped3A_155 = arith.constant 7 : i32
      "tpu.region"() ({
        %run_scoped3A_156 = tpu.sem_alloc : memref<!tpu.dma_semaphore, #tpu.memory_space<semaphore_mem>>
        %dma_start3A_157 = arith.constant 0 : i32
        %dma_start3A_158 = tpu.memref_slice %arg9[%run_scoped3A_155, %dma_start3A_157] : memref<8x128xi32, #tpu.memory_space<vmem>> -> memref<1x128xi32, #tpu.memory_space<vmem>>
        %dma_start3A_159 = tpu.memref_squeeze %dma_start3A_158 : memref<1x128xi32, #tpu.memory_space<vmem>> -> memref<128xi32, #tpu.memory_space<vmem>>
        %dma_start3A_160 = arith.constant 0 : i32
        %dma_start3A_161 = arith.constant 0 : i32
        %dma_start3A_162 = tpu.memref_slice %arg6[%dma_start3A_160, %dma_start3A_161] : memref<10112x128xf32, #tpu.memory_space<vmem_shared>> -> memref<10112x128xf32, #tpu.memory_space<vmem_shared>>
        tpu.enqueue_indirect_dma source(%arg8 : memref<128x128xf32, #tpu.memory_space<vmem>>) target(%dma_start3A_162 : memref<10112x128xf32, #tpu.memory_space<vmem_shared>>) offsets(%dma_start3A_159 : memref<128xi32, #tpu.memory_space<vmem>>) semaphore(%run_scoped3A_156 : memref<!tpu.dma_semaphore, #tpu.memory_space<semaphore_mem>>) {add = true}
        %dma_wait3A_163 = arith.constant 0 : i32
        %dma_wait3A_164 = tpu.memref_slice %arg9[%run_scoped3A_155, %dma_wait3A_163] : memref<8x128xi32, #tpu.memory_space<vmem>> -> memref<1x128xi32, #tpu.memory_space<vmem>>
        %dma_wait3A_165 = tpu.memref_squeeze %dma_wait3A_164 : memref<1x128xi32, #tpu.memory_space<vmem>> -> memref<128xi32, #tpu.memory_space<vmem>>
        %dma_wait3A_166 = arith.constant 0 : i32
        %dma_wait3A_167 = arith.constant 0 : i32
        %dma_wait3A_168 = tpu.memref_slice %arg6[%dma_wait3A_166, %dma_wait3A_167] : memref<10112x128xf32, #tpu.memory_space<vmem_shared>> -> memref<10112x128xf32, #tpu.memory_space<vmem_shared>>
        tpu.wait_indirect_dma semaphore(%run_scoped3A_156 : memref<!tpu.dma_semaphore, #tpu.memory_space<semaphore_mem>>) src(%arg8 : memref<128x128xf32, #tpu.memory_space<vmem>>) dst(%dma_wait3A_168 : memref<10112x128xf32, #tpu.memory_space<vmem_shared>>)
        tpu.yield
      }) : () -> ()
    }
    %while3A_33 = arith.constant 1 : i32
    scf.for %while3A_35 = %while3A_31 to %while3A_27 step %while3A_33  : i32 {
      %mul3A_36 = arith.constant 8 : i32
      %mul3A_37 = arith.muli %while3A_35, %mul3A_36 : i32
      %add3A_38 = arith.addi %select_n3A, %mul3A_37 : i32
      "tpu.region"() ({
        %run_scoped3A_156 = tpu.sem_alloc : memref<!tpu.dma_semaphore, #tpu.memory_space<semaphore_mem>>
        %dma_start3A_157 = arith.constant 0 : i32
        %dma_start3A_158 = tpu.memref_slice %arg3[%add3A_38, %dma_start3A_157] : memref<2560x128xi32, #tpu.memory_space<hbm>> -> memref<8x128xi32, #tpu.memory_space<hbm>>
        %dma_start3A_159 = arith.constant 0 : i32
        %dma_start3A_160 = tpu.memref_slice %arg3[%add3A_38, %dma_start3A_159] : memref<2560x128xi32, #tpu.memory_space<hbm>> -> memref<8x128xi32, #tpu.memory_space<hbm>>
        tpu.enqueue_dma source(%dma_start3A_160 : memref<8x128xi32, #tpu.memory_space<hbm>>) target(%arg12 : memref<8x128xi32, #tpu.memory_space<vmem>>) target_semaphore(%run_scoped3A_156 : memref<!tpu.dma_semaphore, #tpu.memory_space<semaphore_mem>>)
        %dma_wait3A_161 = arith.constant 0 : i32
        %dma_wait3A_162 = tpu.memref_slice %arg3[%add3A_38, %dma_wait3A_161] : memref<2560x128xi32, #tpu.memory_space<hbm>> -> memref<8x128xi32, #tpu.memory_space<hbm>>
        %dma_wait3A_163 = arith.constant 0 : i32
        %dma_wait3A_164 = tpu.memref_slice %arg3[%add3A_38, %dma_wait3A_163] : memref<2560x128xi32, #tpu.memory_space<hbm>> -> memref<8x128xi32, #tpu.memory_space<hbm>>
        tpu.wait_dma2 semaphore(%run_scoped3A_156 : memref<!tpu.dma_semaphore, #tpu.memory_space<semaphore_mem>>) src(%dma_wait3A_164 : memref<8x128xi32, #tpu.memory_space<hbm>>) dst(%arg12 : memref<8x128xi32, #tpu.memory_space<vmem>>)
        tpu.yield
      }) : () -> ()
      "tpu.region"() ({
        %run_scoped3A_156 = tpu.sem_alloc : memref<!tpu.dma_semaphore, #tpu.memory_space<semaphore_mem>>
        %dma_start3A_157 = arith.constant 0 : i32
        %dma_start3A_158 = tpu.memref_slice %arg4[%add3A_38, %dma_start3A_157] : memref<2560x128xi32, #tpu.memory_space<hbm>> -> memref<8x128xi32, #tpu.memory_space<hbm>>
        %dma_start3A_159 = arith.constant 0 : i32
        %dma_start3A_160 = tpu.memref_slice %arg4[%add3A_38, %dma_start3A_159] : memref<2560x128xi32, #tpu.memory_space<hbm>> -> memref<8x128xi32, #tpu.memory_space<hbm>>
        tpu.enqueue_dma source(%dma_start3A_160 : memref<8x128xi32, #tpu.memory_space<hbm>>) target(%arg9 : memref<8x128xi32, #tpu.memory_space<vmem>>) target_semaphore(%run_scoped3A_156 : memref<!tpu.dma_semaphore, #tpu.memory_space<semaphore_mem>>)
        %dma_wait3A_161 = arith.constant 0 : i32
        %dma_wait3A_162 = tpu.memref_slice %arg4[%add3A_38, %dma_wait3A_161] : memref<2560x128xi32, #tpu.memory_space<hbm>> -> memref<8x128xi32, #tpu.memory_space<hbm>>
        %dma_wait3A_163 = arith.constant 0 : i32
        %dma_wait3A_164 = tpu.memref_slice %arg4[%add3A_38, %dma_wait3A_163] : memref<2560x128xi32, #tpu.memory_space<hbm>> -> memref<8x128xi32, #tpu.memory_space<hbm>>
        tpu.wait_dma2 semaphore(%run_scoped3A_156 : memref<!tpu.dma_semaphore, #tpu.memory_space<semaphore_mem>>) src(%dma_wait3A_164 : memref<8x128xi32, #tpu.memory_space<hbm>>) dst(%arg9 : memref<8x128xi32, #tpu.memory_space<vmem>>)
        tpu.yield
      }) : () -> ()
      %dma_start3A = arith.constant 0 : i32
      %dma_start3A_39 = arith.constant 0 : i32
      %dma_start3A_40 = tpu.memref_slice %arg12[%dma_start3A, %dma_start3A_39] : memref<8x128xi32, #tpu.memory_space<vmem>> -> memref<1x128xi32, #tpu.memory_space<vmem>>
      %dma_start3A_41 = tpu.memref_squeeze %dma_start3A_40 : memref<1x128xi32, #tpu.memory_space<vmem>> -> memref<128xi32, #tpu.memory_space<vmem>>
      %dma_start3A_42 = arith.constant 0 : i32
      %dma_start3A_43 = arith.constant 0 : i32
      %dma_start3A_44 = tpu.memref_slice %arg2[%dma_start3A_42, %dma_start3A_43] : memref<10000x128xf32, #tpu.memory_space<hbm>> -> memref<10000x128xf32, #tpu.memory_space<hbm>>
      tpu.enqueue_indirect_dma source(%dma_start3A_44 : memref<10000x128xf32, #tpu.memory_space<hbm>>) target(%arg7 : memref<128x128xf32, #tpu.memory_space<vmem>>) offsets(%dma_start3A_41 : memref<128xi32, #tpu.memory_space<vmem>>) semaphore(%arg10 : memref<!tpu.dma_semaphore, #tpu.memory_space<semaphore_mem>>)
      %dma_start3A_45 = arith.constant 1 : i32
      %dma_start3A_46 = arith.constant 0 : i32
      %dma_start3A_47 = tpu.memref_slice %arg12[%dma_start3A_45, %dma_start3A_46] : memref<8x128xi32, #tpu.memory_space<vmem>> -> memref<1x128xi32, #tpu.memory_space<vmem>>
      %dma_start3A_48 = tpu.memref_squeeze %dma_start3A_47 : memref<1x128xi32, #tpu.memory_space<vmem>> -> memref<128xi32, #tpu.memory_space<vmem>>
      %dma_start3A_49 = arith.constant 0 : i32
      %dma_start3A_50 = arith.constant 0 : i32
      %dma_start3A_51 = tpu.memref_slice %arg2[%dma_start3A_49, %dma_start3A_50] : memref<10000x128xf32, #tpu.memory_space<hbm>> -> memref<10000x128xf32, #tpu.memory_space<hbm>>
      tpu.enqueue_indirect_dma source(%dma_start3A_51 : memref<10000x128xf32, #tpu.memory_space<hbm>>) target(%arg8 : memref<128x128xf32, #tpu.memory_space<vmem>>) offsets(%dma_start3A_48 : memref<128xi32, #tpu.memory_space<vmem>>) semaphore(%arg11 : memref<!tpu.dma_semaphore, #tpu.memory_space<semaphore_mem>>)
      %dma_wait3A = arith.constant 0 : i32
      %dma_wait3A_52 = arith.constant 0 : i32
      %dma_wait3A_53 = tpu.memref_slice %arg12[%dma_wait3A, %dma_wait3A_52] : memref<8x128xi32, #tpu.memory_space<vmem>> -> memref<1x128xi32, #tpu.memory_space<vmem>>
      %dma_wait3A_54 = tpu.memref_squeeze %dma_wait3A_53 : memref<1x128xi32, #tpu.memory_space<vmem>> -> memref<128xi32, #tpu.memory_space<vmem>>
      %dma_wait3A_55 = arith.constant 0 : i32
      %dma_wait3A_56 = arith.constant 0 : i32
      %dma_wait3A_57 = tpu.memref_slice %arg2[%dma_wait3A_55, %dma_wait3A_56] : memref<10000x128xf32, #tpu.memory_space<hbm>> -> memref<10000x128xf32, #tpu.memory_space<hbm>>
      tpu.wait_indirect_dma semaphore(%arg10 : memref<!tpu.dma_semaphore, #tpu.memory_space<semaphore_mem>>) src(%dma_wait3A_57 : memref<10000x128xf32, #tpu.memory_space<hbm>>) dst(%arg7 : memref<128x128xf32, #tpu.memory_space<vmem>>)
      %run_scoped3A = arith.constant 0 : i32
      "tpu.region"() ({
        %run_scoped3A_156 = tpu.sem_alloc : memref<!tpu.dma_semaphore, #tpu.memory_space<semaphore_mem>>
        %dma_start3A_157 = arith.constant 0 : i32
        %dma_start3A_158 = tpu.memref_slice %arg9[%run_scoped3A, %dma_start3A_157] : memref<8x128xi32, #tpu.memory_space<vmem>> -> memref<1x128xi32, #tpu.memory_space<vmem>>
        %dma_start3A_159 = tpu.memref_squeeze %dma_start3A_158 : memref<1x128xi32, #tpu.memory_space<vmem>> -> memref<128xi32, #tpu.memory_space<vmem>>
        %dma_start3A_160 = arith.constant 0 : i32
        %dma_start3A_161 = arith.constant 0 : i32
        %dma_start3A_162 = tpu.memref_slice %arg6[%dma_start3A_160, %dma_start3A_161] : memref<10112x128xf32, #tpu.memory_space<vmem_shared>> -> memref<10112x128xf32, #tpu.memory_space<vmem_shared>>
        tpu.enqueue_indirect_dma source(%arg7 : memref<128x128xf32, #tpu.memory_space<vmem>>) target(%dma_start3A_162 : memref<10112x128xf32, #tpu.memory_space<vmem_shared>>) offsets(%dma_start3A_159 : memref<128xi32, #tpu.memory_space<vmem>>) semaphore(%run_scoped3A_156 : memref<!tpu.dma_semaphore, #tpu.memory_space<semaphore_mem>>) {add = true}
        %dma_wait3A_163 = arith.constant 0 : i32
        %dma_wait3A_164 = tpu.memref_slice %arg9[%run_scoped3A, %dma_wait3A_163] : memref<8x128xi32, #tpu.memory_space<vmem>> -> memref<1x128xi32, #tpu.memory_space<vmem>>
        %dma_wait3A_165 = tpu.memref_squeeze %dma_wait3A_164 : memref<1x128xi32, #tpu.memory_space<vmem>> -> memref<128xi32, #tpu.memory_space<vmem>>
        %dma_wait3A_166 = arith.constant 0 : i32
        %dma_wait3A_167 = arith.constant 0 : i32
        %dma_wait3A_168 = tpu.memref_slice %arg6[%dma_wait3A_166, %dma_wait3A_167] : memref<10112x128xf32, #tpu.memory_space<vmem_shared>> -> memref<10112x128xf32, #tpu.memory_space<vmem_shared>>
        tpu.wait_indirect_dma semaphore(%run_scoped3A_156 : memref<!tpu.dma_semaphore, #tpu.memory_space<semaphore_mem>>) src(%arg7 : memref<128x128xf32, #tpu.memory_space<vmem>>) dst(%dma_wait3A_168 : memref<10112x128xf32, #tpu.memory_space<vmem_shared>>)
        tpu.yield
      }) : () -> ()
      %dma_start3A_58 = arith.constant 2 : i32
      %dma_start3A_59 = arith.constant 0 : i32
      %dma_start3A_60 = tpu.memref_slice %arg12[%dma_start3A_58, %dma_start3A_59] : memref<8x128xi32, #tpu.memory_space<vmem>> -> memref<1x128xi32, #tpu.memory_space<vmem>>
      %dma_start3A_61 = tpu.memref_squeeze %dma_start3A_60 : memref<1x128xi32, #tpu.memory_space<vmem>> -> memref<128xi32, #tpu.memory_space<vmem>>
      %dma_start3A_62 = arith.constant 0 : i32
      %dma_start3A_63 = arith.constant 0 : i32
      %dma_start3A_64 = tpu.memref_slice %arg2[%dma_start3A_62, %dma_start3A_63] : memref<10000x128xf32, #tpu.memory_space<hbm>> -> memref<10000x128xf32, #tpu.memory_space<hbm>>
      tpu.enqueue_indirect_dma source(%dma_start3A_64 : memref<10000x128xf32, #tpu.memory_space<hbm>>) target(%arg7 : memref<128x128xf32, #tpu.memory_space<vmem>>) offsets(%dma_start3A_61 : memref<128xi32, #tpu.memory_space<vmem>>) semaphore(%arg10 : memref<!tpu.dma_semaphore, #tpu.memory_space<semaphore_mem>>)
      %dma_wait3A_65 = arith.constant 1 : i32
      %dma_wait3A_66 = arith.constant 0 : i32
      %dma_wait3A_67 = tpu.memref_slice %arg12[%dma_wait3A_65, %dma_wait3A_66] : memref<8x128xi32, #tpu.memory_space<vmem>> -> memref<1x128xi32, #tpu.memory_space<vmem>>
      %dma_wait3A_68 = tpu.memref_squeeze %dma_wait3A_67 : memref<1x128xi32, #tpu.memory_space<vmem>> -> memref<128xi32, #tpu.memory_space<vmem>>
      %dma_wait3A_69 = arith.constant 0 : i32
      %dma_wait3A_70 = arith.constant 0 : i32
      %dma_wait3A_71 = tpu.memref_slice %arg2[%dma_wait3A_69, %dma_wait3A_70] : memref<10000x128xf32, #tpu.memory_space<hbm>> -> memref<10000x128xf32, #tpu.memory_space<hbm>>
      tpu.wait_indirect_dma semaphore(%arg11 : memref<!tpu.dma_semaphore, #tpu.memory_space<semaphore_mem>>) src(%dma_wait3A_71 : memref<10000x128xf32, #tpu.memory_space<hbm>>) dst(%arg8 : memref<128x128xf32, #tpu.memory_space<vmem>>)
      %run_scoped3A_72 = arith.constant 1 : i32
      "tpu.region"() ({
        %run_scoped3A_156 = tpu.sem_alloc : memref<!tpu.dma_semaphore, #tpu.memory_space<semaphore_mem>>
        %dma_start3A_157 = arith.constant 0 : i32
        %dma_start3A_158 = tpu.memref_slice %arg9[%run_scoped3A_72, %dma_start3A_157] : memref<8x128xi32, #tpu.memory_space<vmem>> -> memref<1x128xi32, #tpu.memory_space<vmem>>
        %dma_start3A_159 = tpu.memref_squeeze %dma_start3A_158 : memref<1x128xi32, #tpu.memory_space<vmem>> -> memref<128xi32, #tpu.memory_space<vmem>>
        %dma_start3A_160 = arith.constant 0 : i32
        %dma_start3A_161 = arith.constant 0 : i32
        %dma_start3A_162 = tpu.memref_slice %arg6[%dma_start3A_160, %dma_start3A_161] : memref<10112x128xf32, #tpu.memory_space<vmem_shared>> -> memref<10112x128xf32, #tpu.memory_space<vmem_shared>>
        tpu.enqueue_indirect_dma source(%arg8 : memref<128x128xf32, #tpu.memory_space<vmem>>) target(%dma_start3A_162 : memref<10112x128xf32, #tpu.memory_space<vmem_shared>>) offsets(%dma_start3A_159 : memref<128xi32, #tpu.memory_space<vmem>>) semaphore(%run_scoped3A_156 : memref<!tpu.dma_semaphore, #tpu.memory_space<semaphore_mem>>) {add = true}
        %dma_wait3A_163 = arith.constant 0 : i32
        %dma_wait3A_164 = tpu.memref_slice %arg9[%run_scoped3A_72, %dma_wait3A_163] : memref<8x128xi32, #tpu.memory_space<vmem>> -> memref<1x128xi32, #tpu.memory_space<vmem>>
        %dma_wait3A_165 = tpu.memref_squeeze %dma_wait3A_164 : memref<1x128xi32, #tpu.memory_space<vmem>> -> memref<128xi32, #tpu.memory_space<vmem>>
        %dma_wait3A_166 = arith.constant 0 : i32
        %dma_wait3A_167 = arith.constant 0 : i32
        %dma_wait3A_168 = tpu.memref_slice %arg6[%dma_wait3A_166, %dma_wait3A_167] : memref<10112x128xf32, #tpu.memory_space<vmem_shared>> -> memref<10112x128xf32, #tpu.memory_space<vmem_shared>>
        tpu.wait_indirect_dma semaphore(%run_scoped3A_156 : memref<!tpu.dma_semaphore, #tpu.memory_space<semaphore_mem>>) src(%arg8 : memref<128x128xf32, #tpu.memory_space<vmem>>) dst(%dma_wait3A_168 : memref<10112x128xf32, #tpu.memory_space<vmem_shared>>)
        tpu.yield
      }) : () -> ()
      %dma_start3A_73 = arith.constant 3 : i32
      %dma_start3A_74 = arith.constant 0 : i32
      %dma_start3A_75 = tpu.memref_slice %arg12[%dma_start3A_73, %dma_start3A_74] : memref<8x128xi32, #tpu.memory_space<vmem>> -> memref<1x128xi32, #tpu.memory_space<vmem>>
      %dma_start3A_76 = tpu.memref_squeeze %dma_start3A_75 : memref<1x128xi32, #tpu.memory_space<vmem>> -> memref<128xi32, #tpu.memory_space<vmem>>
      %dma_start3A_77 = arith.constant 0 : i32
      %dma_start3A_78 = arith.constant 0 : i32
      %dma_start3A_79 = tpu.memref_slice %arg2[%dma_start3A_77, %dma_start3A_78] : memref<10000x128xf32, #tpu.memory_space<hbm>> -> memref<10000x128xf32, #tpu.memory_space<hbm>>
      tpu.enqueue_indirect_dma source(%dma_start3A_79 : memref<10000x128xf32, #tpu.memory_space<hbm>>) target(%arg8 : memref<128x128xf32, #tpu.memory_space<vmem>>) offsets(%dma_start3A_76 : memref<128xi32, #tpu.memory_space<vmem>>) semaphore(%arg11 : memref<!tpu.dma_semaphore, #tpu.memory_space<semaphore_mem>>)
      %dma_wait3A_80 = arith.constant 2 : i32
      %dma_wait3A_81 = arith.constant 0 : i32
      %dma_wait3A_82 = tpu.memref_slice %arg12[%dma_wait3A_80, %dma_wait3A_81] : memref<8x128xi32, #tpu.memory_space<vmem>> -> memref<1x128xi32, #tpu.memory_space<vmem>>
      %dma_wait3A_83 = tpu.memref_squeeze %dma_wait3A_82 : memref<1x128xi32, #tpu.memory_space<vmem>> -> memref<128xi32, #tpu.memory_space<vmem>>
      %dma_wait3A_84 = arith.constant 0 : i32
      %dma_wait3A_85 = arith.constant 0 : i32
      %dma_wait3A_86 = tpu.memref_slice %arg2[%dma_wait3A_84, %dma_wait3A_85] : memref<10000x128xf32, #tpu.memory_space<hbm>> -> memref<10000x128xf32, #tpu.memory_space<hbm>>
      tpu.wait_indirect_dma semaphore(%arg10 : memref<!tpu.dma_semaphore, #tpu.memory_space<semaphore_mem>>) src(%dma_wait3A_86 : memref<10000x128xf32, #tpu.memory_space<hbm>>) dst(%arg7 : memref<128x128xf32, #tpu.memory_space<vmem>>)
      %run_scoped3A_87 = arith.constant 2 : i32
      "tpu.region"() ({
        %run_scoped3A_156 = tpu.sem_alloc : memref<!tpu.dma_semaphore, #tpu.memory_space<semaphore_mem>>
        %dma_start3A_157 = arith.constant 0 : i32
        %dma_start3A_158 = tpu.memref_slice %arg9[%run_scoped3A_87, %dma_start3A_157] : memref<8x128xi32, #tpu.memory_space<vmem>> -> memref<1x128xi32, #tpu.memory_space<vmem>>
        %dma_start3A_159 = tpu.memref_squeeze %dma_start3A_158 : memref<1x128xi32, #tpu.memory_space<vmem>> -> memref<128xi32, #tpu.memory_space<vmem>>
        %dma_start3A_160 = arith.constant 0 : i32
        %dma_start3A_161 = arith.constant 0 : i32
        %dma_start3A_162 = tpu.memref_slice %arg6[%dma_start3A_160, %dma_start3A_161] : memref<10112x128xf32, #tpu.memory_space<vmem_shared>> -> memref<10112x128xf32, #tpu.memory_space<vmem_shared>>
        tpu.enqueue_indirect_dma source(%arg7 : memref<128x128xf32, #tpu.memory_space<vmem>>) target(%dma_start3A_162 : memref<10112x128xf32, #tpu.memory_space<vmem_shared>>) offsets(%dma_start3A_159 : memref<128xi32, #tpu.memory_space<vmem>>) semaphore(%run_scoped3A_156 : memref<!tpu.dma_semaphore, #tpu.memory_space<semaphore_mem>>) {add = true}
        %dma_wait3A_163 = arith.constant 0 : i32
        %dma_wait3A_164 = tpu.memref_slice %arg9[%run_scoped3A_87, %dma_wait3A_163] : memref<8x128xi32, #tpu.memory_space<vmem>> -> memref<1x128xi32, #tpu.memory_space<vmem>>
        %dma_wait3A_165 = tpu.memref_squeeze %dma_wait3A_164 : memref<1x128xi32, #tpu.memory_space<vmem>> -> memref<128xi32, #tpu.memory_space<vmem>>
        %dma_wait3A_166 = arith.constant 0 : i32
        %dma_wait3A_167 = arith.constant 0 : i32
        %dma_wait3A_168 = tpu.memref_slice %arg6[%dma_wait3A_166, %dma_wait3A_167] : memref<10112x128xf32, #tpu.memory_space<vmem_shared>> -> memref<10112x128xf32, #tpu.memory_space<vmem_shared>>
        tpu.wait_indirect_dma semaphore(%run_scoped3A_156 : memref<!tpu.dma_semaphore, #tpu.memory_space<semaphore_mem>>) src(%arg7 : memref<128x128xf32, #tpu.memory_space<vmem>>) dst(%dma_wait3A_168 : memref<10112x128xf32, #tpu.memory_space<vmem_shared>>)
        tpu.yield
      }) : () -> ()
      %dma_start3A_88 = arith.constant 4 : i32
      %dma_start3A_89 = arith.constant 0 : i32
      %dma_start3A_90 = tpu.memref_slice %arg12[%dma_start3A_88, %dma_start3A_89] : memref<8x128xi32, #tpu.memory_space<vmem>> -> memref<1x128xi32, #tpu.memory_space<vmem>>
      %dma_start3A_91 = tpu.memref_squeeze %dma_start3A_90 : memref<1x128xi32, #tpu.memory_space<vmem>> -> memref<128xi32, #tpu.memory_space<vmem>>
      %dma_start3A_92 = arith.constant 0 : i32
      %dma_start3A_93 = arith.constant 0 : i32
      %dma_start3A_94 = tpu.memref_slice %arg2[%dma_start3A_92, %dma_start3A_93] : memref<10000x128xf32, #tpu.memory_space<hbm>> -> memref<10000x128xf32, #tpu.memory_space<hbm>>
      tpu.enqueue_indirect_dma source(%dma_start3A_94 : memref<10000x128xf32, #tpu.memory_space<hbm>>) target(%arg7 : memref<128x128xf32, #tpu.memory_space<vmem>>) offsets(%dma_start3A_91 : memref<128xi32, #tpu.memory_space<vmem>>) semaphore(%arg10 : memref<!tpu.dma_semaphore, #tpu.memory_space<semaphore_mem>>)
      %dma_wait3A_95 = arith.constant 3 : i32
      %dma_wait3A_96 = arith.constant 0 : i32
      %dma_wait3A_97 = tpu.memref_slice %arg12[%dma_wait3A_95, %dma_wait3A_96] : memref<8x128xi32, #tpu.memory_space<vmem>> -> memref<1x128xi32, #tpu.memory_space<vmem>>
      %dma_wait3A_98 = tpu.memref_squeeze %dma_wait3A_97 : memref<1x128xi32, #tpu.memory_space<vmem>> -> memref<128xi32, #tpu.memory_space<vmem>>
      %dma_wait3A_99 = arith.constant 0 : i32
      %dma_wait3A_100 = arith.constant 0 : i32
      %dma_wait3A_101 = tpu.memref_slice %arg2[%dma_wait3A_99, %dma_wait3A_100] : memref<10000x128xf32, #tpu.memory_space<hbm>> -> memref<10000x128xf32, #tpu.memory_space<hbm>>
      tpu.wait_indirect_dma semaphore(%arg11 : memref<!tpu.dma_semaphore, #tpu.memory_space<semaphore_mem>>) src(%dma_wait3A_101 : memref<10000x128xf32, #tpu.memory_space<hbm>>) dst(%arg8 : memref<128x128xf32, #tpu.memory_space<vmem>>)
      %run_scoped3A_102 = arith.constant 3 : i32
      "tpu.region"() ({
        %run_scoped3A_156 = tpu.sem_alloc : memref<!tpu.dma_semaphore, #tpu.memory_space<semaphore_mem>>
        %dma_start3A_157 = arith.constant 0 : i32
        %dma_start3A_158 = tpu.memref_slice %arg9[%run_scoped3A_102, %dma_start3A_157] : memref<8x128xi32, #tpu.memory_space<vmem>> -> memref<1x128xi32, #tpu.memory_space<vmem>>
        %dma_start3A_159 = tpu.memref_squeeze %dma_start3A_158 : memref<1x128xi32, #tpu.memory_space<vmem>> -> memref<128xi32, #tpu.memory_space<vmem>>
        %dma_start3A_160 = arith.constant 0 : i32
        %dma_start3A_161 = arith.constant 0 : i32
        %dma_start3A_162 = tpu.memref_slice %arg6[%dma_start3A_160, %dma_start3A_161] : memref<10112x128xf32, #tpu.memory_space<vmem_shared>> -> memref<10112x128xf32, #tpu.memory_space<vmem_shared>>
        tpu.enqueue_indirect_dma source(%arg8 : memref<128x128xf32, #tpu.memory_space<vmem>>) target(%dma_start3A_162 : memref<10112x128xf32, #tpu.memory_space<vmem_shared>>) offsets(%dma_start3A_159 : memref<128xi32, #tpu.memory_space<vmem>>) semaphore(%run_scoped3A_156 : memref<!tpu.dma_semaphore, #tpu.memory_space<semaphore_mem>>) {add = true}
        %dma_wait3A_163 = arith.constant 0 : i32
        %dma_wait3A_164 = tpu.memref_slice %arg9[%run_scoped3A_102, %dma_wait3A_163] : memref<8x128xi32, #tpu.memory_space<vmem>> -> memref<1x128xi32, #tpu.memory_space<vmem>>
        %dma_wait3A_165 = tpu.memref_squeeze %dma_wait3A_164 : memref<1x128xi32, #tpu.memory_space<vmem>> -> memref<128xi32, #tpu.memory_space<vmem>>
        %dma_wait3A_166 = arith.constant 0 : i32
        %dma_wait3A_167 = arith.constant 0 : i32
        %dma_wait3A_168 = tpu.memref_slice %arg6[%dma_wait3A_166, %dma_wait3A_167] : memref<10112x128xf32, #tpu.memory_space<vmem_shared>> -> memref<10112x128xf32, #tpu.memory_space<vmem_shared>>
        tpu.wait_indirect_dma semaphore(%run_scoped3A_156 : memref<!tpu.dma_semaphore, #tpu.memory_space<semaphore_mem>>) src(%arg8 : memref<128x128xf32, #tpu.memory_space<vmem>>) dst(%dma_wait3A_168 : memref<10112x128xf32, #tpu.memory_space<vmem_shared>>)
        tpu.yield
      }) : () -> ()
      %dma_start3A_103 = arith.constant 5 : i32
      %dma_start3A_104 = arith.constant 0 : i32
      %dma_start3A_105 = tpu.memref_slice %arg12[%dma_start3A_103, %dma_start3A_104] : memref<8x128xi32, #tpu.memory_space<vmem>> -> memref<1x128xi32, #tpu.memory_space<vmem>>
      %dma_start3A_106 = tpu.memref_squeeze %dma_start3A_105 : memref<1x128xi32, #tpu.memory_space<vmem>> -> memref<128xi32, #tpu.memory_space<vmem>>
      %dma_start3A_107 = arith.constant 0 : i32
      %dma_start3A_108 = arith.constant 0 : i32
      %dma_start3A_109 = tpu.memref_slice %arg2[%dma_start3A_107, %dma_start3A_108] : memref<10000x128xf32, #tpu.memory_space<hbm>> -> memref<10000x128xf32, #tpu.memory_space<hbm>>
      tpu.enqueue_indirect_dma source(%dma_start3A_109 : memref<10000x128xf32, #tpu.memory_space<hbm>>) target(%arg8 : memref<128x128xf32, #tpu.memory_space<vmem>>) offsets(%dma_start3A_106 : memref<128xi32, #tpu.memory_space<vmem>>) semaphore(%arg11 : memref<!tpu.dma_semaphore, #tpu.memory_space<semaphore_mem>>)
      %dma_wait3A_110 = arith.constant 4 : i32
      %dma_wait3A_111 = arith.constant 0 : i32
      %dma_wait3A_112 = tpu.memref_slice %arg12[%dma_wait3A_110, %dma_wait3A_111] : memref<8x128xi32, #tpu.memory_space<vmem>> -> memref<1x128xi32, #tpu.memory_space<vmem>>
      %dma_wait3A_113 = tpu.memref_squeeze %dma_wait3A_112 : memref<1x128xi32, #tpu.memory_space<vmem>> -> memref<128xi32, #tpu.memory_space<vmem>>
      %dma_wait3A_114 = arith.constant 0 : i32
      %dma_wait3A_115 = arith.constant 0 : i32
      %dma_wait3A_116 = tpu.memref_slice %arg2[%dma_wait3A_114, %dma_wait3A_115] : memref<10000x128xf32, #tpu.memory_space<hbm>> -> memref<10000x128xf32, #tpu.memory_space<hbm>>
      tpu.wait_indirect_dma semaphore(%arg10 : memref<!tpu.dma_semaphore, #tpu.memory_space<semaphore_mem>>) src(%dma_wait3A_116 : memref<10000x128xf32, #tpu.memory_space<hbm>>) dst(%arg7 : memref<128x128xf32, #tpu.memory_space<vmem>>)
      %run_scoped3A_117 = arith.constant 4 : i32
      "tpu.region"() ({
        %run_scoped3A_156 = tpu.sem_alloc : memref<!tpu.dma_semaphore, #tpu.memory_space<semaphore_mem>>
        %dma_start3A_157 = arith.constant 0 : i32
        %dma_start3A_158 = tpu.memref_slice %arg9[%run_scoped3A_117, %dma_start3A_157] : memref<8x128xi32, #tpu.memory_space<vmem>> -> memref<1x128xi32, #tpu.memory_space<vmem>>
        %dma_start3A_159 = tpu.memref_squeeze %dma_start3A_158 : memref<1x128xi32, #tpu.memory_space<vmem>> -> memref<128xi32, #tpu.memory_space<vmem>>
        %dma_start3A_160 = arith.constant 0 : i32
        %dma_start3A_161 = arith.constant 0 : i32
        %dma_start3A_162 = tpu.memref_slice %arg6[%dma_start3A_160, %dma_start3A_161] : memref<10112x128xf32, #tpu.memory_space<vmem_shared>> -> memref<10112x128xf32, #tpu.memory_space<vmem_shared>>
        tpu.enqueue_indirect_dma source(%arg7 : memref<128x128xf32, #tpu.memory_space<vmem>>) target(%dma_start3A_162 : memref<10112x128xf32, #tpu.memory_space<vmem_shared>>) offsets(%dma_start3A_159 : memref<128xi32, #tpu.memory_space<vmem>>) semaphore(%run_scoped3A_156 : memref<!tpu.dma_semaphore, #tpu.memory_space<semaphore_mem>>) {add = true}
        %dma_wait3A_163 = arith.constant 0 : i32
        %dma_wait3A_164 = tpu.memref_slice %arg9[%run_scoped3A_117, %dma_wait3A_163] : memref<8x128xi32, #tpu.memory_space<vmem>> -> memref<1x128xi32, #tpu.memory_space<vmem>>
        %dma_wait3A_165 = tpu.memref_squeeze %dma_wait3A_164 : memref<1x128xi32, #tpu.memory_space<vmem>> -> memref<128xi32, #tpu.memory_space<vmem>>
        %dma_wait3A_166 = arith.constant 0 : i32
        %dma_wait3A_167 = arith.constant 0 : i32
        %dma_wait3A_168 = tpu.memref_slice %arg6[%dma_wait3A_166, %dma_wait3A_167] : memref<10112x128xf32, #tpu.memory_space<vmem_shared>> -> memref<10112x128xf32, #tpu.memory_space<vmem_shared>>
        tpu.wait_indirect_dma semaphore(%run_scoped3A_156 : memref<!tpu.dma_semaphore, #tpu.memory_space<semaphore_mem>>) src(%arg7 : memref<128x128xf32, #tpu.memory_space<vmem>>) dst(%dma_wait3A_168 : memref<10112x128xf32, #tpu.memory_space<vmem_shared>>)
        tpu.yield
      }) : () -> ()
      %dma_start3A_118 = arith.constant 6 : i32
      %dma_start3A_119 = arith.constant 0 : i32
      %dma_start3A_120 = tpu.memref_slice %arg12[%dma_start3A_118, %dma_start3A_119] : memref<8x128xi32, #tpu.memory_space<vmem>> -> memref<1x128xi32, #tpu.memory_space<vmem>>
      %dma_start3A_121 = tpu.memref_squeeze %dma_start3A_120 : memref<1x128xi32, #tpu.memory_space<vmem>> -> memref<128xi32, #tpu.memory_space<vmem>>
      %dma_start3A_122 = arith.constant 0 : i32
      %dma_start3A_123 = arith.constant 0 : i32
      %dma_start3A_124 = tpu.memref_slice %arg2[%dma_start3A_122, %dma_start3A_123] : memref<10000x128xf32, #tpu.memory_space<hbm>> -> memref<10000x128xf32, #tpu.memory_space<hbm>>
      tpu.enqueue_indirect_dma source(%dma_start3A_124 : memref<10000x128xf32, #tpu.memory_space<hbm>>) target(%arg7 : memref<128x128xf32, #tpu.memory_space<vmem>>) offsets(%dma_start3A_121 : memref<128xi32, #tpu.memory_space<vmem>>) semaphore(%arg10 : memref<!tpu.dma_semaphore, #tpu.memory_space<semaphore_mem>>)
      %dma_wait3A_125 = arith.constant 5 : i32
      %dma_wait3A_126 = arith.constant 0 : i32
      %dma_wait3A_127 = tpu.memref_slice %arg12[%dma_wait3A_125, %dma_wait3A_126] : memref<8x128xi32, #tpu.memory_space<vmem>> -> memref<1x128xi32, #tpu.memory_space<vmem>>
      %dma_wait3A_128 = tpu.memref_squeeze %dma_wait3A_127 : memref<1x128xi32, #tpu.memory_space<vmem>> -> memref<128xi32, #tpu.memory_space<vmem>>
      %dma_wait3A_129 = arith.constant 0 : i32
      %dma_wait3A_130 = arith.constant 0 : i32
      %dma_wait3A_131 = tpu.memref_slice %arg2[%dma_wait3A_129, %dma_wait3A_130] : memref<10000x128xf32, #tpu.memory_space<hbm>> -> memref<10000x128xf32, #tpu.memory_space<hbm>>
      tpu.wait_indirect_dma semaphore(%arg11 : memref<!tpu.dma_semaphore, #tpu.memory_space<semaphore_mem>>) src(%dma_wait3A_131 : memref<10000x128xf32, #tpu.memory_space<hbm>>) dst(%arg8 : memref<128x128xf32, #tpu.memory_space<vmem>>)
      %run_scoped3A_132 = arith.constant 5 : i32
      "tpu.region"() ({
        %run_scoped3A_156 = tpu.sem_alloc : memref<!tpu.dma_semaphore, #tpu.memory_space<semaphore_mem>>
        %dma_start3A_157 = arith.constant 0 : i32
        %dma_start3A_158 = tpu.memref_slice %arg9[%run_scoped3A_132, %dma_start3A_157] : memref<8x128xi32, #tpu.memory_space<vmem>> -> memref<1x128xi32, #tpu.memory_space<vmem>>
        %dma_start3A_159 = tpu.memref_squeeze %dma_start3A_158 : memref<1x128xi32, #tpu.memory_space<vmem>> -> memref<128xi32, #tpu.memory_space<vmem>>
        %dma_start3A_160 = arith.constant 0 : i32
        %dma_start3A_161 = arith.constant 0 : i32
        %dma_start3A_162 = tpu.memref_slice %arg6[%dma_start3A_160, %dma_start3A_161] : memref<10112x128xf32, #tpu.memory_space<vmem_shared>> -> memref<10112x128xf32, #tpu.memory_space<vmem_shared>>
        tpu.enqueue_indirect_dma source(%arg8 : memref<128x128xf32, #tpu.memory_space<vmem>>) target(%dma_start3A_162 : memref<10112x128xf32, #tpu.memory_space<vmem_shared>>) offsets(%dma_start3A_159 : memref<128xi32, #tpu.memory_space<vmem>>) semaphore(%run_scoped3A_156 : memref<!tpu.dma_semaphore, #tpu.memory_space<semaphore_mem>>) {add = true}
        %dma_wait3A_163 = arith.constant 0 : i32
        %dma_wait3A_164 = tpu.memref_slice %arg9[%run_scoped3A_132, %dma_wait3A_163] : memref<8x128xi32, #tpu.memory_space<vmem>> -> memref<1x128xi32, #tpu.memory_space<vmem>>
        %dma_wait3A_165 = tpu.memref_squeeze %dma_wait3A_164 : memref<1x128xi32, #tpu.memory_space<vmem>> -> memref<128xi32, #tpu.memory_space<vmem>>
        %dma_wait3A_166 = arith.constant 0 : i32
        %dma_wait3A_167 = arith.constant 0 : i32
        %dma_wait3A_168 = tpu.memref_slice %arg6[%dma_wait3A_166, %dma_wait3A_167] : memref<10112x128xf32, #tpu.memory_space<vmem_shared>> -> memref<10112x128xf32, #tpu.memory_space<vmem_shared>>
        tpu.wait_indirect_dma semaphore(%run_scoped3A_156 : memref<!tpu.dma_semaphore, #tpu.memory_space<semaphore_mem>>) src(%arg8 : memref<128x128xf32, #tpu.memory_space<vmem>>) dst(%dma_wait3A_168 : memref<10112x128xf32, #tpu.memory_space<vmem_shared>>)
        tpu.yield
      }) : () -> ()
      %dma_start3A_133 = arith.constant 7 : i32
      %dma_start3A_134 = arith.constant 0 : i32
      %dma_start3A_135 = tpu.memref_slice %arg12[%dma_start3A_133, %dma_start3A_134] : memref<8x128xi32, #tpu.memory_space<vmem>> -> memref<1x128xi32, #tpu.memory_space<vmem>>
      %dma_start3A_136 = tpu.memref_squeeze %dma_start3A_135 : memref<1x128xi32, #tpu.memory_space<vmem>> -> memref<128xi32, #tpu.memory_space<vmem>>
      %dma_start3A_137 = arith.constant 0 : i32
      %dma_start3A_138 = arith.constant 0 : i32
      %dma_start3A_139 = tpu.memref_slice %arg2[%dma_start3A_137, %dma_start3A_138] : memref<10000x128xf32, #tpu.memory_space<hbm>> -> memref<10000x128xf32, #tpu.memory_space<hbm>>
      tpu.enqueue_indirect_dma source(%dma_start3A_139 : memref<10000x128xf32, #tpu.memory_space<hbm>>) target(%arg8 : memref<128x128xf32, #tpu.memory_space<vmem>>) offsets(%dma_start3A_136 : memref<128xi32, #tpu.memory_space<vmem>>) semaphore(%arg11 : memref<!tpu.dma_semaphore, #tpu.memory_space<semaphore_mem>>)
      %dma_wait3A_140 = arith.constant 6 : i32
      %dma_wait3A_141 = arith.constant 0 : i32
      %dma_wait3A_142 = tpu.memref_slice %arg12[%dma_wait3A_140, %dma_wait3A_141] : memref<8x128xi32, #tpu.memory_space<vmem>> -> memref<1x128xi32, #tpu.memory_space<vmem>>
      %dma_wait3A_143 = tpu.memref_squeeze %dma_wait3A_142 : memref<1x128xi32, #tpu.memory_space<vmem>> -> memref<128xi32, #tpu.memory_space<vmem>>
      %dma_wait3A_144 = arith.constant 0 : i32
      %dma_wait3A_145 = arith.constant 0 : i32
      %dma_wait3A_146 = tpu.memref_slice %arg2[%dma_wait3A_144, %dma_wait3A_145] : memref<10000x128xf32, #tpu.memory_space<hbm>> -> memref<10000x128xf32, #tpu.memory_space<hbm>>
      tpu.wait_indirect_dma semaphore(%arg10 : memref<!tpu.dma_semaphore, #tpu.memory_space<semaphore_mem>>) src(%dma_wait3A_146 : memref<10000x128xf32, #tpu.memory_space<hbm>>) dst(%arg7 : memref<128x128xf32, #tpu.memory_space<vmem>>)
      %run_scoped3A_147 = arith.constant 6 : i32
      "tpu.region"() ({
        %run_scoped3A_156 = tpu.sem_alloc : memref<!tpu.dma_semaphore, #tpu.memory_space<semaphore_mem>>
        %dma_start3A_157 = arith.constant 0 : i32
        %dma_start3A_158 = tpu.memref_slice %arg9[%run_scoped3A_147, %dma_start3A_157] : memref<8x128xi32, #tpu.memory_space<vmem>> -> memref<1x128xi32, #tpu.memory_space<vmem>>
        %dma_start3A_159 = tpu.memref_squeeze %dma_start3A_158 : memref<1x128xi32, #tpu.memory_space<vmem>> -> memref<128xi32, #tpu.memory_space<vmem>>
        %dma_start3A_160 = arith.constant 0 : i32
        %dma_start3A_161 = arith.constant 0 : i32
        %dma_start3A_162 = tpu.memref_slice %arg6[%dma_start3A_160, %dma_start3A_161] : memref<10112x128xf32, #tpu.memory_space<vmem_shared>> -> memref<10112x128xf32, #tpu.memory_space<vmem_shared>>
        tpu.enqueue_indirect_dma source(%arg7 : memref<128x128xf32, #tpu.memory_space<vmem>>) target(%dma_start3A_162 : memref<10112x128xf32, #tpu.memory_space<vmem_shared>>) offsets(%dma_start3A_159 : memref<128xi32, #tpu.memory_space<vmem>>) semaphore(%run_scoped3A_156 : memref<!tpu.dma_semaphore, #tpu.memory_space<semaphore_mem>>) {add = true}
        %dma_wait3A_163 = arith.constant 0 : i32
        %dma_wait3A_164 = tpu.memref_slice %arg9[%run_scoped3A_147, %dma_wait3A_163] : memref<8x128xi32, #tpu.memory_space<vmem>> -> memref<1x128xi32, #tpu.memory_space<vmem>>
        %dma_wait3A_165 = tpu.memref_squeeze %dma_wait3A_164 : memref<1x128xi32, #tpu.memory_space<vmem>> -> memref<128xi32, #tpu.memory_space<vmem>>
        %dma_wait3A_166 = arith.constant 0 : i32
        %dma_wait3A_167 = arith.constant 0 : i32
        %dma_wait3A_168 = tpu.memref_slice %arg6[%dma_wait3A_166, %dma_wait3A_167] : memref<10112x128xf32, #tpu.memory_space<vmem_shared>> -> memref<10112x128xf32, #tpu.memory_space<vmem_shared>>
        tpu.wait_indirect_dma semaphore(%run_scoped3A_156 : memref<!tpu.dma_semaphore, #tpu.memory_space<semaphore_mem>>) src(%arg7 : memref<128x128xf32, #tpu.memory_space<vmem>>) dst(%dma_wait3A_168 : memref<10112x128xf32, #tpu.memory_space<vmem_shared>>)
        tpu.yield
      }) : () -> ()
      %dma_wait3A_148 = arith.constant 7 : i32
      %dma_wait3A_149 = arith.constant 0 : i32
      %dma_wait3A_150 = tpu.memref_slice %arg12[%dma_wait3A_148, %dma_wait3A_149] : memref<8x128xi32, #tpu.memory_space<vmem>> -> memref<1x128xi32, #tpu.memory_space<vmem>>
      %dma_wait3A_151 = tpu.memref_squeeze %dma_wait3A_150 : memref<1x128xi32, #tpu.memory_space<vmem>> -> memref<128xi32, #tpu.memory_space<vmem>>
      %dma_wait3A_152 = arith.constant 0 : i32
      %dma_wait3A_153 = arith.constant 0 : i32
      %dma_wait3A_154 = tpu.memref_slice %arg2[%dma_wait3A_152, %dma_wait3A_153] : memref<10000x128xf32, #tpu.memory_space<hbm>> -> memref<10000x128xf32, #tpu.memory_space<hbm>>
      tpu.wait_indirect_dma semaphore(%arg11 : memref<!tpu.dma_semaphore, #tpu.memory_space<semaphore_mem>>) src(%dma_wait3A_154 : memref<10000x128xf32, #tpu.memory_space<hbm>>) dst(%arg8 : memref<128x128xf32, #tpu.memory_space<vmem>>)
      %run_scoped3A_155 = arith.constant 7 : i32
      "tpu.region"() ({
        %run_scoped3A_156 = tpu.sem_alloc : memref<!tpu.dma_semaphore, #tpu.memory_space<semaphore_mem>>
        %dma_start3A_157 = arith.constant 0 : i32
        %dma_start3A_158 = tpu.memref_slice %arg9[%run_scoped3A_155, %dma_start3A_157] : memref<8x128xi32, #tpu.memory_space<vmem>> -> memref<1x128xi32, #tpu.memory_space<vmem>>
        %dma_start3A_159 = tpu.memref_squeeze %dma_start3A_158 : memref<1x128xi32, #tpu.memory_space<vmem>> -> memref<128xi32, #tpu.memory_space<vmem>>
        %dma_start3A_160 = arith.constant 0 : i32
        %dma_start3A_161 = arith.constant 0 : i32
        %dma_start3A_162 = tpu.memref_slice %arg6[%dma_start3A_160, %dma_start3A_161] : memref<10112x128xf32, #tpu.memory_space<vmem_shared>> -> memref<10112x128xf32, #tpu.memory_space<vmem_shared>>
        tpu.enqueue_indirect_dma source(%arg8 : memref<128x128xf32, #tpu.memory_space<vmem>>) target(%dma_start3A_162 : memref<10112x128xf32, #tpu.memory_space<vmem_shared>>) offsets(%dma_start3A_159 : memref<128xi32, #tpu.memory_space<vmem>>) semaphore(%run_scoped3A_156 : memref<!tpu.dma_semaphore, #tpu.memory_space<semaphore_mem>>) {add = true}
        %dma_wait3A_163 = arith.constant 0 : i32
        %dma_wait3A_164 = tpu.memref_slice %arg9[%run_scoped3A_155, %dma_wait3A_163] : memref<8x128xi32, #tpu.memory_space<vmem>> -> memref<1x128xi32, #tpu.memory_space<vmem>>
        %dma_wait3A_165 = tpu.memref_squeeze %dma_wait3A_164 : memref<1x128xi32, #tpu.memory_space<vmem>> -> memref<128xi32, #tpu.memory_space<vmem>>
        %dma_wait3A_166 = arith.constant 0 : i32
        %dma_wait3A_167 = arith.constant 0 : i32
        %dma_wait3A_168 = tpu.memref_slice %arg6[%dma_wait3A_166, %dma_wait3A_167] : memref<10112x128xf32, #tpu.memory_space<vmem_shared>> -> memref<10112x128xf32, #tpu.memory_space<vmem_shared>>
        tpu.wait_indirect_dma semaphore(%run_scoped3A_156 : memref<!tpu.dma_semaphore, #tpu.memory_space<semaphore_mem>>) src(%arg8 : memref<128x128xf32, #tpu.memory_space<vmem>>) dst(%dma_wait3A_168 : memref<10112x128xf32, #tpu.memory_space<vmem_shared>>)
        tpu.yield
      }) : () -> ()
    }
    %barrier3A_34 = arith.constant 0 : index
    tpu.barrier barrier_id(%barrier3A_34)
    "tpu.region"() ({
      %run_scoped3A = tpu.sem_alloc : memref<!tpu.dma_semaphore, #tpu.memory_space<semaphore_mem>>
      %dma_start3A = arith.constant 0 : i32
      %dma_start3A_35 = tpu.memref_slice %arg5[%arg0, %mul3A_16, %dma_start3A] : memref<2x10112x128xf32, #tpu.memory_space<hbm>> -> memref<1x632x128xf32, #tpu.memory_space<hbm>>
      %dma_start3A_36 = tpu.memref_squeeze %dma_start3A_35 : memref<1x632x128xf32, #tpu.memory_space<hbm>> -> memref<632x128xf32, #tpu.memory_space<hbm>>
      %dma_start3A_37 = arith.constant 0 : i32
      %dma_start3A_38 = tpu.memref_slice %arg6[%mul3A_16, %dma_start3A_37] : memref<10112x128xf32, #tpu.memory_space<vmem_shared>> -> memref<632x128xf32, #tpu.memory_space<vmem_shared>>
      tpu.enqueue_dma source(%dma_start3A_38 : memref<632x128xf32, #tpu.memory_space<vmem_shared>>) target(%dma_start3A_36 : memref<632x128xf32, #tpu.memory_space<hbm>>) target_semaphore(%run_scoped3A : memref<!tpu.dma_semaphore, #tpu.memory_space<semaphore_mem>>)
      %dma_wait3A = arith.constant 0 : i32
      %dma_wait3A_39 = tpu.memref_slice %arg5[%arg0, %mul3A_16, %dma_wait3A] : memref<2x10112x128xf32, #tpu.memory_space<hbm>> -> memref<1x632x128xf32, #tpu.memory_space<hbm>>
      %dma_wait3A_40 = tpu.memref_squeeze %dma_wait3A_39 : memref<1x632x128xf32, #tpu.memory_space<hbm>> -> memref<632x128xf32, #tpu.memory_space<hbm>>
      %dma_wait3A_41 = arith.constant 0 : i32
      %dma_wait3A_42 = tpu.memref_slice %arg6[%mul3A_16, %dma_wait3A_41] : memref<10112x128xf32, #tpu.memory_space<vmem_shared>> -> memref<632x128xf32, #tpu.memory_space<vmem_shared>>
      tpu.wait_dma2 semaphore(%run_scoped3A : memref<!tpu.dma_semaphore, #tpu.memory_space<semaphore_mem>>) src(%dma_wait3A_42 : memref<632x128xf32, #tpu.memory_space<vmem_shared>>) dst(%dma_wait3A_40 : memref<632x128xf32, #tpu.memory_space<hbm>>)
      tpu.yield
    }) : () -> ()
    return
  }
}

#map = affine_map<(d0, d1) -> (0, 0)>
#map1 = affine_map<(d0, d1) -> (0, 0, 0)>
module attributes {stable_mosaic.version = 14 : i64} {
  func.func @seg(%arg0: i32, %arg1: i32, %arg2: memref<10000x128xf32, #tpu.memory_space<hbm>>, %arg3: memref<2560x128xi32, #tpu.memory_space<hbm>>, %arg4: memref<2560x128xi32, #tpu.memory_space<hbm>>, %arg5: memref<2x10112x128xf32, #tpu.memory_space<hbm>>, %arg6: memref<10112x128xf32, #tpu.memory_space<vmem_shared>>, %arg7: memref<128x128xf32, #tpu.memory_space<vmem>>, %arg8: memref<128x128xf32, #tpu.memory_space<vmem>>, %arg9: memref<8x128xi32, #tpu.memory_space<vmem>>, %arg10: memref<!tpu.dma_semaphore, #tpu.memory_space<semaphore_mem>>, %arg11: memref<!tpu.dma_semaphore, #tpu.memory_space<semaphore_mem>>, %arg12: memref<8x128xi32, #tpu.memory_space<vmem>>) attributes {dimension_semantics = [#tpu.dimension_semantics<core_parallel>, #tpu.dimension_semantics<subcore_parallel>], iteration_bounds = array<i64: 2, 16>, scalar_prefetch = 0 : i64, scratch_operands = 7 : i64, tpu.core_type = #tpu.core_type<sc_vector_subcore>, window_params = [{transform_indices = #map}, {transform_indices = #map}, {transform_indices = #map}, {transform_indices = #map1}]} {
    %eq3A = arith.constant 0 : i32
    %eq3A_0 = arith.cmpi eq, %arg0, %eq3A : i32
    %mul3A = arith.constant 112 : i32
    %mul3A_1 = arith.muli %arg1, %mul3A : i32
    %mul3A_2 = arith.constant 48 : i32
    %mul3A_3 = arith.muli %arg1, %mul3A_2 : i32
    %add3A = arith.constant 1792 : i32
    %add3A_4 = arith.addi %add3A, %mul3A_3 : i32
    %select_n3A = arith.select %eq3A_0, %mul3A_1, %add3A_4 : i32
    %eq3A_5 = arith.constant 0 : i32
    %eq3A_6 = arith.cmpi eq, %arg0, %eq3A_5 : i32
    %jit3A = arith.constant 14 : i32
    %jit3A_7 = arith.constant 6 : i32
    %select_n3A_8 = arith.select %eq3A_6, %jit3A, %jit3A_7 : i32
    %broadcast_in_dim3A = arith.constant 0.000000e+00 : f32
    %broadcast_in_dim3A_9 = vector.broadcast %broadcast_in_dim3A : f32 to vector<16xf32>
    %scan3A = arith.constant 0 : i32
    %scan3A_10 = arith.constant 0 : i32
    %scan3A_11 = arith.constant 128 : i32
    %scan3A_12 = arith.addi %scan3A_10, %scan3A_11 : i32
    %scan3A_13 = arith.constant 1 : i32
    scf.for %scan3A_35 = %scan3A_10 to %scan3A_12 step %scan3A_13  : i32 {
      %scan3A_36 = arith.constant 0 : i32
      %scan3A_37 = arith.constant 8 : i32
      %scan3A_38 = arith.addi %scan3A_36, %scan3A_37 : i32
      %scan3A_39 = arith.constant 1 : i32
      scf.for %scan3A_41 = %scan3A_36 to %scan3A_38 step %scan3A_39  : i32 {
        %mul3A_42 = arith.constant 16 : i32
        %mul3A_43 = arith.muli %scan3A_41, %mul3A_42 : i32
        %swap3A = arith.index_cast %scan3A_35 : i32 to index
        %swap3A_44 = arith.index_cast %mul3A_43 : i32 to index
        %swap3A_45 = tpu.vector_load %arg7[%swap3A, %swap3A_44] {strides = array<i32>} : memref<128x128xf32, #tpu.memory_space<vmem>>, vector<1x16xf32>,
        %swap3A_46 = vector.shape_cast %swap3A_45 : vector<1x16xf32> to vector<16xf32>
        %swap3A_47 = vector.shape_cast %broadcast_in_dim3A_9 : vector<16xf32> to vector<1x16xf32>
        tpu.vector_store %arg7[%swap3A, %swap3A_44], %swap3A_47 {strides = array<i32>} : memref<128x128xf32, #tpu.memory_space<vmem>>, vector<1x16xf32>,
      }
      %scan3A_40 = arith.constant 8 : i32
    }
    %scan3A_14 = arith.constant 128 : i32
    %mul3A_15 = arith.constant 632 : i32
    %mul3A_16 = arith.muli %arg1, %mul3A_15 : i32
    %scan3A_17 = arith.constant 0 : i32
    %scan3A_18 = arith.constant 0 : i32
    %scan3A_19 = arith.constant 4 : i32
    %scan3A_20 = arith.addi %scan3A_18, %scan3A_19 : i32
    %scan3A_21 = arith.constant 1 : i32
    scf.for %scan3A_35 = %scan3A_18 to %scan3A_20 step %scan3A_21  : i32 {
      %mul3A_36 = arith.constant 128 : i32
      %mul3A_37 = arith.muli %scan3A_35, %mul3A_36 : i32
      %add3A_38 = arith.addi %mul3A_16, %mul3A_37 : i32
      "tpu.region"() ({
        %run_scoped3A = tpu.sem_alloc : memref<!tpu.dma_semaphore, #tpu.memory_space<semaphore_mem>>
        %dma_start3A = arith.constant 0 : i32
        %dma_start3A_39 = tpu.memref_slice %arg6[%add3A_38, %dma_start3A] : memref<10112x128xf32, #tpu.memory_space<vmem_shared>> -> memref<128x128xf32, #tpu.memory_space<vmem_shared>>
        %dma_start3A_40 = arith.constant 0 : i32
        %dma_start3A_41 = tpu.memref_slice %arg6[%add3A_38, %dma_start3A_40] : memref<10112x128xf32, #tpu.memory_space<vmem_shared>> -> memref<128x128xf32, #tpu.memory_space<vmem_shared>>
        tpu.enqueue_dma source(%arg7 : memref<128x128xf32, #tpu.memory_space<vmem>>) target(%dma_start3A_41 : memref<128x128xf32, #tpu.memory_space<vmem_shared>>) target_semaphore(%run_scoped3A : memref<!tpu.dma_semaphore, #tpu.memory_space<semaphore_mem>>)
        %dma_wait3A = arith.constant 0 : i32
        %dma_wait3A_42 = tpu.memref_slice %arg6[%add3A_38, %dma_wait3A] : memref<10112x128xf32, #tpu.memory_space<vmem_shared>> -> memref<128x128xf32, #tpu.memory_space<vmem_shared>>
        %dma_wait3A_43 = arith.constant 0 : i32
        %dma_wait3A_44 = tpu.memref_slice %arg6[%add3A_38, %dma_wait3A_43] : memref<10112x128xf32, #tpu.memory_space<vmem_shared>> -> memref<128x128xf32, #tpu.memory_space<vmem_shared>>
        tpu.wait_dma2 semaphore(%run_scoped3A : memref<!tpu.dma_semaphore, #tpu.memory_space<semaphore_mem>>) src(%arg7 : memref<128x128xf32, #tpu.memory_space<vmem>>) dst(%dma_wait3A_44 : memref<128x128xf32, #tpu.memory_space<vmem_shared>>)
        tpu.yield
      }) : () -> ()
    }
    %scan3A_22 = arith.constant 4 : i32
    %add3A_23 = arith.constant 512 : i32
    %add3A_24 = arith.addi %mul3A_16, %add3A_23 : i32
    "tpu.region"() ({
      %run_scoped3A = tpu.sem_alloc : memref<!tpu.dma_semaphore, #tpu.memory_space<semaphore_mem>>
      %dma_start3A = arith.constant 0 : i32
      %dma_start3A_35 = arith.constant 0 : i32
      %dma_start3A_36 = tpu.memref_slice %arg7[%dma_start3A, %dma_start3A_35] : memref<128x128xf32, #tpu.memory_space<vmem>> -> memref<120x128xf32, #tpu.memory_space<vmem>>
      %dma_start3A_37 = arith.constant 0 : i32
      %dma_start3A_38 = tpu.memref_slice %arg6[%add3A_24, %dma_start3A_37] : memref<10112x128xf32, #tpu.memory_space<vmem_shared>> -> memref<120x128xf32, #tpu.memory_space<vmem_shared>>
      %dma_start3A_39 = arith.constant 0 : i32
      %dma_start3A_40 = tpu.memref_slice %arg6[%add3A_24, %dma_start3A_39] : memref<10112x128xf32, #tpu.memory_space<vmem_shared>> -> memref<120x128xf32, #tpu.memory_space<vmem_shared>>
      %dma_start3A_41 = arith.constant 0 : i32
      %dma_start3A_42 = arith.constant 0 : i32
      %dma_start3A_43 = tpu.memref_slice %arg7[%dma_start3A_41, %dma_start3A_42] : memref<128x128xf32, #tpu.memory_space<vmem>> -> memref<120x128xf32, #tpu.memory_space<vmem>>
      tpu.enqueue_dma source(%dma_start3A_43 : memref<120x128xf32, #tpu.memory_space<vmem>>) target(%dma_start3A_40 : memref<120x128xf32, #tpu.memory_space<vmem_shared>>) target_semaphore(%run_scoped3A : memref<!tpu.dma_semaphore, #tpu.memory_space<semaphore_mem>>)
      %dma_wait3A = arith.constant 0 : i32
      %dma_wait3A_44 = arith.constant 0 : i32
      %dma_wait3A_45 = tpu.memref_slice %arg7[%dma_wait3A, %dma_wait3A_44] : memref<128x128xf32, #tpu.memory_space<vmem>> -> memref<120x128xf32, #tpu.memory_space<vmem>>
      %dma_wait3A_46 = arith.constant 0 : i32
      %dma_wait3A_47 = tpu.memref_slice %arg6[%add3A_24, %dma_wait3A_46] : memref<10112x128xf32, #tpu.memory_space<vmem_shared>> -> memref<120x128xf32, #tpu.memory_space<vmem_shared>>
      %dma_wait3A_48 = arith.constant 0 : i32
      %dma_wait3A_49 = tpu.memref_slice %arg6[%add3A_24, %dma_wait3A_48] : memref<10112x128xf32, #tpu.memory_space<vmem_shared>> -> memref<120x128xf32, #tpu.memory_space<vmem_shared>>
      %dma_wait3A_50 = arith.constant 0 : i32
      %dma_wait3A_51 = arith.constant 0 : i32
      %dma_wait3A_52 = tpu.memref_slice %arg7[%dma_wait3A_50, %dma_wait3A_51] : memref<128x128xf32, #tpu.memory_space<vmem>> -> memref<120x128xf32, #tpu.memory_space<vmem>>
      tpu.wait_dma2 semaphore(%run_scoped3A : memref<!tpu.dma_semaphore, #tpu.memory_space<semaphore_mem>>) src(%dma_wait3A_52 : memref<120x128xf32, #tpu.memory_space<vmem>>) dst(%dma_wait3A_49 : memref<120x128xf32, #tpu.memory_space<vmem_shared>>)
      tpu.yield
    }) : () -> ()
    %barrier3A = arith.constant 0 : index
    tpu.barrier barrier_id(%barrier3A)
    %while3A = arith.constant 0 : i32
    %while3A_25 = arith.constant 0 : i32
    %while3A_26 = arith.subi %select_n3A_8, %while3A_25 : i32
    %while3A_27 = arith.addi %while3A_25, %while3A_26 : i32
    %while3A_28 = arith.constant 1 : i32
    %while3A_29 = arith.divsi %while3A_26, %while3A_28 : i32
    %while3A_30 = arith.muli %while3A_29, %while3A_28 : i32
    %while3A_31 = arith.addi %while3A_25, %while3A_30 : i32
    %while3A_32 = arith.constant 1 : i32
    scf.for %while3A_35 = %while3A_25 to %while3A_31 step %while3A_32  : i32 {
      %mul3A_36 = arith.constant 8 : i32
      %mul3A_37 = arith.muli %while3A_35, %mul3A_36 : i32
      %add3A_38 = arith.addi %select_n3A, %mul3A_37 : i32
      "tpu.region"() ({
        %run_scoped3A_156 = tpu.sem_alloc : memref<!tpu.dma_semaphore, #tpu.memory_space<semaphore_mem>>
        %dma_start3A_157 = arith.constant 0 : i32
        %dma_start3A_158 = tpu.memref_slice %arg3[%add3A_38, %dma_start3A_157] : memref<2560x128xi32, #tpu.memory_space<hbm>> -> memref<8x128xi32, #tpu.memory_space<hbm>>
        %dma_start3A_159 = arith.constant 0 : i32
        %dma_start3A_160 = tpu.memref_slice %arg3[%add3A_38, %dma_start3A_159] : memref<2560x128xi32, #tpu.memory_space<hbm>> -> memref<8x128xi32, #tpu.memory_space<hbm>>
        tpu.enqueue_dma source(%dma_start3A_160 : memref<8x128xi32, #tpu.memory_space<hbm>>) target(%arg12 : memref<8x128xi32, #tpu.memory_space<vmem>>) target_semaphore(%run_scoped3A_156 : memref<!tpu.dma_semaphore, #tpu.memory_space<semaphore_mem>>)
        %dma_wait3A_161 = arith.constant 0 : i32
        %dma_wait3A_162 = tpu.memref_slice %arg3[%add3A_38, %dma_wait3A_161] : memref<2560x128xi32, #tpu.memory_space<hbm>> -> memref<8x128xi32, #tpu.memory_space<hbm>>
        %dma_wait3A_163 = arith.constant 0 : i32
        %dma_wait3A_164 = tpu.memref_slice %arg3[%add3A_38, %dma_wait3A_163] : memref<2560x128xi32, #tpu.memory_space<hbm>> -> memref<8x128xi32, #tpu.memory_space<hbm>>
        tpu.wait_dma2 semaphore(%run_scoped3A_156 : memref<!tpu.dma_semaphore, #tpu.memory_space<semaphore_mem>>) src(%dma_wait3A_164 : memref<8x128xi32, #tpu.memory_space<hbm>>) dst(%arg12 : memref<8x128xi32, #tpu.memory_space<vmem>>)
        tpu.yield
      }) : () -> ()
      "tpu.region"() ({
        %run_scoped3A_156 = tpu.sem_alloc : memref<!tpu.dma_semaphore, #tpu.memory_space<semaphore_mem>>
        %dma_start3A_157 = arith.constant 0 : i32
        %dma_start3A_158 = tpu.memref_slice %arg4[%add3A_38, %dma_start3A_157] : memref<2560x128xi32, #tpu.memory_space<hbm>> -> memref<8x128xi32, #tpu.memory_space<hbm>>
        %dma_start3A_159 = arith.constant 0 : i32
        %dma_start3A_160 = tpu.memref_slice %arg4[%add3A_38, %dma_start3A_159] : memref<2560x128xi32, #tpu.memory_space<hbm>> -> memref<8x128xi32, #tpu.memory_space<hbm>>
        tpu.enqueue_dma source(%dma_start3A_160 : memref<8x128xi32, #tpu.memory_space<hbm>>) target(%arg9 : memref<8x128xi32, #tpu.memory_space<vmem>>) target_semaphore(%run_scoped3A_156 : memref<!tpu.dma_semaphore, #tpu.memory_space<semaphore_mem>>)
        %dma_wait3A_161 = arith.constant 0 : i32
        %dma_wait3A_162 = tpu.memref_slice %arg4[%add3A_38, %dma_wait3A_161] : memref<2560x128xi32, #tpu.memory_space<hbm>> -> memref<8x128xi32, #tpu.memory_space<hbm>>
        %dma_wait3A_163 = arith.constant 0 : i32
        %dma_wait3A_164 = tpu.memref_slice %arg4[%add3A_38, %dma_wait3A_163] : memref<2560x128xi32, #tpu.memory_space<hbm>> -> memref<8x128xi32, #tpu.memory_space<hbm>>
        tpu.wait_dma2 semaphore(%run_scoped3A_156 : memref<!tpu.dma_semaphore, #tpu.memory_space<semaphore_mem>>) src(%dma_wait3A_164 : memref<8x128xi32, #tpu.memory_space<hbm>>) dst(%arg9 : memref<8x128xi32, #tpu.memory_space<vmem>>)
        tpu.yield
      }) : () -> ()
      %dma_start3A = arith.constant 0 : i32
      %dma_start3A_39 = arith.constant 0 : i32
      %dma_start3A_40 = tpu.memref_slice %arg12[%dma_start3A, %dma_start3A_39] : memref<8x128xi32, #tpu.memory_space<vmem>> -> memref<1x128xi32, #tpu.memory_space<vmem>>
      %dma_start3A_41 = tpu.memref_squeeze %dma_start3A_40 : memref<1x128xi32, #tpu.memory_space<vmem>> -> memref<128xi32, #tpu.memory_space<vmem>>
      %dma_start3A_42 = arith.constant 0 : i32
      %dma_start3A_43 = arith.constant 0 : i32
      %dma_start3A_44 = tpu.memref_slice %arg2[%dma_start3A_42, %dma_start3A_43] : memref<10000x128xf32, #tpu.memory_space<hbm>> -> memref<10000x128xf32, #tpu.memory_space<hbm>>
      tpu.enqueue_indirect_dma source(%dma_start3A_44 : memref<10000x128xf32, #tpu.memory_space<hbm>>) target(%arg7 : memref<128x128xf32, #tpu.memory_space<vmem>>) offsets(%dma_start3A_41 : memref<128xi32, #tpu.memory_space<vmem>>) semaphore(%arg10 : memref<!tpu.dma_semaphore, #tpu.memory_space<semaphore_mem>>)
      %dma_start3A_45 = arith.constant 1 : i32
      %dma_start3A_46 = arith.constant 0 : i32
      %dma_start3A_47 = tpu.memref_slice %arg12[%dma_start3A_45, %dma_start3A_46] : memref<8x128xi32, #tpu.memory_space<vmem>> -> memref<1x128xi32, #tpu.memory_space<vmem>>
      %dma_start3A_48 = tpu.memref_squeeze %dma_start3A_47 : memref<1x128xi32, #tpu.memory_space<vmem>> -> memref<128xi32, #tpu.memory_space<vmem>>
      %dma_start3A_49 = arith.constant 0 : i32
      %dma_start3A_50 = arith.constant 0 : i32
      %dma_start3A_51 = tpu.memref_slice %arg2[%dma_start3A_49, %dma_start3A_50] : memref<10000x128xf32, #tpu.memory_space<hbm>> -> memref<10000x128xf32, #tpu.memory_space<hbm>>
      tpu.enqueue_indirect_dma source(%dma_start3A_51 : memref<10000x128xf32, #tpu.memory_space<hbm>>) target(%arg8 : memref<128x128xf32, #tpu.memory_space<vmem>>) offsets(%dma_start3A_48 : memref<128xi32, #tpu.memory_space<vmem>>) semaphore(%arg11 : memref<!tpu.dma_semaphore, #tpu.memory_space<semaphore_mem>>)
      %dma_wait3A = arith.constant 0 : i32
      %dma_wait3A_52 = arith.constant 0 : i32
      %dma_wait3A_53 = tpu.memref_slice %arg12[%dma_wait3A, %dma_wait3A_52] : memref<8x128xi32, #tpu.memory_space<vmem>> -> memref<1x128xi32, #tpu.memory_space<vmem>>
      %dma_wait3A_54 = tpu.memref_squeeze %dma_wait3A_53 : memref<1x128xi32, #tpu.memory_space<vmem>> -> memref<128xi32, #tpu.memory_space<vmem>>
      %dma_wait3A_55 = arith.constant 0 : i32
      %dma_wait3A_56 = arith.constant 0 : i32
      %dma_wait3A_57 = tpu.memref_slice %arg2[%dma_wait3A_55, %dma_wait3A_56] : memref<10000x128xf32, #tpu.memory_space<hbm>> -> memref<10000x128xf32, #tpu.memory_space<hbm>>
      tpu.wait_indirect_dma semaphore(%arg10 : memref<!tpu.dma_semaphore, #tpu.memory_space<semaphore_mem>>) src(%dma_wait3A_57 : memref<10000x128xf32, #tpu.memory_space<hbm>>) dst(%arg7 : memref<128x128xf32, #tpu.memory_space<vmem>>)
      %run_scoped3A = arith.constant 0 : i32
      "tpu.region"() ({
        %run_scoped3A_156 = tpu.sem_alloc : memref<!tpu.dma_semaphore, #tpu.memory_space<semaphore_mem>>
        %dma_start3A_157 = arith.constant 0 : i32
        %dma_start3A_158 = tpu.memref_slice %arg9[%run_scoped3A, %dma_start3A_157] : memref<8x128xi32, #tpu.memory_space<vmem>> -> memref<1x128xi32, #tpu.memory_space<vmem>>
        %dma_start3A_159 = tpu.memref_squeeze %dma_start3A_158 : memref<1x128xi32, #tpu.memory_space<vmem>> -> memref<128xi32, #tpu.memory_space<vmem>>
        %dma_start3A_160 = arith.constant 0 : i32
        %dma_start3A_161 = arith.constant 0 : i32
        %dma_start3A_162 = tpu.memref_slice %arg6[%dma_start3A_160, %dma_start3A_161] : memref<10112x128xf32, #tpu.memory_space<vmem_shared>> -> memref<10112x128xf32, #tpu.memory_space<vmem_shared>>
        tpu.enqueue_indirect_dma source(%arg7 : memref<128x128xf32, #tpu.memory_space<vmem>>) target(%dma_start3A_162 : memref<10112x128xf32, #tpu.memory_space<vmem_shared>>) offsets(%dma_start3A_159 : memref<128xi32, #tpu.memory_space<vmem>>) semaphore(%run_scoped3A_156 : memref<!tpu.dma_semaphore, #tpu.memory_space<semaphore_mem>>) {add = true}
        %dma_wait3A_163 = arith.constant 0 : i32
        %dma_wait3A_164 = tpu.memref_slice %arg9[%run_scoped3A, %dma_wait3A_163] : memref<8x128xi32, #tpu.memory_space<vmem>> -> memref<1x128xi32, #tpu.memory_space<vmem>>
        %dma_wait3A_165 = tpu.memref_squeeze %dma_wait3A_164 : memref<1x128xi32, #tpu.memory_space<vmem>> -> memref<128xi32, #tpu.memory_space<vmem>>
        %dma_wait3A_166 = arith.constant 0 : i32
        %dma_wait3A_167 = arith.constant 0 : i32
        %dma_wait3A_168 = tpu.memref_slice %arg6[%dma_wait3A_166, %dma_wait3A_167] : memref<10112x128xf32, #tpu.memory_space<vmem_shared>> -> memref<10112x128xf32, #tpu.memory_space<vmem_shared>>
        tpu.wait_indirect_dma semaphore(%run_scoped3A_156 : memref<!tpu.dma_semaphore, #tpu.memory_space<semaphore_mem>>) src(%arg7 : memref<128x128xf32, #tpu.memory_space<vmem>>) dst(%dma_wait3A_168 : memref<10112x128xf32, #tpu.memory_space<vmem_shared>>)
        tpu.yield
      }) : () -> ()
      %dma_start3A_58 = arith.constant 2 : i32
      %dma_start3A_59 = arith.constant 0 : i32
      %dma_start3A_60 = tpu.memref_slice %arg12[%dma_start3A_58, %dma_start3A_59] : memref<8x128xi32, #tpu.memory_space<vmem>> -> memref<1x128xi32, #tpu.memory_space<vmem>>
      %dma_start3A_61 = tpu.memref_squeeze %dma_start3A_60 : memref<1x128xi32, #tpu.memory_space<vmem>> -> memref<128xi32, #tpu.memory_space<vmem>>
      %dma_start3A_62 = arith.constant 0 : i32
      %dma_start3A_63 = arith.constant 0 : i32
      %dma_start3A_64 = tpu.memref_slice %arg2[%dma_start3A_62, %dma_start3A_63] : memref<10000x128xf32, #tpu.memory_space<hbm>> -> memref<10000x128xf32, #tpu.memory_space<hbm>>
      tpu.enqueue_indirect_dma source(%dma_start3A_64 : memref<10000x128xf32, #tpu.memory_space<hbm>>) target(%arg7 : memref<128x128xf32, #tpu.memory_space<vmem>>) offsets(%dma_start3A_61 : memref<128xi32, #tpu.memory_space<vmem>>) semaphore(%arg10 : memref<!tpu.dma_semaphore, #tpu.memory_space<semaphore_mem>>)
      %dma_wait3A_65 = arith.constant 1 : i32
      %dma_wait3A_66 = arith.constant 0 : i32
      %dma_wait3A_67 = tpu.memref_slice %arg12[%dma_wait3A_65, %dma_wait3A_66] : memref<8x128xi32, #tpu.memory_space<vmem>> -> memref<1x128xi32, #tpu.memory_space<vmem>>
      %dma_wait3A_68 = tpu.memref_squeeze %dma_wait3A_67 : memref<1x128xi32, #tpu.memory_space<vmem>> -> memref<128xi32, #tpu.memory_space<vmem>>
      %dma_wait3A_69 = arith.constant 0 : i32
      %dma_wait3A_70 = arith.constant 0 : i32
      %dma_wait3A_71 = tpu.memref_slice %arg2[%dma_wait3A_69, %dma_wait3A_70] : memref<10000x128xf32, #tpu.memory_space<hbm>> -> memref<10000x128xf32, #tpu.memory_space<hbm>>
      tpu.wait_indirect_dma semaphore(%arg11 : memref<!tpu.dma_semaphore, #tpu.memory_space<semaphore_mem>>) src(%dma_wait3A_71 : memref<10000x128xf32, #tpu.memory_space<hbm>>) dst(%arg8 : memref<128x128xf32, #tpu.memory_space<vmem>>)
      %run_scoped3A_72 = arith.constant 1 : i32
      "tpu.region"() ({
        %run_scoped3A_156 = tpu.sem_alloc : memref<!tpu.dma_semaphore, #tpu.memory_space<semaphore_mem>>
        %dma_start3A_157 = arith.constant 0 : i32
        %dma_start3A_158 = tpu.memref_slice %arg9[%run_scoped3A_72, %dma_start3A_157] : memref<8x128xi32, #tpu.memory_space<vmem>> -> memref<1x128xi32, #tpu.memory_space<vmem>>
        %dma_start3A_159 = tpu.memref_squeeze %dma_start3A_158 : memref<1x128xi32, #tpu.memory_space<vmem>> -> memref<128xi32, #tpu.memory_space<vmem>>
        %dma_start3A_160 = arith.constant 0 : i32
        %dma_start3A_161 = arith.constant 0 : i32
        %dma_start3A_162 = tpu.memref_slice %arg6[%dma_start3A_160, %dma_start3A_161] : memref<10112x128xf32, #tpu.memory_space<vmem_shared>> -> memref<10112x128xf32, #tpu.memory_space<vmem_shared>>
        tpu.enqueue_indirect_dma source(%arg8 : memref<128x128xf32, #tpu.memory_space<vmem>>) target(%dma_start3A_162 : memref<10112x128xf32, #tpu.memory_space<vmem_shared>>) offsets(%dma_start3A_159 : memref<128xi32, #tpu.memory_space<vmem>>) semaphore(%run_scoped3A_156 : memref<!tpu.dma_semaphore, #tpu.memory_space<semaphore_mem>>) {add = true}
        %dma_wait3A_163 = arith.constant 0 : i32
        %dma_wait3A_164 = tpu.memref_slice %arg9[%run_scoped3A_72, %dma_wait3A_163] : memref<8x128xi32, #tpu.memory_space<vmem>> -> memref<1x128xi32, #tpu.memory_space<vmem>>
        %dma_wait3A_165 = tpu.memref_squeeze %dma_wait3A_164 : memref<1x128xi32, #tpu.memory_space<vmem>> -> memref<128xi32, #tpu.memory_space<vmem>>
        %dma_wait3A_166 = arith.constant 0 : i32
        %dma_wait3A_167 = arith.constant 0 : i32
        %dma_wait3A_168 = tpu.memref_slice %arg6[%dma_wait3A_166, %dma_wait3A_167] : memref<10112x128xf32, #tpu.memory_space<vmem_shared>> -> memref<10112x128xf32, #tpu.memory_space<vmem_shared>>
        tpu.wait_indirect_dma semaphore(%run_scoped3A_156 : memref<!tpu.dma_semaphore, #tpu.memory_space<semaphore_mem>>) src(%arg8 : memref<128x128xf32, #tpu.memory_space<vmem>>) dst(%dma_wait3A_168 : memref<10112x128xf32, #tpu.memory_space<vmem_shared>>)
        tpu.yield
      }) : () -> ()
      %dma_start3A_73 = arith.constant 3 : i32
      %dma_start3A_74 = arith.constant 0 : i32
      %dma_start3A_75 = tpu.memref_slice %arg12[%dma_start3A_73, %dma_start3A_74] : memref<8x128xi32, #tpu.memory_space<vmem>> -> memref<1x128xi32, #tpu.memory_space<vmem>>
      %dma_start3A_76 = tpu.memref_squeeze %dma_start3A_75 : memref<1x128xi32, #tpu.memory_space<vmem>> -> memref<128xi32, #tpu.memory_space<vmem>>
      %dma_start3A_77 = arith.constant 0 : i32
      %dma_start3A_78 = arith.constant 0 : i32
      %dma_start3A_79 = tpu.memref_slice %arg2[%dma_start3A_77, %dma_start3A_78] : memref<10000x128xf32, #tpu.memory_space<hbm>> -> memref<10000x128xf32, #tpu.memory_space<hbm>>
      tpu.enqueue_indirect_dma source(%dma_start3A_79 : memref<10000x128xf32, #tpu.memory_space<hbm>>) target(%arg8 : memref<128x128xf32, #tpu.memory_space<vmem>>) offsets(%dma_start3A_76 : memref<128xi32, #tpu.memory_space<vmem>>) semaphore(%arg11 : memref<!tpu.dma_semaphore, #tpu.memory_space<semaphore_mem>>)
      %dma_wait3A_80 = arith.constant 2 : i32
      %dma_wait3A_81 = arith.constant 0 : i32
      %dma_wait3A_82 = tpu.memref_slice %arg12[%dma_wait3A_80, %dma_wait3A_81] : memref<8x128xi32, #tpu.memory_space<vmem>> -> memref<1x128xi32, #tpu.memory_space<vmem>>
      %dma_wait3A_83 = tpu.memref_squeeze %dma_wait3A_82 : memref<1x128xi32, #tpu.memory_space<vmem>> -> memref<128xi32, #tpu.memory_space<vmem>>
      %dma_wait3A_84 = arith.constant 0 : i32
      %dma_wait3A_85 = arith.constant 0 : i32
      %dma_wait3A_86 = tpu.memref_slice %arg2[%dma_wait3A_84, %dma_wait3A_85] : memref<10000x128xf32, #tpu.memory_space<hbm>> -> memref<10000x128xf32, #tpu.memory_space<hbm>>
      tpu.wait_indirect_dma semaphore(%arg10 : memref<!tpu.dma_semaphore, #tpu.memory_space<semaphore_mem>>) src(%dma_wait3A_86 : memref<10000x128xf32, #tpu.memory_space<hbm>>) dst(%arg7 : memref<128x128xf32, #tpu.memory_space<vmem>>)
      %run_scoped3A_87 = arith.constant 2 : i32
      "tpu.region"() ({
        %run_scoped3A_156 = tpu.sem_alloc : memref<!tpu.dma_semaphore, #tpu.memory_space<semaphore_mem>>
        %dma_start3A_157 = arith.constant 0 : i32
        %dma_start3A_158 = tpu.memref_slice %arg9[%run_scoped3A_87, %dma_start3A_157] : memref<8x128xi32, #tpu.memory_space<vmem>> -> memref<1x128xi32, #tpu.memory_space<vmem>>
        %dma_start3A_159 = tpu.memref_squeeze %dma_start3A_158 : memref<1x128xi32, #tpu.memory_space<vmem>> -> memref<128xi32, #tpu.memory_space<vmem>>
        %dma_start3A_160 = arith.constant 0 : i32
        %dma_start3A_161 = arith.constant 0 : i32
        %dma_start3A_162 = tpu.memref_slice %arg6[%dma_start3A_160, %dma_start3A_161] : memref<10112x128xf32, #tpu.memory_space<vmem_shared>> -> memref<10112x128xf32, #tpu.memory_space<vmem_shared>>
        tpu.enqueue_indirect_dma source(%arg7 : memref<128x128xf32, #tpu.memory_space<vmem>>) target(%dma_start3A_162 : memref<10112x128xf32, #tpu.memory_space<vmem_shared>>) offsets(%dma_start3A_159 : memref<128xi32, #tpu.memory_space<vmem>>) semaphore(%run_scoped3A_156 : memref<!tpu.dma_semaphore, #tpu.memory_space<semaphore_mem>>) {add = true}
        %dma_wait3A_163 = arith.constant 0 : i32
        %dma_wait3A_164 = tpu.memref_slice %arg9[%run_scoped3A_87, %dma_wait3A_163] : memref<8x128xi32, #tpu.memory_space<vmem>> -> memref<1x128xi32, #tpu.memory_space<vmem>>
        %dma_wait3A_165 = tpu.memref_squeeze %dma_wait3A_164 : memref<1x128xi32, #tpu.memory_space<vmem>> -> memref<128xi32, #tpu.memory_space<vmem>>
        %dma_wait3A_166 = arith.constant 0 : i32
        %dma_wait3A_167 = arith.constant 0 : i32
        %dma_wait3A_168 = tpu.memref_slice %arg6[%dma_wait3A_166, %dma_wait3A_167] : memref<10112x128xf32, #tpu.memory_space<vmem_shared>> -> memref<10112x128xf32, #tpu.memory_space<vmem_shared>>
        tpu.wait_indirect_dma semaphore(%run_scoped3A_156 : memref<!tpu.dma_semaphore, #tpu.memory_space<semaphore_mem>>) src(%arg7 : memref<128x128xf32, #tpu.memory_space<vmem>>) dst(%dma_wait3A_168 : memref<10112x128xf32, #tpu.memory_space<vmem_shared>>)
        tpu.yield
      }) : () -> ()
      %dma_start3A_88 = arith.constant 4 : i32
      %dma_start3A_89 = arith.constant 0 : i32
      %dma_start3A_90 = tpu.memref_slice %arg12[%dma_start3A_88, %dma_start3A_89] : memref<8x128xi32, #tpu.memory_space<vmem>> -> memref<1x128xi32, #tpu.memory_space<vmem>>
      %dma_start3A_91 = tpu.memref_squeeze %dma_start3A_90 : memref<1x128xi32, #tpu.memory_space<vmem>> -> memref<128xi32, #tpu.memory_space<vmem>>
      %dma_start3A_92 = arith.constant 0 : i32
      %dma_start3A_93 = arith.constant 0 : i32
      %dma_start3A_94 = tpu.memref_slice %arg2[%dma_start3A_92, %dma_start3A_93] : memref<10000x128xf32, #tpu.memory_space<hbm>> -> memref<10000x128xf32, #tpu.memory_space<hbm>>
      tpu.enqueue_indirect_dma source(%dma_start3A_94 : memref<10000x128xf32, #tpu.memory_space<hbm>>) target(%arg7 : memref<128x128xf32, #tpu.memory_space<vmem>>) offsets(%dma_start3A_91 : memref<128xi32, #tpu.memory_space<vmem>>) semaphore(%arg10 : memref<!tpu.dma_semaphore, #tpu.memory_space<semaphore_mem>>)
      %dma_wait3A_95 = arith.constant 3 : i32
      %dma_wait3A_96 = arith.constant 0 : i32
      %dma_wait3A_97 = tpu.memref_slice %arg12[%dma_wait3A_95, %dma_wait3A_96] : memref<8x128xi32, #tpu.memory_space<vmem>> -> memref<1x128xi32, #tpu.memory_space<vmem>>
      %dma_wait3A_98 = tpu.memref_squeeze %dma_wait3A_97 : memref<1x128xi32, #tpu.memory_space<vmem>> -> memref<128xi32, #tpu.memory_space<vmem>>
      %dma_wait3A_99 = arith.constant 0 : i32
      %dma_wait3A_100 = arith.constant 0 : i32
      %dma_wait3A_101 = tpu.memref_slice %arg2[%dma_wait3A_99, %dma_wait3A_100] : memref<10000x128xf32, #tpu.memory_space<hbm>> -> memref<10000x128xf32, #tpu.memory_space<hbm>>
      tpu.wait_indirect_dma semaphore(%arg11 : memref<!tpu.dma_semaphore, #tpu.memory_space<semaphore_mem>>) src(%dma_wait3A_101 : memref<10000x128xf32, #tpu.memory_space<hbm>>) dst(%arg8 : memref<128x128xf32, #tpu.memory_space<vmem>>)
      %run_scoped3A_102 = arith.constant 3 : i32
      "tpu.region"() ({
        %run_scoped3A_156 = tpu.sem_alloc : memref<!tpu.dma_semaphore, #tpu.memory_space<semaphore_mem>>
        %dma_start3A_157 = arith.constant 0 : i32
        %dma_start3A_158 = tpu.memref_slice %arg9[%run_scoped3A_102, %dma_start3A_157] : memref<8x128xi32, #tpu.memory_space<vmem>> -> memref<1x128xi32, #tpu.memory_space<vmem>>
        %dma_start3A_159 = tpu.memref_squeeze %dma_start3A_158 : memref<1x128xi32, #tpu.memory_space<vmem>> -> memref<128xi32, #tpu.memory_space<vmem>>
        %dma_start3A_160 = arith.constant 0 : i32
        %dma_start3A_161 = arith.constant 0 : i32
        %dma_start3A_162 = tpu.memref_slice %arg6[%dma_start3A_160, %dma_start3A_161] : memref<10112x128xf32, #tpu.memory_space<vmem_shared>> -> memref<10112x128xf32, #tpu.memory_space<vmem_shared>>
        tpu.enqueue_indirect_dma source(%arg8 : memref<128x128xf32, #tpu.memory_space<vmem>>) target(%dma_start3A_162 : memref<10112x128xf32, #tpu.memory_space<vmem_shared>>) offsets(%dma_start3A_159 : memref<128xi32, #tpu.memory_space<vmem>>) semaphore(%run_scoped3A_156 : memref<!tpu.dma_semaphore, #tpu.memory_space<semaphore_mem>>) {add = true}
        %dma_wait3A_163 = arith.constant 0 : i32
        %dma_wait3A_164 = tpu.memref_slice %arg9[%run_scoped3A_102, %dma_wait3A_163] : memref<8x128xi32, #tpu.memory_space<vmem>> -> memref<1x128xi32, #tpu.memory_space<vmem>>
        %dma_wait3A_165 = tpu.memref_squeeze %dma_wait3A_164 : memref<1x128xi32, #tpu.memory_space<vmem>> -> memref<128xi32, #tpu.memory_space<vmem>>
        %dma_wait3A_166 = arith.constant 0 : i32
        %dma_wait3A_167 = arith.constant 0 : i32
        %dma_wait3A_168 = tpu.memref_slice %arg6[%dma_wait3A_166, %dma_wait3A_167] : memref<10112x128xf32, #tpu.memory_space<vmem_shared>> -> memref<10112x128xf32, #tpu.memory_space<vmem_shared>>
        tpu.wait_indirect_dma semaphore(%run_scoped3A_156 : memref<!tpu.dma_semaphore, #tpu.memory_space<semaphore_mem>>) src(%arg8 : memref<128x128xf32, #tpu.memory_space<vmem>>) dst(%dma_wait3A_168 : memref<10112x128xf32, #tpu.memory_space<vmem_shared>>)
        tpu.yield
      }) : () -> ()
      %dma_start3A_103 = arith.constant 5 : i32
      %dma_start3A_104 = arith.constant 0 : i32
      %dma_start3A_105 = tpu.memref_slice %arg12[%dma_start3A_103, %dma_start3A_104] : memref<8x128xi32, #tpu.memory_space<vmem>> -> memref<1x128xi32, #tpu.memory_space<vmem>>
      %dma_start3A_106 = tpu.memref_squeeze %dma_start3A_105 : memref<1x128xi32, #tpu.memory_space<vmem>> -> memref<128xi32, #tpu.memory_space<vmem>>
      %dma_start3A_107 = arith.constant 0 : i32
      %dma_start3A_108 = arith.constant 0 : i32
      %dma_start3A_109 = tpu.memref_slice %arg2[%dma_start3A_107, %dma_start3A_108] : memref<10000x128xf32, #tpu.memory_space<hbm>> -> memref<10000x128xf32, #tpu.memory_space<hbm>>
      tpu.enqueue_indirect_dma source(%dma_start3A_109 : memref<10000x128xf32, #tpu.memory_space<hbm>>) target(%arg8 : memref<128x128xf32, #tpu.memory_space<vmem>>) offsets(%dma_start3A_106 : memref<128xi32, #tpu.memory_space<vmem>>) semaphore(%arg11 : memref<!tpu.dma_semaphore, #tpu.memory_space<semaphore_mem>>)
      %dma_wait3A_110 = arith.constant 4 : i32
      %dma_wait3A_111 = arith.constant 0 : i32
      %dma_wait3A_112 = tpu.memref_slice %arg12[%dma_wait3A_110, %dma_wait3A_111] : memref<8x128xi32, #tpu.memory_space<vmem>> -> memref<1x128xi32, #tpu.memory_space<vmem>>
      %dma_wait3A_113 = tpu.memref_squeeze %dma_wait3A_112 : memref<1x128xi32, #tpu.memory_space<vmem>> -> memref<128xi32, #tpu.memory_space<vmem>>
      %dma_wait3A_114 = arith.constant 0 : i32
      %dma_wait3A_115 = arith.constant 0 : i32
      %dma_wait3A_116 = tpu.memref_slice %arg2[%dma_wait3A_114, %dma_wait3A_115] : memref<10000x128xf32, #tpu.memory_space<hbm>> -> memref<10000x128xf32, #tpu.memory_space<hbm>>
      tpu.wait_indirect_dma semaphore(%arg10 : memref<!tpu.dma_semaphore, #tpu.memory_space<semaphore_mem>>) src(%dma_wait3A_116 : memref<10000x128xf32, #tpu.memory_space<hbm>>) dst(%arg7 : memref<128x128xf32, #tpu.memory_space<vmem>>)
      %run_scoped3A_117 = arith.constant 4 : i32
      "tpu.region"() ({
        %run_scoped3A_156 = tpu.sem_alloc : memref<!tpu.dma_semaphore, #tpu.memory_space<semaphore_mem>>
        %dma_start3A_157 = arith.constant 0 : i32
        %dma_start3A_158 = tpu.memref_slice %arg9[%run_scoped3A_117, %dma_start3A_157] : memref<8x128xi32, #tpu.memory_space<vmem>> -> memref<1x128xi32, #tpu.memory_space<vmem>>
        %dma_start3A_159 = tpu.memref_squeeze %dma_start3A_158 : memref<1x128xi32, #tpu.memory_space<vmem>> -> memref<128xi32, #tpu.memory_space<vmem>>
        %dma_start3A_160 = arith.constant 0 : i32
        %dma_start3A_161 = arith.constant 0 : i32
        %dma_start3A_162 = tpu.memref_slice %arg6[%dma_start3A_160, %dma_start3A_161] : memref<10112x128xf32, #tpu.memory_space<vmem_shared>> -> memref<10112x128xf32, #tpu.memory_space<vmem_shared>>
        tpu.enqueue_indirect_dma source(%arg7 : memref<128x128xf32, #tpu.memory_space<vmem>>) target(%dma_start3A_162 : memref<10112x128xf32, #tpu.memory_space<vmem_shared>>) offsets(%dma_start3A_159 : memref<128xi32, #tpu.memory_space<vmem>>) semaphore(%run_scoped3A_156 : memref<!tpu.dma_semaphore, #tpu.memory_space<semaphore_mem>>) {add = true}
        %dma_wait3A_163 = arith.constant 0 : i32
        %dma_wait3A_164 = tpu.memref_slice %arg9[%run_scoped3A_117, %dma_wait3A_163] : memref<8x128xi32, #tpu.memory_space<vmem>> -> memref<1x128xi32, #tpu.memory_space<vmem>>
        %dma_wait3A_165 = tpu.memref_squeeze %dma_wait3A_164 : memref<1x128xi32, #tpu.memory_space<vmem>> -> memref<128xi32, #tpu.memory_space<vmem>>
        %dma_wait3A_166 = arith.constant 0 : i32
        %dma_wait3A_167 = arith.constant 0 : i32
        %dma_wait3A_168 = tpu.memref_slice %arg6[%dma_wait3A_166, %dma_wait3A_167] : memref<10112x128xf32, #tpu.memory_space<vmem_shared>> -> memref<10112x128xf32, #tpu.memory_space<vmem_shared>>
        tpu.wait_indirect_dma semaphore(%run_scoped3A_156 : memref<!tpu.dma_semaphore, #tpu.memory_space<semaphore_mem>>) src(%arg7 : memref<128x128xf32, #tpu.memory_space<vmem>>) dst(%dma_wait3A_168 : memref<10112x128xf32, #tpu.memory_space<vmem_shared>>)
        tpu.yield
      }) : () -> ()
      %dma_start3A_118 = arith.constant 6 : i32
      %dma_start3A_119 = arith.constant 0 : i32
      %dma_start3A_120 = tpu.memref_slice %arg12[%dma_start3A_118, %dma_start3A_119] : memref<8x128xi32, #tpu.memory_space<vmem>> -> memref<1x128xi32, #tpu.memory_space<vmem>>
      %dma_start3A_121 = tpu.memref_squeeze %dma_start3A_120 : memref<1x128xi32, #tpu.memory_space<vmem>> -> memref<128xi32, #tpu.memory_space<vmem>>
      %dma_start3A_122 = arith.constant 0 : i32
      %dma_start3A_123 = arith.constant 0 : i32
      %dma_start3A_124 = tpu.memref_slice %arg2[%dma_start3A_122, %dma_start3A_123] : memref<10000x128xf32, #tpu.memory_space<hbm>> -> memref<10000x128xf32, #tpu.memory_space<hbm>>
      tpu.enqueue_indirect_dma source(%dma_start3A_124 : memref<10000x128xf32, #tpu.memory_space<hbm>>) target(%arg7 : memref<128x128xf32, #tpu.memory_space<vmem>>) offsets(%dma_start3A_121 : memref<128xi32, #tpu.memory_space<vmem>>) semaphore(%arg10 : memref<!tpu.dma_semaphore, #tpu.memory_space<semaphore_mem>>)
      %dma_wait3A_125 = arith.constant 5 : i32
      %dma_wait3A_126 = arith.constant 0 : i32
      %dma_wait3A_127 = tpu.memref_slice %arg12[%dma_wait3A_125, %dma_wait3A_126] : memref<8x128xi32, #tpu.memory_space<vmem>> -> memref<1x128xi32, #tpu.memory_space<vmem>>
      %dma_wait3A_128 = tpu.memref_squeeze %dma_wait3A_127 : memref<1x128xi32, #tpu.memory_space<vmem>> -> memref<128xi32, #tpu.memory_space<vmem>>
      %dma_wait3A_129 = arith.constant 0 : i32
      %dma_wait3A_130 = arith.constant 0 : i32
      %dma_wait3A_131 = tpu.memref_slice %arg2[%dma_wait3A_129, %dma_wait3A_130] : memref<10000x128xf32, #tpu.memory_space<hbm>> -> memref<10000x128xf32, #tpu.memory_space<hbm>>
      tpu.wait_indirect_dma semaphore(%arg11 : memref<!tpu.dma_semaphore, #tpu.memory_space<semaphore_mem>>) src(%dma_wait3A_131 : memref<10000x128xf32, #tpu.memory_space<hbm>>) dst(%arg8 : memref<128x128xf32, #tpu.memory_space<vmem>>)
      %run_scoped3A_132 = arith.constant 5 : i32
      "tpu.region"() ({
        %run_scoped3A_156 = tpu.sem_alloc : memref<!tpu.dma_semaphore, #tpu.memory_space<semaphore_mem>>
        %dma_start3A_157 = arith.constant 0 : i32
        %dma_start3A_158 = tpu.memref_slice %arg9[%run_scoped3A_132, %dma_start3A_157] : memref<8x128xi32, #tpu.memory_space<vmem>> -> memref<1x128xi32, #tpu.memory_space<vmem>>
        %dma_start3A_159 = tpu.memref_squeeze %dma_start3A_158 : memref<1x128xi32, #tpu.memory_space<vmem>> -> memref<128xi32, #tpu.memory_space<vmem>>
        %dma_start3A_160 = arith.constant 0 : i32
        %dma_start3A_161 = arith.constant 0 : i32
        %dma_start3A_162 = tpu.memref_slice %arg6[%dma_start3A_160, %dma_start3A_161] : memref<10112x128xf32, #tpu.memory_space<vmem_shared>> -> memref<10112x128xf32, #tpu.memory_space<vmem_shared>>
        tpu.enqueue_indirect_dma source(%arg8 : memref<128x128xf32, #tpu.memory_space<vmem>>) target(%dma_start3A_162 : memref<10112x128xf32, #tpu.memory_space<vmem_shared>>) offsets(%dma_start3A_159 : memref<128xi32, #tpu.memory_space<vmem>>) semaphore(%run_scoped3A_156 : memref<!tpu.dma_semaphore, #tpu.memory_space<semaphore_mem>>) {add = true}
        %dma_wait3A_163 = arith.constant 0 : i32
        %dma_wait3A_164 = tpu.memref_slice %arg9[%run_scoped3A_132, %dma_wait3A_163] : memref<8x128xi32, #tpu.memory_space<vmem>> -> memref<1x128xi32, #tpu.memory_space<vmem>>
        %dma_wait3A_165 = tpu.memref_squeeze %dma_wait3A_164 : memref<1x128xi32, #tpu.memory_space<vmem>> -> memref<128xi32, #tpu.memory_space<vmem>>
        %dma_wait3A_166 = arith.constant 0 : i32
        %dma_wait3A_167 = arith.constant 0 : i32
        %dma_wait3A_168 = tpu.memref_slice %arg6[%dma_wait3A_166, %dma_wait3A_167] : memref<10112x128xf32, #tpu.memory_space<vmem_shared>> -> memref<10112x128xf32, #tpu.memory_space<vmem_shared>>
        tpu.wait_indirect_dma semaphore(%run_scoped3A_156 : memref<!tpu.dma_semaphore, #tpu.memory_space<semaphore_mem>>) src(%arg8 : memref<128x128xf32, #tpu.memory_space<vmem>>) dst(%dma_wait3A_168 : memref<10112x128xf32, #tpu.memory_space<vmem_shared>>)
        tpu.yield
      }) : () -> ()
      %dma_start3A_133 = arith.constant 7 : i32
      %dma_start3A_134 = arith.constant 0 : i32
      %dma_start3A_135 = tpu.memref_slice %arg12[%dma_start3A_133, %dma_start3A_134] : memref<8x128xi32, #tpu.memory_space<vmem>> -> memref<1x128xi32, #tpu.memory_space<vmem>>
      %dma_start3A_136 = tpu.memref_squeeze %dma_start3A_135 : memref<1x128xi32, #tpu.memory_space<vmem>> -> memref<128xi32, #tpu.memory_space<vmem>>
      %dma_start3A_137 = arith.constant 0 : i32
      %dma_start3A_138 = arith.constant 0 : i32
      %dma_start3A_139 = tpu.memref_slice %arg2[%dma_start3A_137, %dma_start3A_138] : memref<10000x128xf32, #tpu.memory_space<hbm>> -> memref<10000x128xf32, #tpu.memory_space<hbm>>
      tpu.enqueue_indirect_dma source(%dma_start3A_139 : memref<10000x128xf32, #tpu.memory_space<hbm>>) target(%arg8 : memref<128x128xf32, #tpu.memory_space<vmem>>) offsets(%dma_start3A_136 : memref<128xi32, #tpu.memory_space<vmem>>) semaphore(%arg11 : memref<!tpu.dma_semaphore, #tpu.memory_space<semaphore_mem>>)
      %dma_wait3A_140 = arith.constant 6 : i32
      %dma_wait3A_141 = arith.constant 0 : i32
      %dma_wait3A_142 = tpu.memref_slice %arg12[%dma_wait3A_140, %dma_wait3A_141] : memref<8x128xi32, #tpu.memory_space<vmem>> -> memref<1x128xi32, #tpu.memory_space<vmem>>
      %dma_wait3A_143 = tpu.memref_squeeze %dma_wait3A_142 : memref<1x128xi32, #tpu.memory_space<vmem>> -> memref<128xi32, #tpu.memory_space<vmem>>
      %dma_wait3A_144 = arith.constant 0 : i32
      %dma_wait3A_145 = arith.constant 0 : i32
      %dma_wait3A_146 = tpu.memref_slice %arg2[%dma_wait3A_144, %dma_wait3A_145] : memref<10000x128xf32, #tpu.memory_space<hbm>> -> memref<10000x128xf32, #tpu.memory_space<hbm>>
      tpu.wait_indirect_dma semaphore(%arg10 : memref<!tpu.dma_semaphore, #tpu.memory_space<semaphore_mem>>) src(%dma_wait3A_146 : memref<10000x128xf32, #tpu.memory_space<hbm>>) dst(%arg7 : memref<128x128xf32, #tpu.memory_space<vmem>>)
      %run_scoped3A_147 = arith.constant 6 : i32
      "tpu.region"() ({
        %run_scoped3A_156 = tpu.sem_alloc : memref<!tpu.dma_semaphore, #tpu.memory_space<semaphore_mem>>
        %dma_start3A_157 = arith.constant 0 : i32
        %dma_start3A_158 = tpu.memref_slice %arg9[%run_scoped3A_147, %dma_start3A_157] : memref<8x128xi32, #tpu.memory_space<vmem>> -> memref<1x128xi32, #tpu.memory_space<vmem>>
        %dma_start3A_159 = tpu.memref_squeeze %dma_start3A_158 : memref<1x128xi32, #tpu.memory_space<vmem>> -> memref<128xi32, #tpu.memory_space<vmem>>
        %dma_start3A_160 = arith.constant 0 : i32
        %dma_start3A_161 = arith.constant 0 : i32
        %dma_start3A_162 = tpu.memref_slice %arg6[%dma_start3A_160, %dma_start3A_161] : memref<10112x128xf32, #tpu.memory_space<vmem_shared>> -> memref<10112x128xf32, #tpu.memory_space<vmem_shared>>
        tpu.enqueue_indirect_dma source(%arg7 : memref<128x128xf32, #tpu.memory_space<vmem>>) target(%dma_start3A_162 : memref<10112x128xf32, #tpu.memory_space<vmem_shared>>) offsets(%dma_start3A_159 : memref<128xi32, #tpu.memory_space<vmem>>) semaphore(%run_scoped3A_156 : memref<!tpu.dma_semaphore, #tpu.memory_space<semaphore_mem>>) {add = true}
        %dma_wait3A_163 = arith.constant 0 : i32
        %dma_wait3A_164 = tpu.memref_slice %arg9[%run_scoped3A_147, %dma_wait3A_163] : memref<8x128xi32, #tpu.memory_space<vmem>> -> memref<1x128xi32, #tpu.memory_space<vmem>>
        %dma_wait3A_165 = tpu.memref_squeeze %dma_wait3A_164 : memref<1x128xi32, #tpu.memory_space<vmem>> -> memref<128xi32, #tpu.memory_space<vmem>>
        %dma_wait3A_166 = arith.constant 0 : i32
        %dma_wait3A_167 = arith.constant 0 : i32
        %dma_wait3A_168 = tpu.memref_slice %arg6[%dma_wait3A_166, %dma_wait3A_167] : memref<10112x128xf32, #tpu.memory_space<vmem_shared>> -> memref<10112x128xf32, #tpu.memory_space<vmem_shared>>
        tpu.wait_indirect_dma semaphore(%run_scoped3A_156 : memref<!tpu.dma_semaphore, #tpu.memory_space<semaphore_mem>>) src(%arg7 : memref<128x128xf32, #tpu.memory_space<vmem>>) dst(%dma_wait3A_168 : memref<10112x128xf32, #tpu.memory_space<vmem_shared>>)
        tpu.yield
      }) : () -> ()
      %dma_wait3A_148 = arith.constant 7 : i32
      %dma_wait3A_149 = arith.constant 0 : i32
      %dma_wait3A_150 = tpu.memref_slice %arg12[%dma_wait3A_148, %dma_wait3A_149] : memref<8x128xi32, #tpu.memory_space<vmem>> -> memref<1x128xi32, #tpu.memory_space<vmem>>
      %dma_wait3A_151 = tpu.memref_squeeze %dma_wait3A_150 : memref<1x128xi32, #tpu.memory_space<vmem>> -> memref<128xi32, #tpu.memory_space<vmem>>
      %dma_wait3A_152 = arith.constant 0 : i32
      %dma_wait3A_153 = arith.constant 0 : i32
      %dma_wait3A_154 = tpu.memref_slice %arg2[%dma_wait3A_152, %dma_wait3A_153] : memref<10000x128xf32, #tpu.memory_space<hbm>> -> memref<10000x128xf32, #tpu.memory_space<hbm>>
      tpu.wait_indirect_dma semaphore(%arg11 : memref<!tpu.dma_semaphore, #tpu.memory_space<semaphore_mem>>) src(%dma_wait3A_154 : memref<10000x128xf32, #tpu.memory_space<hbm>>) dst(%arg8 : memref<128x128xf32, #tpu.memory_space<vmem>>)
      %run_scoped3A_155 = arith.constant 7 : i32
      "tpu.region"() ({
        %run_scoped3A_156 = tpu.sem_alloc : memref<!tpu.dma_semaphore, #tpu.memory_space<semaphore_mem>>
        %dma_start3A_157 = arith.constant 0 : i32
        %dma_start3A_158 = tpu.memref_slice %arg9[%run_scoped3A_155, %dma_start3A_157] : memref<8x128xi32, #tpu.memory_space<vmem>> -> memref<1x128xi32, #tpu.memory_space<vmem>>
        %dma_start3A_159 = tpu.memref_squeeze %dma_start3A_158 : memref<1x128xi32, #tpu.memory_space<vmem>> -> memref<128xi32, #tpu.memory_space<vmem>>
        %dma_start3A_160 = arith.constant 0 : i32
        %dma_start3A_161 = arith.constant 0 : i32
        %dma_start3A_162 = tpu.memref_slice %arg6[%dma_start3A_160, %dma_start3A_161] : memref<10112x128xf32, #tpu.memory_space<vmem_shared>> -> memref<10112x128xf32, #tpu.memory_space<vmem_shared>>
        tpu.enqueue_indirect_dma source(%arg8 : memref<128x128xf32, #tpu.memory_space<vmem>>) target(%dma_start3A_162 : memref<10112x128xf32, #tpu.memory_space<vmem_shared>>) offsets(%dma_start3A_159 : memref<128xi32, #tpu.memory_space<vmem>>) semaphore(%run_scoped3A_156 : memref<!tpu.dma_semaphore, #tpu.memory_space<semaphore_mem>>) {add = true}
        %dma_wait3A_163 = arith.constant 0 : i32
        %dma_wait3A_164 = tpu.memref_slice %arg9[%run_scoped3A_155, %dma_wait3A_163] : memref<8x128xi32, #tpu.memory_space<vmem>> -> memref<1x128xi32, #tpu.memory_space<vmem>>
        %dma_wait3A_165 = tpu.memref_squeeze %dma_wait3A_164 : memref<1x128xi32, #tpu.memory_space<vmem>> -> memref<128xi32, #tpu.memory_space<vmem>>
        %dma_wait3A_166 = arith.constant 0 : i32
        %dma_wait3A_167 = arith.constant 0 : i32
        %dma_wait3A_168 = tpu.memref_slice %arg6[%dma_wait3A_166, %dma_wait3A_167] : memref<10112x128xf32, #tpu.memory_space<vmem_shared>> -> memref<10112x128xf32, #tpu.memory_space<vmem_shared>>
        tpu.wait_indirect_dma semaphore(%run_scoped3A_156 : memref<!tpu.dma_semaphore, #tpu.memory_space<semaphore_mem>>) src(%arg8 : memref<128x128xf32, #tpu.memory_space<vmem>>) dst(%dma_wait3A_168 : memref<10112x128xf32, #tpu.memory_space<vmem_shared>>)
        tpu.yield
      }) : () -> ()
    }
    %while3A_33 = arith.constant 1 : i32
    scf.for %while3A_35 = %while3A_31 to %while3A_27 step %while3A_33  : i32 {
      %mul3A_36 = arith.constant 8 : i32
      %mul3A_37 = arith.muli %while3A_35, %mul3A_36 : i32
      %add3A_38 = arith.addi %select_n3A, %mul3A_37 : i32
      "tpu.region"() ({
        %run_scoped3A_156 = tpu.sem_alloc : memref<!tpu.dma_semaphore, #tpu.memory_space<semaphore_mem>>
        %dma_start3A_157 = arith.constant 0 : i32
        %dma_start3A_158 = tpu.memref_slice %arg3[%add3A_38, %dma_start3A_157] : memref<2560x128xi32, #tpu.memory_space<hbm>> -> memref<8x128xi32, #tpu.memory_space<hbm>>
        %dma_start3A_159 = arith.constant 0 : i32
        %dma_start3A_160 = tpu.memref_slice %arg3[%add3A_38, %dma_start3A_159] : memref<2560x128xi32, #tpu.memory_space<hbm>> -> memref<8x128xi32, #tpu.memory_space<hbm>>
        tpu.enqueue_dma source(%dma_start3A_160 : memref<8x128xi32, #tpu.memory_space<hbm>>) target(%arg12 : memref<8x128xi32, #tpu.memory_space<vmem>>) target_semaphore(%run_scoped3A_156 : memref<!tpu.dma_semaphore, #tpu.memory_space<semaphore_mem>>)
        %dma_wait3A_161 = arith.constant 0 : i32
        %dma_wait3A_162 = tpu.memref_slice %arg3[%add3A_38, %dma_wait3A_161] : memref<2560x128xi32, #tpu.memory_space<hbm>> -> memref<8x128xi32, #tpu.memory_space<hbm>>
        %dma_wait3A_163 = arith.constant 0 : i32
        %dma_wait3A_164 = tpu.memref_slice %arg3[%add3A_38, %dma_wait3A_163] : memref<2560x128xi32, #tpu.memory_space<hbm>> -> memref<8x128xi32, #tpu.memory_space<hbm>>
        tpu.wait_dma2 semaphore(%run_scoped3A_156 : memref<!tpu.dma_semaphore, #tpu.memory_space<semaphore_mem>>) src(%dma_wait3A_164 : memref<8x128xi32, #tpu.memory_space<hbm>>) dst(%arg12 : memref<8x128xi32, #tpu.memory_space<vmem>>)
        tpu.yield
      }) : () -> ()
      "tpu.region"() ({
        %run_scoped3A_156 = tpu.sem_alloc : memref<!tpu.dma_semaphore, #tpu.memory_space<semaphore_mem>>
        %dma_start3A_157 = arith.constant 0 : i32
        %dma_start3A_158 = tpu.memref_slice %arg4[%add3A_38, %dma_start3A_157] : memref<2560x128xi32, #tpu.memory_space<hbm>> -> memref<8x128xi32, #tpu.memory_space<hbm>>
        %dma_start3A_159 = arith.constant 0 : i32
        %dma_start3A_160 = tpu.memref_slice %arg4[%add3A_38, %dma_start3A_159] : memref<2560x128xi32, #tpu.memory_space<hbm>> -> memref<8x128xi32, #tpu.memory_space<hbm>>
        tpu.enqueue_dma source(%dma_start3A_160 : memref<8x128xi32, #tpu.memory_space<hbm>>) target(%arg9 : memref<8x128xi32, #tpu.memory_space<vmem>>) target_semaphore(%run_scoped3A_156 : memref<!tpu.dma_semaphore, #tpu.memory_space<semaphore_mem>>)
        %dma_wait3A_161 = arith.constant 0 : i32
        %dma_wait3A_162 = tpu.memref_slice %arg4[%add3A_38, %dma_wait3A_161] : memref<2560x128xi32, #tpu.memory_space<hbm>> -> memref<8x128xi32, #tpu.memory_space<hbm>>
        %dma_wait3A_163 = arith.constant 0 : i32
        %dma_wait3A_164 = tpu.memref_slice %arg4[%add3A_38, %dma_wait3A_163] : memref<2560x128xi32, #tpu.memory_space<hbm>> -> memref<8x128xi32, #tpu.memory_space<hbm>>
        tpu.wait_dma2 semaphore(%run_scoped3A_156 : memref<!tpu.dma_semaphore, #tpu.memory_space<semaphore_mem>>) src(%dma_wait3A_164 : memref<8x128xi32, #tpu.memory_space<hbm>>) dst(%arg9 : memref<8x128xi32, #tpu.memory_space<vmem>>)
        tpu.yield
      }) : () -> ()
      %dma_start3A = arith.constant 0 : i32
      %dma_start3A_39 = arith.constant 0 : i32
      %dma_start3A_40 = tpu.memref_slice %arg12[%dma_start3A, %dma_start3A_39] : memref<8x128xi32, #tpu.memory_space<vmem>> -> memref<1x128xi32, #tpu.memory_space<vmem>>
      %dma_start3A_41 = tpu.memref_squeeze %dma_start3A_40 : memref<1x128xi32, #tpu.memory_space<vmem>> -> memref<128xi32, #tpu.memory_space<vmem>>
      %dma_start3A_42 = arith.constant 0 : i32
      %dma_start3A_43 = arith.constant 0 : i32
      %dma_start3A_44 = tpu.memref_slice %arg2[%dma_start3A_42, %dma_start3A_43] : memref<10000x128xf32, #tpu.memory_space<hbm>> -> memref<10000x128xf32, #tpu.memory_space<hbm>>
      tpu.enqueue_indirect_dma source(%dma_start3A_44 : memref<10000x128xf32, #tpu.memory_space<hbm>>) target(%arg7 : memref<128x128xf32, #tpu.memory_space<vmem>>) offsets(%dma_start3A_41 : memref<128xi32, #tpu.memory_space<vmem>>) semaphore(%arg10 : memref<!tpu.dma_semaphore, #tpu.memory_space<semaphore_mem>>)
      %dma_start3A_45 = arith.constant 1 : i32
      %dma_start3A_46 = arith.constant 0 : i32
      %dma_start3A_47 = tpu.memref_slice %arg12[%dma_start3A_45, %dma_start3A_46] : memref<8x128xi32, #tpu.memory_space<vmem>> -> memref<1x128xi32, #tpu.memory_space<vmem>>
      %dma_start3A_48 = tpu.memref_squeeze %dma_start3A_47 : memref<1x128xi32, #tpu.memory_space<vmem>> -> memref<128xi32, #tpu.memory_space<vmem>>
      %dma_start3A_49 = arith.constant 0 : i32
      %dma_start3A_50 = arith.constant 0 : i32
      %dma_start3A_51 = tpu.memref_slice %arg2[%dma_start3A_49, %dma_start3A_50] : memref<10000x128xf32, #tpu.memory_space<hbm>> -> memref<10000x128xf32, #tpu.memory_space<hbm>>
      tpu.enqueue_indirect_dma source(%dma_start3A_51 : memref<10000x128xf32, #tpu.memory_space<hbm>>) target(%arg8 : memref<128x128xf32, #tpu.memory_space<vmem>>) offsets(%dma_start3A_48 : memref<128xi32, #tpu.memory_space<vmem>>) semaphore(%arg11 : memref<!tpu.dma_semaphore, #tpu.memory_space<semaphore_mem>>)
      %dma_wait3A = arith.constant 0 : i32
      %dma_wait3A_52 = arith.constant 0 : i32
      %dma_wait3A_53 = tpu.memref_slice %arg12[%dma_wait3A, %dma_wait3A_52] : memref<8x128xi32, #tpu.memory_space<vmem>> -> memref<1x128xi32, #tpu.memory_space<vmem>>
      %dma_wait3A_54 = tpu.memref_squeeze %dma_wait3A_53 : memref<1x128xi32, #tpu.memory_space<vmem>> -> memref<128xi32, #tpu.memory_space<vmem>>
      %dma_wait3A_55 = arith.constant 0 : i32
      %dma_wait3A_56 = arith.constant 0 : i32
      %dma_wait3A_57 = tpu.memref_slice %arg2[%dma_wait3A_55, %dma_wait3A_56] : memref<10000x128xf32, #tpu.memory_space<hbm>> -> memref<10000x128xf32, #tpu.memory_space<hbm>>
      tpu.wait_indirect_dma semaphore(%arg10 : memref<!tpu.dma_semaphore, #tpu.memory_space<semaphore_mem>>) src(%dma_wait3A_57 : memref<10000x128xf32, #tpu.memory_space<hbm>>) dst(%arg7 : memref<128x128xf32, #tpu.memory_space<vmem>>)
      %run_scoped3A = arith.constant 0 : i32
      "tpu.region"() ({
        %run_scoped3A_156 = tpu.sem_alloc : memref<!tpu.dma_semaphore, #tpu.memory_space<semaphore_mem>>
        %dma_start3A_157 = arith.constant 0 : i32
        %dma_start3A_158 = tpu.memref_slice %arg9[%run_scoped3A, %dma_start3A_157] : memref<8x128xi32, #tpu.memory_space<vmem>> -> memref<1x128xi32, #tpu.memory_space<vmem>>
        %dma_start3A_159 = tpu.memref_squeeze %dma_start3A_158 : memref<1x128xi32, #tpu.memory_space<vmem>> -> memref<128xi32, #tpu.memory_space<vmem>>
        %dma_start3A_160 = arith.constant 0 : i32
        %dma_start3A_161 = arith.constant 0 : i32
        %dma_start3A_162 = tpu.memref_slice %arg6[%dma_start3A_160, %dma_start3A_161] : memref<10112x128xf32, #tpu.memory_space<vmem_shared>> -> memref<10112x128xf32, #tpu.memory_space<vmem_shared>>
        tpu.enqueue_indirect_dma source(%arg7 : memref<128x128xf32, #tpu.memory_space<vmem>>) target(%dma_start3A_162 : memref<10112x128xf32, #tpu.memory_space<vmem_shared>>) offsets(%dma_start3A_159 : memref<128xi32, #tpu.memory_space<vmem>>) semaphore(%run_scoped3A_156 : memref<!tpu.dma_semaphore, #tpu.memory_space<semaphore_mem>>) {add = true}
        %dma_wait3A_163 = arith.constant 0 : i32
        %dma_wait3A_164 = tpu.memref_slice %arg9[%run_scoped3A, %dma_wait3A_163] : memref<8x128xi32, #tpu.memory_space<vmem>> -> memref<1x128xi32, #tpu.memory_space<vmem>>
        %dma_wait3A_165 = tpu.memref_squeeze %dma_wait3A_164 : memref<1x128xi32, #tpu.memory_space<vmem>> -> memref<128xi32, #tpu.memory_space<vmem>>
        %dma_wait3A_166 = arith.constant 0 : i32
        %dma_wait3A_167 = arith.constant 0 : i32
        %dma_wait3A_168 = tpu.memref_slice %arg6[%dma_wait3A_166, %dma_wait3A_167] : memref<10112x128xf32, #tpu.memory_space<vmem_shared>> -> memref<10112x128xf32, #tpu.memory_space<vmem_shared>>
        tpu.wait_indirect_dma semaphore(%run_scoped3A_156 : memref<!tpu.dma_semaphore, #tpu.memory_space<semaphore_mem>>) src(%arg7 : memref<128x128xf32, #tpu.memory_space<vmem>>) dst(%dma_wait3A_168 : memref<10112x128xf32, #tpu.memory_space<vmem_shared>>)
        tpu.yield
      }) : () -> ()
      %dma_start3A_58 = arith.constant 2 : i32
      %dma_start3A_59 = arith.constant 0 : i32
      %dma_start3A_60 = tpu.memref_slice %arg12[%dma_start3A_58, %dma_start3A_59] : memref<8x128xi32, #tpu.memory_space<vmem>> -> memref<1x128xi32, #tpu.memory_space<vmem>>
      %dma_start3A_61 = tpu.memref_squeeze %dma_start3A_60 : memref<1x128xi32, #tpu.memory_space<vmem>> -> memref<128xi32, #tpu.memory_space<vmem>>
      %dma_start3A_62 = arith.constant 0 : i32
      %dma_start3A_63 = arith.constant 0 : i32
      %dma_start3A_64 = tpu.memref_slice %arg2[%dma_start3A_62, %dma_start3A_63] : memref<10000x128xf32, #tpu.memory_space<hbm>> -> memref<10000x128xf32, #tpu.memory_space<hbm>>
      tpu.enqueue_indirect_dma source(%dma_start3A_64 : memref<10000x128xf32, #tpu.memory_space<hbm>>) target(%arg7 : memref<128x128xf32, #tpu.memory_space<vmem>>) offsets(%dma_start3A_61 : memref<128xi32, #tpu.memory_space<vmem>>) semaphore(%arg10 : memref<!tpu.dma_semaphore, #tpu.memory_space<semaphore_mem>>)
      %dma_wait3A_65 = arith.constant 1 : i32
      %dma_wait3A_66 = arith.constant 0 : i32
      %dma_wait3A_67 = tpu.memref_slice %arg12[%dma_wait3A_65, %dma_wait3A_66] : memref<8x128xi32, #tpu.memory_space<vmem>> -> memref<1x128xi32, #tpu.memory_space<vmem>>
      %dma_wait3A_68 = tpu.memref_squeeze %dma_wait3A_67 : memref<1x128xi32, #tpu.memory_space<vmem>> -> memref<128xi32, #tpu.memory_space<vmem>>
      %dma_wait3A_69 = arith.constant 0 : i32
      %dma_wait3A_70 = arith.constant 0 : i32
      %dma_wait3A_71 = tpu.memref_slice %arg2[%dma_wait3A_69, %dma_wait3A_70] : memref<10000x128xf32, #tpu.memory_space<hbm>> -> memref<10000x128xf32, #tpu.memory_space<hbm>>
      tpu.wait_indirect_dma semaphore(%arg11 : memref<!tpu.dma_semaphore, #tpu.memory_space<semaphore_mem>>) src(%dma_wait3A_71 : memref<10000x128xf32, #tpu.memory_space<hbm>>) dst(%arg8 : memref<128x128xf32, #tpu.memory_space<vmem>>)
      %run_scoped3A_72 = arith.constant 1 : i32
      "tpu.region"() ({
        %run_scoped3A_156 = tpu.sem_alloc : memref<!tpu.dma_semaphore, #tpu.memory_space<semaphore_mem>>
        %dma_start3A_157 = arith.constant 0 : i32
        %dma_start3A_158 = tpu.memref_slice %arg9[%run_scoped3A_72, %dma_start3A_157] : memref<8x128xi32, #tpu.memory_space<vmem>> -> memref<1x128xi32, #tpu.memory_space<vmem>>
        %dma_start3A_159 = tpu.memref_squeeze %dma_start3A_158 : memref<1x128xi32, #tpu.memory_space<vmem>> -> memref<128xi32, #tpu.memory_space<vmem>>
        %dma_start3A_160 = arith.constant 0 : i32
        %dma_start3A_161 = arith.constant 0 : i32
        %dma_start3A_162 = tpu.memref_slice %arg6[%dma_start3A_160, %dma_start3A_161] : memref<10112x128xf32, #tpu.memory_space<vmem_shared>> -> memref<10112x128xf32, #tpu.memory_space<vmem_shared>>
        tpu.enqueue_indirect_dma source(%arg8 : memref<128x128xf32, #tpu.memory_space<vmem>>) target(%dma_start3A_162 : memref<10112x128xf32, #tpu.memory_space<vmem_shared>>) offsets(%dma_start3A_159 : memref<128xi32, #tpu.memory_space<vmem>>) semaphore(%run_scoped3A_156 : memref<!tpu.dma_semaphore, #tpu.memory_space<semaphore_mem>>) {add = true}
        %dma_wait3A_163 = arith.constant 0 : i32
        %dma_wait3A_164 = tpu.memref_slice %arg9[%run_scoped3A_72, %dma_wait3A_163] : memref<8x128xi32, #tpu.memory_space<vmem>> -> memref<1x128xi32, #tpu.memory_space<vmem>>
        %dma_wait3A_165 = tpu.memref_squeeze %dma_wait3A_164 : memref<1x128xi32, #tpu.memory_space<vmem>> -> memref<128xi32, #tpu.memory_space<vmem>>
        %dma_wait3A_166 = arith.constant 0 : i32
        %dma_wait3A_167 = arith.constant 0 : i32
        %dma_wait3A_168 = tpu.memref_slice %arg6[%dma_wait3A_166, %dma_wait3A_167] : memref<10112x128xf32, #tpu.memory_space<vmem_shared>> -> memref<10112x128xf32, #tpu.memory_space<vmem_shared>>
        tpu.wait_indirect_dma semaphore(%run_scoped3A_156 : memref<!tpu.dma_semaphore, #tpu.memory_space<semaphore_mem>>) src(%arg8 : memref<128x128xf32, #tpu.memory_space<vmem>>) dst(%dma_wait3A_168 : memref<10112x128xf32, #tpu.memory_space<vmem_shared>>)
        tpu.yield
      }) : () -> ()
      %dma_start3A_73 = arith.constant 3 : i32
      %dma_start3A_74 = arith.constant 0 : i32
      %dma_start3A_75 = tpu.memref_slice %arg12[%dma_start3A_73, %dma_start3A_74] : memref<8x128xi32, #tpu.memory_space<vmem>> -> memref<1x128xi32, #tpu.memory_space<vmem>>
      %dma_start3A_76 = tpu.memref_squeeze %dma_start3A_75 : memref<1x128xi32, #tpu.memory_space<vmem>> -> memref<128xi32, #tpu.memory_space<vmem>>
      %dma_start3A_77 = arith.constant 0 : i32
      %dma_start3A_78 = arith.constant 0 : i32
      %dma_start3A_79 = tpu.memref_slice %arg2[%dma_start3A_77, %dma_start3A_78] : memref<10000x128xf32, #tpu.memory_space<hbm>> -> memref<10000x128xf32, #tpu.memory_space<hbm>>
      tpu.enqueue_indirect_dma source(%dma_start3A_79 : memref<10000x128xf32, #tpu.memory_space<hbm>>) target(%arg8 : memref<128x128xf32, #tpu.memory_space<vmem>>) offsets(%dma_start3A_76 : memref<128xi32, #tpu.memory_space<vmem>>) semaphore(%arg11 : memref<!tpu.dma_semaphore, #tpu.memory_space<semaphore_mem>>)
      %dma_wait3A_80 = arith.constant 2 : i32
      %dma_wait3A_81 = arith.constant 0 : i32
      %dma_wait3A_82 = tpu.memref_slice %arg12[%dma_wait3A_80, %dma_wait3A_81] : memref<8x128xi32, #tpu.memory_space<vmem>> -> memref<1x128xi32, #tpu.memory_space<vmem>>
      %dma_wait3A_83 = tpu.memref_squeeze %dma_wait3A_82 : memref<1x128xi32, #tpu.memory_space<vmem>> -> memref<128xi32, #tpu.memory_space<vmem>>
      %dma_wait3A_84 = arith.constant 0 : i32
      %dma_wait3A_85 = arith.constant 0 : i32
      %dma_wait3A_86 = tpu.memref_slice %arg2[%dma_wait3A_84, %dma_wait3A_85] : memref<10000x128xf32, #tpu.memory_space<hbm>> -> memref<10000x128xf32, #tpu.memory_space<hbm>>
      tpu.wait_indirect_dma semaphore(%arg10 : memref<!tpu.dma_semaphore, #tpu.memory_space<semaphore_mem>>) src(%dma_wait3A_86 : memref<10000x128xf32, #tpu.memory_space<hbm>>) dst(%arg7 : memref<128x128xf32, #tpu.memory_space<vmem>>)
      %run_scoped3A_87 = arith.constant 2 : i32
      "tpu.region"() ({
        %run_scoped3A_156 = tpu.sem_alloc : memref<!tpu.dma_semaphore, #tpu.memory_space<semaphore_mem>>
        %dma_start3A_157 = arith.constant 0 : i32
        %dma_start3A_158 = tpu.memref_slice %arg9[%run_scoped3A_87, %dma_start3A_157] : memref<8x128xi32, #tpu.memory_space<vmem>> -> memref<1x128xi32, #tpu.memory_space<vmem>>
        %dma_start3A_159 = tpu.memref_squeeze %dma_start3A_158 : memref<1x128xi32, #tpu.memory_space<vmem>> -> memref<128xi32, #tpu.memory_space<vmem>>
        %dma_start3A_160 = arith.constant 0 : i32
        %dma_start3A_161 = arith.constant 0 : i32
        %dma_start3A_162 = tpu.memref_slice %arg6[%dma_start3A_160, %dma_start3A_161] : memref<10112x128xf32, #tpu.memory_space<vmem_shared>> -> memref<10112x128xf32, #tpu.memory_space<vmem_shared>>
        tpu.enqueue_indirect_dma source(%arg7 : memref<128x128xf32, #tpu.memory_space<vmem>>) target(%dma_start3A_162 : memref<10112x128xf32, #tpu.memory_space<vmem_shared>>) offsets(%dma_start3A_159 : memref<128xi32, #tpu.memory_space<vmem>>) semaphore(%run_scoped3A_156 : memref<!tpu.dma_semaphore, #tpu.memory_space<semaphore_mem>>) {add = true}
        %dma_wait3A_163 = arith.constant 0 : i32
        %dma_wait3A_164 = tpu.memref_slice %arg9[%run_scoped3A_87, %dma_wait3A_163] : memref<8x128xi32, #tpu.memory_space<vmem>> -> memref<1x128xi32, #tpu.memory_space<vmem>>
        %dma_wait3A_165 = tpu.memref_squeeze %dma_wait3A_164 : memref<1x128xi32, #tpu.memory_space<vmem>> -> memref<128xi32, #tpu.memory_space<vmem>>
        %dma_wait3A_166 = arith.constant 0 : i32
        %dma_wait3A_167 = arith.constant 0 : i32
        %dma_wait3A_168 = tpu.memref_slice %arg6[%dma_wait3A_166, %dma_wait3A_167] : memref<10112x128xf32, #tpu.memory_space<vmem_shared>> -> memref<10112x128xf32, #tpu.memory_space<vmem_shared>>
        tpu.wait_indirect_dma semaphore(%run_scoped3A_156 : memref<!tpu.dma_semaphore, #tpu.memory_space<semaphore_mem>>) src(%arg7 : memref<128x128xf32, #tpu.memory_space<vmem>>) dst(%dma_wait3A_168 : memref<10112x128xf32, #tpu.memory_space<vmem_shared>>)
        tpu.yield
      }) : () -> ()
      %dma_start3A_88 = arith.constant 4 : i32
      %dma_start3A_89 = arith.constant 0 : i32
      %dma_start3A_90 = tpu.memref_slice %arg12[%dma_start3A_88, %dma_start3A_89] : memref<8x128xi32, #tpu.memory_space<vmem>> -> memref<1x128xi32, #tpu.memory_space<vmem>>
      %dma_start3A_91 = tpu.memref_squeeze %dma_start3A_90 : memref<1x128xi32, #tpu.memory_space<vmem>> -> memref<128xi32, #tpu.memory_space<vmem>>
      %dma_start3A_92 = arith.constant 0 : i32
      %dma_start3A_93 = arith.constant 0 : i32
      %dma_start3A_94 = tpu.memref_slice %arg2[%dma_start3A_92, %dma_start3A_93] : memref<10000x128xf32, #tpu.memory_space<hbm>> -> memref<10000x128xf32, #tpu.memory_space<hbm>>
      tpu.enqueue_indirect_dma source(%dma_start3A_94 : memref<10000x128xf32, #tpu.memory_space<hbm>>) target(%arg7 : memref<128x128xf32, #tpu.memory_space<vmem>>) offsets(%dma_start3A_91 : memref<128xi32, #tpu.memory_space<vmem>>) semaphore(%arg10 : memref<!tpu.dma_semaphore, #tpu.memory_space<semaphore_mem>>)
      %dma_wait3A_95 = arith.constant 3 : i32
      %dma_wait3A_96 = arith.constant 0 : i32
      %dma_wait3A_97 = tpu.memref_slice %arg12[%dma_wait3A_95, %dma_wait3A_96] : memref<8x128xi32, #tpu.memory_space<vmem>> -> memref<1x128xi32, #tpu.memory_space<vmem>>
      %dma_wait3A_98 = tpu.memref_squeeze %dma_wait3A_97 : memref<1x128xi32, #tpu.memory_space<vmem>> -> memref<128xi32, #tpu.memory_space<vmem>>
      %dma_wait3A_99 = arith.constant 0 : i32
      %dma_wait3A_100 = arith.constant 0 : i32
      %dma_wait3A_101 = tpu.memref_slice %arg2[%dma_wait3A_99, %dma_wait3A_100] : memref<10000x128xf32, #tpu.memory_space<hbm>> -> memref<10000x128xf32, #tpu.memory_space<hbm>>
      tpu.wait_indirect_dma semaphore(%arg11 : memref<!tpu.dma_semaphore, #tpu.memory_space<semaphore_mem>>) src(%dma_wait3A_101 : memref<10000x128xf32, #tpu.memory_space<hbm>>) dst(%arg8 : memref<128x128xf32, #tpu.memory_space<vmem>>)
      %run_scoped3A_102 = arith.constant 3 : i32
      "tpu.region"() ({
        %run_scoped3A_156 = tpu.sem_alloc : memref<!tpu.dma_semaphore, #tpu.memory_space<semaphore_mem>>
        %dma_start3A_157 = arith.constant 0 : i32
        %dma_start3A_158 = tpu.memref_slice %arg9[%run_scoped3A_102, %dma_start3A_157] : memref<8x128xi32, #tpu.memory_space<vmem>> -> memref<1x128xi32, #tpu.memory_space<vmem>>
        %dma_start3A_159 = tpu.memref_squeeze %dma_start3A_158 : memref<1x128xi32, #tpu.memory_space<vmem>> -> memref<128xi32, #tpu.memory_space<vmem>>
        %dma_start3A_160 = arith.constant 0 : i32
        %dma_start3A_161 = arith.constant 0 : i32
        %dma_start3A_162 = tpu.memref_slice %arg6[%dma_start3A_160, %dma_start3A_161] : memref<10112x128xf32, #tpu.memory_space<vmem_shared>> -> memref<10112x128xf32, #tpu.memory_space<vmem_shared>>
        tpu.enqueue_indirect_dma source(%arg8 : memref<128x128xf32, #tpu.memory_space<vmem>>) target(%dma_start3A_162 : memref<10112x128xf32, #tpu.memory_space<vmem_shared>>) offsets(%dma_start3A_159 : memref<128xi32, #tpu.memory_space<vmem>>) semaphore(%run_scoped3A_156 : memref<!tpu.dma_semaphore, #tpu.memory_space<semaphore_mem>>) {add = true}
        %dma_wait3A_163 = arith.constant 0 : i32
        %dma_wait3A_164 = tpu.memref_slice %arg9[%run_scoped3A_102, %dma_wait3A_163] : memref<8x128xi32, #tpu.memory_space<vmem>> -> memref<1x128xi32, #tpu.memory_space<vmem>>
        %dma_wait3A_165 = tpu.memref_squeeze %dma_wait3A_164 : memref<1x128xi32, #tpu.memory_space<vmem>> -> memref<128xi32, #tpu.memory_space<vmem>>
        %dma_wait3A_166 = arith.constant 0 : i32
        %dma_wait3A_167 = arith.constant 0 : i32
        %dma_wait3A_168 = tpu.memref_slice %arg6[%dma_wait3A_166, %dma_wait3A_167] : memref<10112x128xf32, #tpu.memory_space<vmem_shared>> -> memref<10112x128xf32, #tpu.memory_space<vmem_shared>>
        tpu.wait_indirect_dma semaphore(%run_scoped3A_156 : memref<!tpu.dma_semaphore, #tpu.memory_space<semaphore_mem>>) src(%arg8 : memref<128x128xf32, #tpu.memory_space<vmem>>) dst(%dma_wait3A_168 : memref<10112x128xf32, #tpu.memory_space<vmem_shared>>)
        tpu.yield
      }) : () -> ()
      %dma_start3A_103 = arith.constant 5 : i32
      %dma_start3A_104 = arith.constant 0 : i32
      %dma_start3A_105 = tpu.memref_slice %arg12[%dma_start3A_103, %dma_start3A_104] : memref<8x128xi32, #tpu.memory_space<vmem>> -> memref<1x128xi32, #tpu.memory_space<vmem>>
      %dma_start3A_106 = tpu.memref_squeeze %dma_start3A_105 : memref<1x128xi32, #tpu.memory_space<vmem>> -> memref<128xi32, #tpu.memory_space<vmem>>
      %dma_start3A_107 = arith.constant 0 : i32
      %dma_start3A_108 = arith.constant 0 : i32
      %dma_start3A_109 = tpu.memref_slice %arg2[%dma_start3A_107, %dma_start3A_108] : memref<10000x128xf32, #tpu.memory_space<hbm>> -> memref<10000x128xf32, #tpu.memory_space<hbm>>
      tpu.enqueue_indirect_dma source(%dma_start3A_109 : memref<10000x128xf32, #tpu.memory_space<hbm>>) target(%arg8 : memref<128x128xf32, #tpu.memory_space<vmem>>) offsets(%dma_start3A_106 : memref<128xi32, #tpu.memory_space<vmem>>) semaphore(%arg11 : memref<!tpu.dma_semaphore, #tpu.memory_space<semaphore_mem>>)
      %dma_wait3A_110 = arith.constant 4 : i32
      %dma_wait3A_111 = arith.constant 0 : i32
      %dma_wait3A_112 = tpu.memref_slice %arg12[%dma_wait3A_110, %dma_wait3A_111] : memref<8x128xi32, #tpu.memory_space<vmem>> -> memref<1x128xi32, #tpu.memory_space<vmem>>
      %dma_wait3A_113 = tpu.memref_squeeze %dma_wait3A_112 : memref<1x128xi32, #tpu.memory_space<vmem>> -> memref<128xi32, #tpu.memory_space<vmem>>
      %dma_wait3A_114 = arith.constant 0 : i32
      %dma_wait3A_115 = arith.constant 0 : i32
      %dma_wait3A_116 = tpu.memref_slice %arg2[%dma_wait3A_114, %dma_wait3A_115] : memref<10000x128xf32, #tpu.memory_space<hbm>> -> memref<10000x128xf32, #tpu.memory_space<hbm>>
      tpu.wait_indirect_dma semaphore(%arg10 : memref<!tpu.dma_semaphore, #tpu.memory_space<semaphore_mem>>) src(%dma_wait3A_116 : memref<10000x128xf32, #tpu.memory_space<hbm>>) dst(%arg7 : memref<128x128xf32, #tpu.memory_space<vmem>>)
      %run_scoped3A_117 = arith.constant 4 : i32
      "tpu.region"() ({
        %run_scoped3A_156 = tpu.sem_alloc : memref<!tpu.dma_semaphore, #tpu.memory_space<semaphore_mem>>
        %dma_start3A_157 = arith.constant 0 : i32
        %dma_start3A_158 = tpu.memref_slice %arg9[%run_scoped3A_117, %dma_start3A_157] : memref<8x128xi32, #tpu.memory_space<vmem>> -> memref<1x128xi32, #tpu.memory_space<vmem>>
        %dma_start3A_159 = tpu.memref_squeeze %dma_start3A_158 : memref<1x128xi32, #tpu.memory_space<vmem>> -> memref<128xi32, #tpu.memory_space<vmem>>
        %dma_start3A_160 = arith.constant 0 : i32
        %dma_start3A_161 = arith.constant 0 : i32
        %dma_start3A_162 = tpu.memref_slice %arg6[%dma_start3A_160, %dma_start3A_161] : memref<10112x128xf32, #tpu.memory_space<vmem_shared>> -> memref<10112x128xf32, #tpu.memory_space<vmem_shared>>
        tpu.enqueue_indirect_dma source(%arg7 : memref<128x128xf32, #tpu.memory_space<vmem>>) target(%dma_start3A_162 : memref<10112x128xf32, #tpu.memory_space<vmem_shared>>) offsets(%dma_start3A_159 : memref<128xi32, #tpu.memory_space<vmem>>) semaphore(%run_scoped3A_156 : memref<!tpu.dma_semaphore, #tpu.memory_space<semaphore_mem>>) {add = true}
        %dma_wait3A_163 = arith.constant 0 : i32
        %dma_wait3A_164 = tpu.memref_slice %arg9[%run_scoped3A_117, %dma_wait3A_163] : memref<8x128xi32, #tpu.memory_space<vmem>> -> memref<1x128xi32, #tpu.memory_space<vmem>>
        %dma_wait3A_165 = tpu.memref_squeeze %dma_wait3A_164 : memref<1x128xi32, #tpu.memory_space<vmem>> -> memref<128xi32, #tpu.memory_space<vmem>>
        %dma_wait3A_166 = arith.constant 0 : i32
        %dma_wait3A_167 = arith.constant 0 : i32
        %dma_wait3A_168 = tpu.memref_slice %arg6[%dma_wait3A_166, %dma_wait3A_167] : memref<10112x128xf32, #tpu.memory_space<vmem_shared>> -> memref<10112x128xf32, #tpu.memory_space<vmem_shared>>
        tpu.wait_indirect_dma semaphore(%run_scoped3A_156 : memref<!tpu.dma_semaphore, #tpu.memory_space<semaphore_mem>>) src(%arg7 : memref<128x128xf32, #tpu.memory_space<vmem>>) dst(%dma_wait3A_168 : memref<10112x128xf32, #tpu.memory_space<vmem_shared>>)
        tpu.yield
      }) : () -> ()
      %dma_start3A_118 = arith.constant 6 : i32
      %dma_start3A_119 = arith.constant 0 : i32
      %dma_start3A_120 = tpu.memref_slice %arg12[%dma_start3A_118, %dma_start3A_119] : memref<8x128xi32, #tpu.memory_space<vmem>> -> memref<1x128xi32, #tpu.memory_space<vmem>>
      %dma_start3A_121 = tpu.memref_squeeze %dma_start3A_120 : memref<1x128xi32, #tpu.memory_space<vmem>> -> memref<128xi32, #tpu.memory_space<vmem>>
      %dma_start3A_122 = arith.constant 0 : i32
      %dma_start3A_123 = arith.constant 0 : i32
      %dma_start3A_124 = tpu.memref_slice %arg2[%dma_start3A_122, %dma_start3A_123] : memref<10000x128xf32, #tpu.memory_space<hbm>> -> memref<10000x128xf32, #tpu.memory_space<hbm>>
      tpu.enqueue_indirect_dma source(%dma_start3A_124 : memref<10000x128xf32, #tpu.memory_space<hbm>>) target(%arg7 : memref<128x128xf32, #tpu.memory_space<vmem>>) offsets(%dma_start3A_121 : memref<128xi32, #tpu.memory_space<vmem>>) semaphore(%arg10 : memref<!tpu.dma_semaphore, #tpu.memory_space<semaphore_mem>>)
      %dma_wait3A_125 = arith.constant 5 : i32
      %dma_wait3A_126 = arith.constant 0 : i32
      %dma_wait3A_127 = tpu.memref_slice %arg12[%dma_wait3A_125, %dma_wait3A_126] : memref<8x128xi32, #tpu.memory_space<vmem>> -> memref<1x128xi32, #tpu.memory_space<vmem>>
      %dma_wait3A_128 = tpu.memref_squeeze %dma_wait3A_127 : memref<1x128xi32, #tpu.memory_space<vmem>> -> memref<128xi32, #tpu.memory_space<vmem>>
      %dma_wait3A_129 = arith.constant 0 : i32
      %dma_wait3A_130 = arith.constant 0 : i32
      %dma_wait3A_131 = tpu.memref_slice %arg2[%dma_wait3A_129, %dma_wait3A_130] : memref<10000x128xf32, #tpu.memory_space<hbm>> -> memref<10000x128xf32, #tpu.memory_space<hbm>>
      tpu.wait_indirect_dma semaphore(%arg11 : memref<!tpu.dma_semaphore, #tpu.memory_space<semaphore_mem>>) src(%dma_wait3A_131 : memref<10000x128xf32, #tpu.memory_space<hbm>>) dst(%arg8 : memref<128x128xf32, #tpu.memory_space<vmem>>)
      %run_scoped3A_132 = arith.constant 5 : i32
      "tpu.region"() ({
        %run_scoped3A_156 = tpu.sem_alloc : memref<!tpu.dma_semaphore, #tpu.memory_space<semaphore_mem>>
        %dma_start3A_157 = arith.constant 0 : i32
        %dma_start3A_158 = tpu.memref_slice %arg9[%run_scoped3A_132, %dma_start3A_157] : memref<8x128xi32, #tpu.memory_space<vmem>> -> memref<1x128xi32, #tpu.memory_space<vmem>>
        %dma_start3A_159 = tpu.memref_squeeze %dma_start3A_158 : memref<1x128xi32, #tpu.memory_space<vmem>> -> memref<128xi32, #tpu.memory_space<vmem>>
        %dma_start3A_160 = arith.constant 0 : i32
        %dma_start3A_161 = arith.constant 0 : i32
        %dma_start3A_162 = tpu.memref_slice %arg6[%dma_start3A_160, %dma_start3A_161] : memref<10112x128xf32, #tpu.memory_space<vmem_shared>> -> memref<10112x128xf32, #tpu.memory_space<vmem_shared>>
        tpu.enqueue_indirect_dma source(%arg8 : memref<128x128xf32, #tpu.memory_space<vmem>>) target(%dma_start3A_162 : memref<10112x128xf32, #tpu.memory_space<vmem_shared>>) offsets(%dma_start3A_159 : memref<128xi32, #tpu.memory_space<vmem>>) semaphore(%run_scoped3A_156 : memref<!tpu.dma_semaphore, #tpu.memory_space<semaphore_mem>>) {add = true}
        %dma_wait3A_163 = arith.constant 0 : i32
        %dma_wait3A_164 = tpu.memref_slice %arg9[%run_scoped3A_132, %dma_wait3A_163] : memref<8x128xi32, #tpu.memory_space<vmem>> -> memref<1x128xi32, #tpu.memory_space<vmem>>
        %dma_wait3A_165 = tpu.memref_squeeze %dma_wait3A_164 : memref<1x128xi32, #tpu.memory_space<vmem>> -> memref<128xi32, #tpu.memory_space<vmem>>
        %dma_wait3A_166 = arith.constant 0 : i32
        %dma_wait3A_167 = arith.constant 0 : i32
        %dma_wait3A_168 = tpu.memref_slice %arg6[%dma_wait3A_166, %dma_wait3A_167] : memref<10112x128xf32, #tpu.memory_space<vmem_shared>> -> memref<10112x128xf32, #tpu.memory_space<vmem_shared>>
        tpu.wait_indirect_dma semaphore(%run_scoped3A_156 : memref<!tpu.dma_semaphore, #tpu.memory_space<semaphore_mem>>) src(%arg8 : memref<128x128xf32, #tpu.memory_space<vmem>>) dst(%dma_wait3A_168 : memref<10112x128xf32, #tpu.memory_space<vmem_shared>>)
        tpu.yield
      }) : () -> ()
      %dma_start3A_133 = arith.constant 7 : i32
      %dma_start3A_134 = arith.constant 0 : i32
      %dma_start3A_135 = tpu.memref_slice %arg12[%dma_start3A_133, %dma_start3A_134] : memref<8x128xi32, #tpu.memory_space<vmem>> -> memref<1x128xi32, #tpu.memory_space<vmem>>
      %dma_start3A_136 = tpu.memref_squeeze %dma_start3A_135 : memref<1x128xi32, #tpu.memory_space<vmem>> -> memref<128xi32, #tpu.memory_space<vmem>>
      %dma_start3A_137 = arith.constant 0 : i32
      %dma_start3A_138 = arith.constant 0 : i32
      %dma_start3A_139 = tpu.memref_slice %arg2[%dma_start3A_137, %dma_start3A_138] : memref<10000x128xf32, #tpu.memory_space<hbm>> -> memref<10000x128xf32, #tpu.memory_space<hbm>>
      tpu.enqueue_indirect_dma source(%dma_start3A_139 : memref<10000x128xf32, #tpu.memory_space<hbm>>) target(%arg8 : memref<128x128xf32, #tpu.memory_space<vmem>>) offsets(%dma_start3A_136 : memref<128xi32, #tpu.memory_space<vmem>>) semaphore(%arg11 : memref<!tpu.dma_semaphore, #tpu.memory_space<semaphore_mem>>)
      %dma_wait3A_140 = arith.constant 6 : i32
      %dma_wait3A_141 = arith.constant 0 : i32
      %dma_wait3A_142 = tpu.memref_slice %arg12[%dma_wait3A_140, %dma_wait3A_141] : memref<8x128xi32, #tpu.memory_space<vmem>> -> memref<1x128xi32, #tpu.memory_space<vmem>>
      %dma_wait3A_143 = tpu.memref_squeeze %dma_wait3A_142 : memref<1x128xi32, #tpu.memory_space<vmem>> -> memref<128xi32, #tpu.memory_space<vmem>>
      %dma_wait3A_144 = arith.constant 0 : i32
      %dma_wait3A_145 = arith.constant 0 : i32
      %dma_wait3A_146 = tpu.memref_slice %arg2[%dma_wait3A_144, %dma_wait3A_145] : memref<10000x128xf32, #tpu.memory_space<hbm>> -> memref<10000x128xf32, #tpu.memory_space<hbm>>
      tpu.wait_indirect_dma semaphore(%arg10 : memref<!tpu.dma_semaphore, #tpu.memory_space<semaphore_mem>>) src(%dma_wait3A_146 : memref<10000x128xf32, #tpu.memory_space<hbm>>) dst(%arg7 : memref<128x128xf32, #tpu.memory_space<vmem>>)
      %run_scoped3A_147 = arith.constant 6 : i32
      "tpu.region"() ({
        %run_scoped3A_156 = tpu.sem_alloc : memref<!tpu.dma_semaphore, #tpu.memory_space<semaphore_mem>>
        %dma_start3A_157 = arith.constant 0 : i32
        %dma_start3A_158 = tpu.memref_slice %arg9[%run_scoped3A_147, %dma_start3A_157] : memref<8x128xi32, #tpu.memory_space<vmem>> -> memref<1x128xi32, #tpu.memory_space<vmem>>
        %dma_start3A_159 = tpu.memref_squeeze %dma_start3A_158 : memref<1x128xi32, #tpu.memory_space<vmem>> -> memref<128xi32, #tpu.memory_space<vmem>>
        %dma_start3A_160 = arith.constant 0 : i32
        %dma_start3A_161 = arith.constant 0 : i32
        %dma_start3A_162 = tpu.memref_slice %arg6[%dma_start3A_160, %dma_start3A_161] : memref<10112x128xf32, #tpu.memory_space<vmem_shared>> -> memref<10112x128xf32, #tpu.memory_space<vmem_shared>>
        tpu.enqueue_indirect_dma source(%arg7 : memref<128x128xf32, #tpu.memory_space<vmem>>) target(%dma_start3A_162 : memref<10112x128xf32, #tpu.memory_space<vmem_shared>>) offsets(%dma_start3A_159 : memref<128xi32, #tpu.memory_space<vmem>>) semaphore(%run_scoped3A_156 : memref<!tpu.dma_semaphore, #tpu.memory_space<semaphore_mem>>) {add = true}
        %dma_wait3A_163 = arith.constant 0 : i32
        %dma_wait3A_164 = tpu.memref_slice %arg9[%run_scoped3A_147, %dma_wait3A_163] : memref<8x128xi32, #tpu.memory_space<vmem>> -> memref<1x128xi32, #tpu.memory_space<vmem>>
        %dma_wait3A_165 = tpu.memref_squeeze %dma_wait3A_164 : memref<1x128xi32, #tpu.memory_space<vmem>> -> memref<128xi32, #tpu.memory_space<vmem>>
        %dma_wait3A_166 = arith.constant 0 : i32
        %dma_wait3A_167 = arith.constant 0 : i32
        %dma_wait3A_168 = tpu.memref_slice %arg6[%dma_wait3A_166, %dma_wait3A_167] : memref<10112x128xf32, #tpu.memory_space<vmem_shared>> -> memref<10112x128xf32, #tpu.memory_space<vmem_shared>>
        tpu.wait_indirect_dma semaphore(%run_scoped3A_156 : memref<!tpu.dma_semaphore, #tpu.memory_space<semaphore_mem>>) src(%arg7 : memref<128x128xf32, #tpu.memory_space<vmem>>) dst(%dma_wait3A_168 : memref<10112x128xf32, #tpu.memory_space<vmem_shared>>)
        tpu.yield
      }) : () -> ()
      %dma_wait3A_148 = arith.constant 7 : i32
      %dma_wait3A_149 = arith.constant 0 : i32
      %dma_wait3A_150 = tpu.memref_slice %arg12[%dma_wait3A_148, %dma_wait3A_149] : memref<8x128xi32, #tpu.memory_space<vmem>> -> memref<1x128xi32, #tpu.memory_space<vmem>>
      %dma_wait3A_151 = tpu.memref_squeeze %dma_wait3A_150 : memref<1x128xi32, #tpu.memory_space<vmem>> -> memref<128xi32, #tpu.memory_space<vmem>>
      %dma_wait3A_152 = arith.constant 0 : i32
      %dma_wait3A_153 = arith.constant 0 : i32
      %dma_wait3A_154 = tpu.memref_slice %arg2[%dma_wait3A_152, %dma_wait3A_153] : memref<10000x128xf32, #tpu.memory_space<hbm>> -> memref<10000x128xf32, #tpu.memory_space<hbm>>
      tpu.wait_indirect_dma semaphore(%arg11 : memref<!tpu.dma_semaphore, #tpu.memory_space<semaphore_mem>>) src(%dma_wait3A_154 : memref<10000x128xf32, #tpu.memory_space<hbm>>) dst(%arg8 : memref<128x128xf32, #tpu.memory_space<vmem>>)
      %run_scoped3A_155 = arith.constant 7 : i32
      "tpu.region"() ({
        %run_scoped3A_156 = tpu.sem_alloc : memref<!tpu.dma_semaphore, #tpu.memory_space<semaphore_mem>>
        %dma_start3A_157 = arith.constant 0 : i32
        %dma_start3A_158 = tpu.memref_slice %arg9[%run_scoped3A_155, %dma_start3A_157] : memref<8x128xi32, #tpu.memory_space<vmem>> -> memref<1x128xi32, #tpu.memory_space<vmem>>
        %dma_start3A_159 = tpu.memref_squeeze %dma_start3A_158 : memref<1x128xi32, #tpu.memory_space<vmem>> -> memref<128xi32, #tpu.memory_space<vmem>>
        %dma_start3A_160 = arith.constant 0 : i32
        %dma_start3A_161 = arith.constant 0 : i32
        %dma_start3A_162 = tpu.memref_slice %arg6[%dma_start3A_160, %dma_start3A_161] : memref<10112x128xf32, #tpu.memory_space<vmem_shared>> -> memref<10112x128xf32, #tpu.memory_space<vmem_shared>>
        tpu.enqueue_indirect_dma source(%arg8 : memref<128x128xf32, #tpu.memory_space<vmem>>) target(%dma_start3A_162 : memref<10112x128xf32, #tpu.memory_space<vmem_shared>>) offsets(%dma_start3A_159 : memref<128xi32, #tpu.memory_space<vmem>>) semaphore(%run_scoped3A_156 : memref<!tpu.dma_semaphore, #tpu.memory_space<semaphore_mem>>) {add = true}
        %dma_wait3A_163 = arith.constant 0 : i32
        %dma_wait3A_164 = tpu.memref_slice %arg9[%run_scoped3A_155, %dma_wait3A_163] : memref<8x128xi32, #tpu.memory_space<vmem>> -> memref<1x128xi32, #tpu.memory_space<vmem>>
        %dma_wait3A_165 = tpu.memref_squeeze %dma_wait3A_164 : memref<1x128xi32, #tpu.memory_space<vmem>> -> memref<128xi32, #tpu.memory_space<vmem>>
        %dma_wait3A_166 = arith.constant 0 : i32
        %dma_wait3A_167 = arith.constant 0 : i32
        %dma_wait3A_168 = tpu.memref_slice %arg6[%dma_wait3A_166, %dma_wait3A_167] : memref<10112x128xf32, #tpu.memory_space<vmem_shared>> -> memref<10112x128xf32, #tpu.memory_space<vmem_shared>>
        tpu.wait_indirect_dma semaphore(%run_scoped3A_156 : memref<!tpu.dma_semaphore, #tpu.memory_space<semaphore_mem>>) src(%arg8 : memref<128x128xf32, #tpu.memory_space<vmem>>) dst(%dma_wait3A_168 : memref<10112x128xf32, #tpu.memory_space<vmem_shared>>)
        tpu.yield
      }) : () -> ()
    }
    %barrier3A_34 = arith.constant 0 : index
    tpu.barrier barrier_id(%barrier3A_34)
    "tpu.region"() ({
      %run_scoped3A = tpu.sem_alloc : memref<!tpu.dma_semaphore, #tpu.memory_space<semaphore_mem>>
      %dma_start3A = arith.constant 0 : i32
      %dma_start3A_35 = tpu.memref_slice %arg5[%arg0, %mul3A_16, %dma_start3A] : memref<2x10112x128xf32, #tpu.memory_space<hbm>> -> memref<1x632x128xf32, #tpu.memory_space<hbm>>
      %dma_start3A_36 = tpu.memref_squeeze %dma_start3A_35 : memref<1x632x128xf32, #tpu.memory_space<hbm>> -> memref<632x128xf32, #tpu.memory_space<hbm>>
      %dma_start3A_37 = arith.constant 0 : i32
      %dma_start3A_38 = tpu.memref_slice %arg6[%mul3A_16, %dma_start3A_37] : memref<10112x128xf32, #tpu.memory_space<vmem_shared>> -> memref<632x128xf32, #tpu.memory_space<vmem_shared>>
      tpu.enqueue_dma source(%dma_start3A_38 : memref<632x128xf32, #tpu.memory_space<vmem_shared>>) target(%dma_start3A_36 : memref<632x128xf32, #tpu.memory_space<hbm>>) target_semaphore(%run_scoped3A : memref<!tpu.dma_semaphore, #tpu.memory_space<semaphore_mem>>)
      %dma_wait3A = arith.constant 0 : i32
      %dma_wait3A_39 = tpu.memref_slice %arg5[%arg0, %mul3A_16, %dma_wait3A] : memref<2x10112x128xf32, #tpu.memory_space<hbm>> -> memref<1x632x128xf32, #tpu.memory_space<hbm>>
      %dma_wait3A_40 = tpu.memref_squeeze %dma_wait3A_39 : memref<1x632x128xf32, #tpu.memory_space<hbm>> -> memref<632x128xf32, #tpu.memory_space<hbm>>
      %dma_wait3A_41 = arith.constant 0 : i32
      %dma_wait3A_42 = tpu.memref_slice %arg6[%mul3A_16, %dma_wait3A_41] : memref<10112x128xf32, #tpu.memory_space<vmem_shared>> -> memref<632x128xf32, #tpu.memory_space<vmem_shared>>
      tpu.wait_dma2 semaphore(%run_scoped3A : memref<!tpu.dma_semaphore, #tpu.memory_space<semaphore_mem>>) src(%dma_wait3A_42 : memref<632x128xf32, #tpu.memory_space<vmem_shared>>) dst(%dma_wait3A_40 : memref<632x128xf32, #tpu.memory_space<hbm>>)
      tpu.yield
    }) : () -> ()
    return
  }
}

#map = affine_map<(d0, d1) -> (0, 0)>
#map1 = affine_map<(d0, d1) -> (0, 0, 0)>
module attributes {stable_mosaic.version = 14 : i64} {
  func.func @cntk(%arg0: i32, %arg1: i32, %arg2: memref<2560x128xi32, #tpu.memory_space<hbm>>, %arg3: memref<2x10112x128xf32, #tpu.memory_space<hbm>>, %arg4: memref<128x128xf32, #tpu.memory_space<vmem>>, %arg5: memref<10112x128xf32, #tpu.memory_space<vmem_shared>>, %arg6: memref<8x128xi32, #tpu.memory_space<vmem>>) attributes {dimension_semantics = [#tpu.dimension_semantics<core_parallel>, #tpu.dimension_semantics<subcore_parallel>], iteration_bounds = array<i64: 2, 16>, scalar_prefetch = 0 : i64, scratch_operands = 3 : i64, tpu.core_type = #tpu.core_type<sc_vector_subcore>, window_params = [{transform_indices = #map}, {transform_indices = #map1}]} {
    %mul3A = arith.constant 16 : i32
    %mul3A_0 = arith.muli %arg0, %mul3A : i32
    %add3A = arith.addi %mul3A_0, %arg1 : i32
    %broadcast_in_dim3A = arith.constant 0.000000e+00 : f32
    %broadcast_in_dim3A_1 = vector.broadcast %broadcast_in_dim3A : f32 to vector<16xf32>
    %scan3A = arith.constant 0 : i32
    %scan3A_2 = arith.constant 0 : i32
    %scan3A_3 = arith.constant 128 : i32
    %scan3A_4 = arith.addi %scan3A_2, %scan3A_3 : i32
    %scan3A_5 = arith.constant 1 : i32
    scf.for %scan3A_34 = %scan3A_2 to %scan3A_4 step %scan3A_5  : i32 {
      %scan3A_35 = arith.constant 0 : i32
      %scan3A_36 = arith.constant 8 : i32
      %scan3A_37 = arith.addi %scan3A_35, %scan3A_36 : i32
      %scan3A_38 = arith.constant 1 : i32
      scf.for %scan3A_40 = %scan3A_35 to %scan3A_37 step %scan3A_38  : i32 {
        %mul3A_41 = arith.constant 16 : i32
        %mul3A_42 = arith.muli %scan3A_40, %mul3A_41 : i32
        %swap3A = arith.index_cast %scan3A_34 : i32 to index
        %swap3A_43 = arith.index_cast %mul3A_42 : i32 to index
        %swap3A_44 = tpu.vector_load %arg4[%swap3A, %swap3A_43] {strides = array<i32>} : memref<128x128xf32, #tpu.memory_space<vmem>>, vector<1x16xf32>,
        %swap3A_45 = vector.shape_cast %swap3A_44 : vector<1x16xf32> to vector<16xf32>
        %swap3A_46 = vector.shape_cast %broadcast_in_dim3A_1 : vector<16xf32> to vector<1x16xf32>
        tpu.vector_store %arg4[%swap3A, %swap3A_43], %swap3A_46 {strides = array<i32>} : memref<128x128xf32, #tpu.memory_space<vmem>>, vector<1x16xf32>,
      }
      %scan3A_39 = arith.constant 8 : i32
    }
    %scan3A_6 = arith.constant 128 : i32
    %mul3A_7 = arith.constant 632 : i32
    %mul3A_8 = arith.muli %arg1, %mul3A_7 : i32
    %add3A_9 = arith.constant 0 : i32
    %add3A_10 = arith.addi %mul3A_8, %add3A_9 : i32
    "tpu.region"() ({
      %run_scoped3A = tpu.sem_alloc : memref<!tpu.dma_semaphore, #tpu.memory_space<semaphore_mem>>
      %dma_start3A = arith.constant 0 : i32
      %dma_start3A_34 = tpu.memref_slice %arg5[%add3A_10, %dma_start3A] : memref<10112x128xf32, #tpu.memory_space<vmem_shared>> -> memref<128x128xf32, #tpu.memory_space<vmem_shared>>
      %dma_start3A_35 = arith.constant 0 : i32
      %dma_start3A_36 = tpu.memref_slice %arg5[%add3A_10, %dma_start3A_35] : memref<10112x128xf32, #tpu.memory_space<vmem_shared>> -> memref<128x128xf32, #tpu.memory_space<vmem_shared>>
      tpu.enqueue_dma source(%arg4 : memref<128x128xf32, #tpu.memory_space<vmem>>) target(%dma_start3A_36 : memref<128x128xf32, #tpu.memory_space<vmem_shared>>) target_semaphore(%run_scoped3A : memref<!tpu.dma_semaphore, #tpu.memory_space<semaphore_mem>>)
      %dma_wait3A = arith.constant 0 : i32
      %dma_wait3A_37 = tpu.memref_slice %arg5[%add3A_10, %dma_wait3A] : memref<10112x128xf32, #tpu.memory_space<vmem_shared>> -> memref<128x128xf32, #tpu.memory_space<vmem_shared>>
      %dma_wait3A_38 = arith.constant 0 : i32
      %dma_wait3A_39 = tpu.memref_slice %arg5[%add3A_10, %dma_wait3A_38] : memref<10112x128xf32, #tpu.memory_space<vmem_shared>> -> memref<128x128xf32, #tpu.memory_space<vmem_shared>>
      tpu.wait_dma2 semaphore(%run_scoped3A : memref<!tpu.dma_semaphore, #tpu.memory_space<semaphore_mem>>) src(%arg4 : memref<128x128xf32, #tpu.memory_space<vmem>>) dst(%dma_wait3A_39 : memref<128x128xf32, #tpu.memory_space<vmem_shared>>)
      tpu.yield
    }) : () -> ()
    %add3A_11 = arith.constant 128 : i32
    %add3A_12 = arith.addi %mul3A_8, %add3A_11 : i32
    "tpu.region"() ({
      %run_scoped3A = tpu.sem_alloc : memref<!tpu.dma_semaphore, #tpu.memory_space<semaphore_mem>>
      %dma_start3A = arith.constant 0 : i32
      %dma_start3A_34 = tpu.memref_slice %arg5[%add3A_12, %dma_start3A] : memref<10112x128xf32, #tpu.memory_space<vmem_shared>> -> memref<128x128xf32, #tpu.memory_space<vmem_shared>>
      %dma_start3A_35 = arith.constant 0 : i32
      %dma_start3A_36 = tpu.memref_slice %arg5[%add3A_12, %dma_start3A_35] : memref<10112x128xf32, #tpu.memory_space<vmem_shared>> -> memref<128x128xf32, #tpu.memory_space<vmem_shared>>
      tpu.enqueue_dma source(%arg4 : memref<128x128xf32, #tpu.memory_space<vmem>>) target(%dma_start3A_36 : memref<128x128xf32, #tpu.memory_space<vmem_shared>>) target_semaphore(%run_scoped3A : memref<!tpu.dma_semaphore, #tpu.memory_space<semaphore_mem>>)
      %dma_wait3A = arith.constant 0 : i32
      %dma_wait3A_37 = tpu.memref_slice %arg5[%add3A_12, %dma_wait3A] : memref<10112x128xf32, #tpu.memory_space<vmem_shared>> -> memref<128x128xf32, #tpu.memory_space<vmem_shared>>
      %dma_wait3A_38 = arith.constant 0 : i32
      %dma_wait3A_39 = tpu.memref_slice %arg5[%add3A_12, %dma_wait3A_38] : memref<10112x128xf32, #tpu.memory_space<vmem_shared>> -> memref<128x128xf32, #tpu.memory_space<vmem_shared>>
      tpu.wait_dma2 semaphore(%run_scoped3A : memref<!tpu.dma_semaphore, #tpu.memory_space<semaphore_mem>>) src(%arg4 : memref<128x128xf32, #tpu.memory_space<vmem>>) dst(%dma_wait3A_39 : memref<128x128xf32, #tpu.memory_space<vmem_shared>>)
      tpu.yield
    }) : () -> ()
    %add3A_13 = arith.constant 256 : i32
    %add3A_14 = arith.addi %mul3A_8, %add3A_13 : i32
    "tpu.region"() ({
      %run_scoped3A = tpu.sem_alloc : memref<!tpu.dma_semaphore, #tpu.memory_space<semaphore_mem>>
      %dma_start3A = arith.constant 0 : i32
      %dma_start3A_34 = tpu.memref_slice %arg5[%add3A_14, %dma_start3A] : memref<10112x128xf32, #tpu.memory_space<vmem_shared>> -> memref<128x128xf32, #tpu.memory_space<vmem_shared>>
      %dma_start3A_35 = arith.constant 0 : i32
      %dma_start3A_36 = tpu.memref_slice %arg5[%add3A_14, %dma_start3A_35] : memref<10112x128xf32, #tpu.memory_space<vmem_shared>> -> memref<128x128xf32, #tpu.memory_space<vmem_shared>>
      tpu.enqueue_dma source(%arg4 : memref<128x128xf32, #tpu.memory_space<vmem>>) target(%dma_start3A_36 : memref<128x128xf32, #tpu.memory_space<vmem_shared>>) target_semaphore(%run_scoped3A : memref<!tpu.dma_semaphore, #tpu.memory_space<semaphore_mem>>)
      %dma_wait3A = arith.constant 0 : i32
      %dma_wait3A_37 = tpu.memref_slice %arg5[%add3A_14, %dma_wait3A] : memref<10112x128xf32, #tpu.memory_space<vmem_shared>> -> memref<128x128xf32, #tpu.memory_space<vmem_shared>>
      %dma_wait3A_38 = arith.constant 0 : i32
      %dma_wait3A_39 = tpu.memref_slice %arg5[%add3A_14, %dma_wait3A_38] : memref<10112x128xf32, #tpu.memory_space<vmem_shared>> -> memref<128x128xf32, #tpu.memory_space<vmem_shared>>
      tpu.wait_dma2 semaphore(%run_scoped3A : memref<!tpu.dma_semaphore, #tpu.memory_space<semaphore_mem>>) src(%arg4 : memref<128x128xf32, #tpu.memory_space<vmem>>) dst(%dma_wait3A_39 : memref<128x128xf32, #tpu.memory_space<vmem_shared>>)
      tpu.yield
    }) : () -> ()
    %add3A_15 = arith.constant 384 : i32
    %add3A_16 = arith.addi %mul3A_8, %add3A_15 : i32
    "tpu.region"() ({
      %run_scoped3A = tpu.sem_alloc : memref<!tpu.dma_semaphore, #tpu.memory_space<semaphore_mem>>
      %dma_start3A = arith.constant 0 : i32
      %dma_start3A_34 = tpu.memref_slice %arg5[%add3A_16, %dma_start3A] : memref<10112x128xf32, #tpu.memory_space<vmem_shared>> -> memref<128x128xf32, #tpu.memory_space<vmem_shared>>
      %dma_start3A_35 = arith.constant 0 : i32
      %dma_start3A_36 = tpu.memref_slice %arg5[%add3A_16, %dma_start3A_35] : memref<10112x128xf32, #tpu.memory_space<vmem_shared>> -> memref<128x128xf32, #tpu.memory_space<vmem_shared>>
      tpu.enqueue_dma source(%arg4 : memref<128x128xf32, #tpu.memory_space<vmem>>) target(%dma_start3A_36 : memref<128x128xf32, #tpu.memory_space<vmem_shared>>) target_semaphore(%run_scoped3A : memref<!tpu.dma_semaphore, #tpu.memory_space<semaphore_mem>>)
      %dma_wait3A = arith.constant 0 : i32
      %dma_wait3A_37 = tpu.memref_slice %arg5[%add3A_16, %dma_wait3A] : memref<10112x128xf32, #tpu.memory_space<vmem_shared>> -> memref<128x128xf32, #tpu.memory_space<vmem_shared>>
      %dma_wait3A_38 = arith.constant 0 : i32
      %dma_wait3A_39 = tpu.memref_slice %arg5[%add3A_16, %dma_wait3A_38] : memref<10112x128xf32, #tpu.memory_space<vmem_shared>> -> memref<128x128xf32, #tpu.memory_space<vmem_shared>>
      tpu.wait_dma2 semaphore(%run_scoped3A : memref<!tpu.dma_semaphore, #tpu.memory_space<semaphore_mem>>) src(%arg4 : memref<128x128xf32, #tpu.memory_space<vmem>>) dst(%dma_wait3A_39 : memref<128x128xf32, #tpu.memory_space<vmem_shared>>)
      tpu.yield
    }) : () -> ()
    %add3A_17 = arith.constant 512 : i32
    %add3A_18 = arith.addi %mul3A_8, %add3A_17 : i32
    "tpu.region"() ({
      %run_scoped3A = tpu.sem_alloc : memref<!tpu.dma_semaphore, #tpu.memory_space<semaphore_mem>>
      %dma_start3A = arith.constant 0 : i32
      %dma_start3A_34 = arith.constant 0 : i32
      %dma_start3A_35 = tpu.memref_slice %arg4[%dma_start3A, %dma_start3A_34] : memref<128x128xf32, #tpu.memory_space<vmem>> -> memref<120x128xf32, #tpu.memory_space<vmem>>
      %dma_start3A_36 = arith.constant 0 : i32
      %dma_start3A_37 = tpu.memref_slice %arg5[%add3A_18, %dma_start3A_36] : memref<10112x128xf32, #tpu.memory_space<vmem_shared>> -> memref<120x128xf32, #tpu.memory_space<vmem_shared>>
      %dma_start3A_38 = arith.constant 0 : i32
      %dma_start3A_39 = tpu.memref_slice %arg5[%add3A_18, %dma_start3A_38] : memref<10112x128xf32, #tpu.memory_space<vmem_shared>> -> memref<120x128xf32, #tpu.memory_space<vmem_shared>>
      %dma_start3A_40 = arith.constant 0 : i32
      %dma_start3A_41 = arith.constant 0 : i32
      %dma_start3A_42 = tpu.memref_slice %arg4[%dma_start3A_40, %dma_start3A_41] : memref<128x128xf32, #tpu.memory_space<vmem>> -> memref<120x128xf32, #tpu.memory_space<vmem>>
      tpu.enqueue_dma source(%dma_start3A_42 : memref<120x128xf32, #tpu.memory_space<vmem>>) target(%dma_start3A_39 : memref<120x128xf32, #tpu.memory_space<vmem_shared>>) target_semaphore(%run_scoped3A : memref<!tpu.dma_semaphore, #tpu.memory_space<semaphore_mem>>)
      %dma_wait3A = arith.constant 0 : i32
      %dma_wait3A_43 = arith.constant 0 : i32
      %dma_wait3A_44 = tpu.memref_slice %arg4[%dma_wait3A, %dma_wait3A_43] : memref<128x128xf32, #tpu.memory_space<vmem>> -> memref<120x128xf32, #tpu.memory_space<vmem>>
      %dma_wait3A_45 = arith.constant 0 : i32
      %dma_wait3A_46 = tpu.memref_slice %arg5[%add3A_18, %dma_wait3A_45] : memref<10112x128xf32, #tpu.memory_space<vmem_shared>> -> memref<120x128xf32, #tpu.memory_space<vmem_shared>>
      %dma_wait3A_47 = arith.constant 0 : i32
      %dma_wait3A_48 = tpu.memref_slice %arg5[%add3A_18, %dma_wait3A_47] : memref<10112x128xf32, #tpu.memory_space<vmem_shared>> -> memref<120x128xf32, #tpu.memory_space<vmem_shared>>
      %dma_wait3A_49 = arith.constant 0 : i32
      %dma_wait3A_50 = arith.constant 0 : i32
      %dma_wait3A_51 = tpu.memref_slice %arg4[%dma_wait3A_49, %dma_wait3A_50] : memref<128x128xf32, #tpu.memory_space<vmem>> -> memref<120x128xf32, #tpu.memory_space<vmem>>
      tpu.wait_dma2 semaphore(%run_scoped3A : memref<!tpu.dma_semaphore, #tpu.memory_space<semaphore_mem>>) src(%dma_wait3A_51 : memref<120x128xf32, #tpu.memory_space<vmem>>) dst(%dma_wait3A_48 : memref<120x128xf32, #tpu.memory_space<vmem_shared>>)
      tpu.yield
    }) : () -> ()
    %broadcast_in_dim3A_19 = arith.constant 1.000000e+00 : f32
    %broadcast_in_dim3A_20 = vector.broadcast %broadcast_in_dim3A_19 : f32 to vector<16xf32>
    %scan3A_21 = arith.constant 0 : i32
    %scan3A_22 = arith.constant 0 : i32
    %scan3A_23 = arith.constant 128 : i32
    %scan3A_24 = arith.addi %scan3A_22, %scan3A_23 : i32
    %scan3A_25 = arith.constant 1 : i32
    scf.for %scan3A_34 = %scan3A_22 to %scan3A_24 step %scan3A_25  : i32 {
      %scan3A_35 = arith.constant 0 : i32
      %scan3A_36 = arith.constant 8 : i32
      %scan3A_37 = arith.addi %scan3A_35, %scan3A_36 : i32
      %scan3A_38 = arith.constant 1 : i32
      scf.for %scan3A_40 = %scan3A_35 to %scan3A_37 step %scan3A_38  : i32 {
        %mul3A_41 = arith.constant 16 : i32
        %mul3A_42 = arith.muli %scan3A_40, %mul3A_41 : i32
        %swap3A = arith.index_cast %scan3A_34 : i32 to index
        %swap3A_43 = arith.index_cast %mul3A_42 : i32 to index
        %swap3A_44 = tpu.vector_load %arg4[%swap3A, %swap3A_43] {strides = array<i32>} : memref<128x128xf32, #tpu.memory_space<vmem>>, vector<1x16xf32>,
        %swap3A_45 = vector.shape_cast %swap3A_44 : vector<1x16xf32> to vector<16xf32>
        %swap3A_46 = vector.shape_cast %broadcast_in_dim3A_20 : vector<16xf32> to vector<1x16xf32>
        tpu.vector_store %arg4[%swap3A, %swap3A_43], %swap3A_46 {strides = array<i32>} : memref<128x128xf32, #tpu.memory_space<vmem>>, vector<1x16xf32>,
      }
      %scan3A_39 = arith.constant 8 : i32
    }
    %scan3A_26 = arith.constant 128 : i32
    %barrier3A = arith.constant 0 : index
    tpu.barrier barrier_id(%barrier3A)
    %scan3A_27 = arith.constant 0 : i32
    %scan3A_28 = arith.constant 0 : i32
    %scan3A_29 = arith.constant 10 : i32
    %scan3A_30 = arith.addi %scan3A_28, %scan3A_29 : i32
    %scan3A_31 = arith.constant 1 : i32
    scf.for %scan3A_34 = %scan3A_28 to %scan3A_30 step %scan3A_31  : i32 {
      %mul3A_35 = arith.constant 80 : i32
      %mul3A_36 = arith.muli %add3A, %mul3A_35 : i32
      %mul3A_37 = arith.constant 8 : i32
      %mul3A_38 = arith.muli %scan3A_34, %mul3A_37 : i32
      %add3A_39 = arith.addi %mul3A_36, %mul3A_38 : i32
      "tpu.region"() ({
        %run_scoped3A = tpu.sem_alloc : memref<!tpu.dma_semaphore, #tpu.memory_space<semaphore_mem>>
        %dma_start3A = arith.constant 0 : i32
        %dma_start3A_45 = tpu.memref_slice %arg2[%add3A_39, %dma_start3A] : memref<2560x128xi32, #tpu.memory_space<hbm>> -> memref<8x128xi32, #tpu.memory_space<hbm>>
        %dma_start3A_46 = arith.constant 0 : i32
        %dma_start3A_47 = tpu.memref_slice %arg2[%add3A_39, %dma_start3A_46] : memref<2560x128xi32, #tpu.memory_space<hbm>> -> memref<8x128xi32, #tpu.memory_space<hbm>>
        tpu.enqueue_dma source(%dma_start3A_47 : memref<8x128xi32, #tpu.memory_space<hbm>>) target(%arg6 : memref<8x128xi32, #tpu.memory_space<vmem>>) target_semaphore(%run_scoped3A : memref<!tpu.dma_semaphore, #tpu.memory_space<semaphore_mem>>)
        %dma_wait3A = arith.constant 0 : i32
        %dma_wait3A_48 = tpu.memref_slice %arg2[%add3A_39, %dma_wait3A] : memref<2560x128xi32, #tpu.memory_space<hbm>> -> memref<8x128xi32, #tpu.memory_space<hbm>>
        %dma_wait3A_49 = arith.constant 0 : i32
        %dma_wait3A_50 = tpu.memref_slice %arg2[%add3A_39, %dma_wait3A_49] : memref<2560x128xi32, #tpu.memory_space<hbm>> -> memref<8x128xi32, #tpu.memory_space<hbm>>
        tpu.wait_dma2 semaphore(%run_scoped3A : memref<!tpu.dma_semaphore, #tpu.memory_space<semaphore_mem>>) src(%dma_wait3A_50 : memref<8x128xi32, #tpu.memory_space<hbm>>) dst(%arg6 : memref<8x128xi32, #tpu.memory_space<vmem>>)
        tpu.yield
      }) : () -> ()
      %scan3A_40 = arith.constant 0 : i32
      %scan3A_41 = arith.constant 8 : i32
      %scan3A_42 = arith.addi %scan3A_40, %scan3A_41 : i32
      %scan3A_43 = arith.constant 1 : i32
      scf.for %scan3A_45 = %scan3A_40 to %scan3A_42 step %scan3A_43  : i32 {
        "tpu.region"() ({
          %run_scoped3A = tpu.sem_alloc : memref<!tpu.dma_semaphore, #tpu.memory_space<semaphore_mem>>
          %dma_start3A = arith.constant 0 : i32
          %dma_start3A_46 = tpu.memref_slice %arg6[%scan3A_45, %dma_start3A] : memref<8x128xi32, #tpu.memory_space<vmem>> -> memref<1x128xi32, #tpu.memory_space<vmem>>
          %dma_start3A_47 = tpu.memref_squeeze %dma_start3A_46 : memref<1x128xi32, #tpu.memory_space<vmem>> -> memref<128xi32, #tpu.memory_space<vmem>>
          %dma_start3A_48 = arith.constant 0 : i32
          %dma_start3A_49 = arith.constant 0 : i32
          %dma_start3A_50 = tpu.memref_slice %arg5[%dma_start3A_48, %dma_start3A_49] : memref<10112x128xf32, #tpu.memory_space<vmem_shared>> -> memref<10112x128xf32, #tpu.memory_space<vmem_shared>>
          tpu.enqueue_indirect_dma source(%arg4 : memref<128x128xf32, #tpu.memory_space<vmem>>) target(%dma_start3A_50 : memref<10112x128xf32, #tpu.memory_space<vmem_shared>>) offsets(%dma_start3A_47 : memref<128xi32, #tpu.memory_space<vmem>>) semaphore(%run_scoped3A : memref<!tpu.dma_semaphore, #tpu.memory_space<semaphore_mem>>) {add = true}
          %dma_wait3A = arith.constant 0 : i32
          %dma_wait3A_51 = tpu.memref_slice %arg6[%scan3A_45, %dma_wait3A] : memref<8x128xi32, #tpu.memory_space<vmem>> -> memref<1x128xi32, #tpu.memory_space<vmem>>
          %dma_wait3A_52 = tpu.memref_squeeze %dma_wait3A_51 : memref<1x128xi32, #tpu.memory_space<vmem>> -> memref<128xi32, #tpu.memory_space<vmem>>
          %dma_wait3A_53 = arith.constant 0 : i32
          %dma_wait3A_54 = arith.constant 0 : i32
          %dma_wait3A_55 = tpu.memref_slice %arg5[%dma_wait3A_53, %dma_wait3A_54] : memref<10112x128xf32, #tpu.memory_space<vmem_shared>> -> memref<10112x128xf32, #tpu.memory_space<vmem_shared>>
          tpu.wait_indirect_dma semaphore(%run_scoped3A : memref<!tpu.dma_semaphore, #tpu.memory_space<semaphore_mem>>) src(%arg4 : memref<128x128xf32, #tpu.memory_space<vmem>>) dst(%dma_wait3A_55 : memref<10112x128xf32, #tpu.memory_space<vmem_shared>>)
          tpu.yield
        }) : () -> ()
      }
      %scan3A_44 = arith.constant 8 : i32
    }
    %scan3A_32 = arith.constant 10 : i32
    %barrier3A_33 = arith.constant 0 : index
    tpu.barrier barrier_id(%barrier3A_33)
    "tpu.region"() ({
      %run_scoped3A = tpu.sem_alloc : memref<!tpu.dma_semaphore, #tpu.memory_space<semaphore_mem>>
      %dma_start3A = arith.constant 0 : i32
      %dma_start3A_34 = tpu.memref_slice %arg3[%arg0, %mul3A_8, %dma_start3A] : memref<2x10112x128xf32, #tpu.memory_space<hbm>> -> memref<1x632x128xf32, #tpu.memory_space<hbm>>
      %dma_start3A_35 = tpu.memref_squeeze %dma_start3A_34 : memref<1x632x128xf32, #tpu.memory_space<hbm>> -> memref<632x128xf32, #tpu.memory_space<hbm>>
      %dma_start3A_36 = arith.constant 0 : i32
      %dma_start3A_37 = tpu.memref_slice %arg5[%mul3A_8, %dma_start3A_36] : memref<10112x128xf32, #tpu.memory_space<vmem_shared>> -> memref<632x128xf32, #tpu.memory_space<vmem_shared>>
      tpu.enqueue_dma source(%dma_start3A_37 : memref<632x128xf32, #tpu.memory_space<vmem_shared>>) target(%dma_start3A_35 : memref<632x128xf32, #tpu.memory_space<hbm>>) target_semaphore(%run_scoped3A : memref<!tpu.dma_semaphore, #tpu.memory_space<semaphore_mem>>)
      %dma_wait3A = arith.constant 0 : i32
      %dma_wait3A_38 = tpu.memref_slice %arg3[%arg0, %mul3A_8, %dma_wait3A] : memref<2x10112x128xf32, #tpu.memory_space<hbm>> -> memref<1x632x128xf32, #tpu.memory_space<hbm>>
      %dma_wait3A_39 = tpu.memref_squeeze %dma_wait3A_38 : memref<1x632x128xf32, #tpu.memory_space<hbm>> -> memref<632x128xf32, #tpu.memory_space<hbm>>
      %dma_wait3A_40 = arith.constant 0 : i32
      %dma_wait3A_41 = tpu.memref_slice %arg5[%mul3A_8, %dma_wait3A_40] : memref<10112x128xf32, #tpu.memory_space<vmem_shared>> -> memref<632x128xf32, #tpu.memory_space<vmem_shared>>
      tpu.wait_dma2 semaphore(%run_scoped3A : memref<!tpu.dma_semaphore, #tpu.memory_space<semaphore_mem>>) src(%dma_wait3A_41 : memref<632x128xf32, #tpu.memory_space<vmem_shared>>) dst(%dma_wait3A_39 : memref<632x128xf32, #tpu.memory_space<hbm>>)
      tpu.yield
    }) : () -> ()
    return
  }
}

module attributes {stable_mosaic.version = 14 : i64} {
  func.func @_pre_body(%arg0: i32, %arg1: memref<1000x128xf32, #tpu.memory_space<vmem>>, %arg2: memref<128x128xf32, #tpu.memory_space<vmem>>, %arg3: memref<1000x128xf32, #tpu.memory_space<vmem>>) attributes {dimension_semantics = [#tpu.dimension_semantics<arbitrary>], iteration_bounds = array<i64: 10>, scalar_prefetch = 0 : i64, scratch_operands = 0 : i64, tpu.core_type = #tpu.core_type<tc>, window_params = [{transform_indices = @transform_0, window_bounds = array<i64: 1000, 128>}, {pipeline_mode = #tpu.pipeline_mode<synchronous>, transform_indices = @transform_1, window_bounds = array<i64: 128, 128>}, {transform_indices = @transform_2, window_bounds = array<i64: 1000, 128>}]} {
    %get3A = arith.constant 0 : index
    %get3A_0 = arith.constant 0 : index
    %get3A_1 = vector.load %arg1[%get3A, %get3A_0] : memref<1000x128xf32, #tpu.memory_space<vmem>>, vector<1000x128xf32>
    %get3A_2 = arith.constant 0 : index
    %get3A_3 = arith.constant 0 : index
    %get3A_4 = vector.load %arg2[%get3A_2, %get3A_3] : memref<128x128xf32, #tpu.memory_space<vmem>>, vector<128x128xf32>
    %dot_general3A = arith.constant dense<0.000000e+00> : vector<1000x128xf32>
    %dot_general3A_5 = tpu.matmul %get3A_1, %get3A_4, %dot_general3A {dimension_numbers = #tpu.dot_dimension_numbers<[1], [0], [0], [1], [0, 0, 1, 1], [], []>, transpose_lhs_hint = false} : vector<1000x128xf32>, vector<128x128xf32>, vector<1000x128xf32> -> vector<1000x128xf32>
    %swap3A = arith.constant 0 : index
    %swap3A_6 = arith.constant 0 : index
    %swap3A_7 = vector.load %arg3[%swap3A, %swap3A_6] : memref<1000x128xf32, #tpu.memory_space<vmem>>, vector<1000x128xf32>
    tpu.vector_store %arg3[%swap3A, %swap3A_6], %dot_general3A_5 {strides = array<i32>} : memref<1000x128xf32, #tpu.memory_space<vmem>>, vector<1000x128xf32>,
    return
  }
  func.func @transform_0(%arg0: i32) -> (i32, i32) {
    %c0_i32 = arith.constant 0 : i32
    %c0_i32_0 = arith.constant 0 : i32
    return %arg0, %c0_i32 : i32, i32
  }
  func.func @transform_1(%arg0: i32) -> (i32, i32) {
    %c0_i32 = arith.constant 0 : i32
    %c0_i32_0 = arith.constant 0 : i32
    %c0_i32_1 = arith.constant 0 : i32
    return %c0_i32, %c0_i32_0 : i32, i32
  }
  func.func @transform_2(%arg0: i32) -> (i32, i32) {
    %c0_i32 = arith.constant 0 : i32
    %c0_i32_0 = arith.constant 0 : i32
    return %arg0, %c0_i32 : i32, i32
  }
}

module attributes {stable_mosaic.version = 14 : i64} {
  func.func @_mid_body(%arg0: i32, %arg1: memref<1000x128xf32, #tpu.memory_space<vmem>>, %arg2: memref<1000x128xf32, #tpu.memory_space<vmem>>, %arg3: memref<1000x128xf32, #tpu.memory_space<vmem>>, %arg4: memref<1000x128xf32, #tpu.memory_space<vmem>>, %arg5: memref<1000x128xf32, #tpu.memory_space<vmem>>, %arg6: memref<128x128xf32, #tpu.memory_space<vmem>>, %arg7: memref<1x128xf32, #tpu.memory_space<vmem>>, %arg8: memref<128x128xf32, #tpu.memory_space<vmem>>, %arg9: memref<128x128xf32, #tpu.memory_space<vmem>>, %arg10: memref<1x128xf32, #tpu.memory_space<vmem>>, %arg11: memref<1000x128xf32, #tpu.memory_space<vmem>>, %arg12: memref<1000x128xf32, #tpu.memory_space<vmem>>) attributes {dimension_semantics = [#tpu.dimension_semantics<arbitrary>], iteration_bounds = array<i64: 10>, scalar_prefetch = 0 : i64, scratch_operands = 0 : i64, tpu.core_type = #tpu.core_type<tc>, window_params = [{transform_indices = @transform_0, window_bounds = array<i64: 1000, 128>}, {transform_indices = @transform_1, window_bounds = array<i64: 1000, 128>}, {transform_indices = @transform_2, window_bounds = array<i64: 1000, 128>}, {transform_indices = @transform_3, window_bounds = array<i64: 1000, 128>}, {transform_indices = @transform_4, window_bounds = array<i64: 1000, 128>}, {pipeline_mode = #tpu.pipeline_mode<synchronous>, transform_indices = @transform_5, window_bounds = array<i64: 128, 128>}, {pipeline_mode = #tpu.pipeline_mode<synchronous>, transform_indices = @transform_6, window_bounds = array<i64: 1, 128>}, {pipeline_mode = #tpu.pipeline_mode<synchronous>, transform_indices = @transform_7, window_bounds = array<i64: 128, 128>}, {pipeline_mode = #tpu.pipeline_mode<synchronous>, transform_indices = @transform_8, window_bounds = array<i64: 128, 128>}, {pipeline_mode = #tpu.pipeline_mode<synchronous>, transform_indices = @transform_9, window_bounds = array<i64: 1, 128>}, {transform_indices = @transform_10, window_bounds = array<i64: 1000, 128>}, {transform_indices = @transform_11, window_bounds = array<i64: 1000, 128>}]} {
    %get3A = arith.constant 0 : index
    %get3A_0 = arith.constant 0 : index
    %get3A_1 = vector.load %arg4[%get3A, %get3A_0] : memref<1000x128xf32, #tpu.memory_space<vmem>>, vector<1000x1xf32>
    %get3A_2 = arith.constant 0 : index
    %get3A_3 = arith.constant 0 : index
    %get3A_4 = vector.load %arg5[%get3A_2, %get3A_3] : memref<1000x128xf32, #tpu.memory_space<vmem>>, vector<1000x1xf32>
    %add3A = arith.addf %get3A_1, %get3A_4 : vector<1000x1xf32>
    %max3A = arith.constant 1.000000e+00 : f32
    %max3A_5 = vector.broadcast %max3A : f32 to vector<1000x1xf32>
    %max3A_6 = arith.maximumf %add3A, %max3A_5 : vector<1000x1xf32>
    %div3A = arith.constant 1.000000e+00 : f32
    %div3A_7 = vector.broadcast %div3A : f32 to vector<1000x1xf32>
    %div3A_8 = arith.divf %div3A_7, %max3A_6 : vector<1000x1xf32>
    %get3A_9 = arith.constant 0 : index
    %get3A_10 = arith.constant 0 : index
    %get3A_11 = vector.load %arg2[%get3A_9, %get3A_10] : memref<1000x128xf32, #tpu.memory_space<vmem>>, vector<1000x128xf32>
    %get3A_12 = arith.constant 0 : index
    %get3A_13 = arith.constant 0 : index
    %get3A_14 = vector.load %arg3[%get3A_12, %get3A_13] : memref<1000x128xf32, #tpu.memory_space<vmem>>, vector<1000x128xf32>
    %add3A_15 = arith.addf %get3A_11, %get3A_14 : vector<1000x128xf32>
    %mul3A = vector.broadcast %div3A_8 : vector<1000x1xf32> to vector<1000x128xf32>
    %mul3A_16 = arith.mulf %add3A_15, %mul3A : vector<1000x128xf32>
    %get3A_17 = arith.constant 0 : index
    %get3A_18 = arith.constant 0 : index
    %get3A_19 = vector.load %arg1[%get3A_17, %get3A_18] : memref<1000x128xf32, #tpu.memory_space<vmem>>, vector<1000x128xf32>
    %get3A_20 = arith.constant 0 : index
    %get3A_21 = arith.constant 0 : index
    %get3A_22 = vector.load %arg6[%get3A_20, %get3A_21] : memref<128x128xf32, #tpu.memory_space<vmem>>, vector<128x128xf32>
    %dot_general3A = arith.constant dense<0.000000e+00> : vector<1000x128xf32>
    %dot_general3A_23 = tpu.matmul %get3A_19, %get3A_22, %dot_general3A {dimension_numbers = #tpu.dot_dimension_numbers<[1], [0], [0], [1], [0, 0, 1, 1], [], []>, transpose_lhs_hint = false} : vector<1000x128xf32>, vector<128x128xf32>, vector<1000x128xf32> -> vector<1000x128xf32>
    %get3A_24 = arith.constant 0 : index
    %get3A_25 = arith.constant 0 : index
    %get3A_26 = vector.load %arg7[%get3A_24, %get3A_25] : memref<1x128xf32, #tpu.memory_space<vmem>>, vector<1x128xf32>
    %add3A_27 = vector.broadcast %get3A_26 : vector<1x128xf32> to vector<1000x128xf32>
    %add3A_28 = arith.addf %mul3A_16, %add3A_27 : vector<1000x128xf32>
    %add3A_29 = arith.addf %add3A_28, %dot_general3A_23 : vector<1000x128xf32>
    %max3A_30 = arith.constant 0.000000e+00 : f32
    %max3A_31 = vector.broadcast %max3A_30 : f32 to vector<1000x128xf32>
    %max3A_32 = arith.maximumf %add3A_29, %max3A_31 : vector<1000x128xf32>
    %get3A_33 = arith.constant 0 : index
    %get3A_34 = arith.constant 0 : index
    %get3A_35 = vector.load %arg8[%get3A_33, %get3A_34] : memref<128x128xf32, #tpu.memory_space<vmem>>, vector<128x128xf32>
    %dot_general3A_36 = arith.constant dense<0.000000e+00> : vector<1000x128xf32>
    %dot_general3A_37 = tpu.matmul %max3A_32, %get3A_35, %dot_general3A_36 {dimension_numbers = #tpu.dot_dimension_numbers<[1], [0], [0], [1], [0, 0, 1, 1], [], []>, transpose_lhs_hint = false} : vector<1000x128xf32>, vector<128x128xf32>, vector<1000x128xf32> -> vector<1000x128xf32>
    %swap3A = arith.constant 0 : index
    %swap3A_38 = arith.constant 0 : index
    %swap3A_39 = vector.load %arg11[%swap3A, %swap3A_38] : memref<1000x128xf32, #tpu.memory_space<vmem>>, vector<1000x128xf32>
    tpu.vector_store %arg11[%swap3A, %swap3A_38], %dot_general3A_37 {strides = array<i32>} : memref<1000x128xf32, #tpu.memory_space<vmem>>, vector<1000x128xf32>,
    %get3A_40 = arith.constant 0 : index
    %get3A_41 = arith.constant 0 : index
    %get3A_42 = vector.load %arg9[%get3A_40, %get3A_41] : memref<128x128xf32, #tpu.memory_space<vmem>>, vector<128x128xf32>
    %dot_general3A_43 = arith.constant dense<0.000000e+00> : vector<1000x128xf32>
    %dot_general3A_44 = tpu.matmul %max3A_32, %get3A_42, %dot_general3A_43 {dimension_numbers = #tpu.dot_dimension_numbers<[1], [0], [0], [1], [0, 0, 1, 1], [], []>, transpose_lhs_hint = false} : vector<1000x128xf32>, vector<128x128xf32>, vector<1000x128xf32> -> vector<1000x128xf32>
    %get3A_45 = arith.constant 0 : index
    %get3A_46 = arith.constant 0 : index
    %get3A_47 = vector.load %arg10[%get3A_45, %get3A_46] : memref<1x128xf32, #tpu.memory_space<vmem>>, vector<1x128xf32>
    %add3A_48 = vector.broadcast %get3A_47 : vector<1x128xf32> to vector<1000x128xf32>
    %add3A_49 = arith.addf %dot_general3A_44, %add3A_48 : vector<1000x128xf32>
    %swap3A_50 = arith.constant 0 : index
    %swap3A_51 = arith.constant 0 : index
    %swap3A_52 = vector.load %arg12[%swap3A_50, %swap3A_51] : memref<1000x128xf32, #tpu.memory_space<vmem>>, vector<1000x128xf32>
    tpu.vector_store %arg12[%swap3A_50, %swap3A_51], %add3A_49 {strides = array<i32>} : memref<1000x128xf32, #tpu.memory_space<vmem>>, vector<1000x128xf32>,
    return
  }
  func.func @transform_0(%arg0: i32) -> (i32, i32) {
    %c0_i32 = arith.constant 0 : i32
    %c0_i32_0 = arith.constant 0 : i32
    return %arg0, %c0_i32 : i32, i32
  }
  func.func @transform_1(%arg0: i32) -> (i32, i32) {
    %c0_i32 = arith.constant 0 : i32
    %c0_i32_0 = arith.constant 0 : i32
    return %arg0, %c0_i32 : i32, i32
  }
  func.func @transform_2(%arg0: i32) -> (i32, i32) {
    %c0_i32 = arith.constant 0 : i32
    %c0_i32_0 = arith.constant 0 : i32
    return %arg0, %c0_i32 : i32, i32
  }
  func.func @transform_3(%arg0: i32) -> (i32, i32) {
    %c0_i32 = arith.constant 0 : i32
    %c0_i32_0 = arith.constant 0 : i32
    return %arg0, %c0_i32 : i32, i32
  }
  func.func @transform_4(%arg0: i32) -> (i32, i32) {
    %c0_i32 = arith.constant 0 : i32
    %c0_i32_0 = arith.constant 0 : i32
    return %arg0, %c0_i32 : i32, i32
  }
  func.func @transform_5(%arg0: i32) -> (i32, i32) {
    %c0_i32 = arith.constant 0 : i32
    %c0_i32_0 = arith.constant 0 : i32
    %c0_i32_1 = arith.constant 0 : i32
    return %c0_i32, %c0_i32_0 : i32, i32
  }
  func.func @transform_6(%arg0: i32) -> (i32, i32) {
    %c0_i32 = arith.constant 0 : i32
    %c0_i32_0 = arith.constant 0 : i32
    %c0_i32_1 = arith.constant 0 : i32
    return %c0_i32, %c0_i32_0 : i32, i32
  }
  func.func @transform_7(%arg0: i32) -> (i32, i32) {
    %c0_i32 = arith.constant 0 : i32
    %c0_i32_0 = arith.constant 0 : i32
    %c0_i32_1 = arith.constant 0 : i32
    return %c0_i32, %c0_i32_0 : i32, i32
  }
  func.func @transform_8(%arg0: i32) -> (i32, i32) {
    %c0_i32 = arith.constant 0 : i32
    %c0_i32_0 = arith.constant 0 : i32
    %c0_i32_1 = arith.constant 0 : i32
    return %c0_i32, %c0_i32_0 : i32, i32
  }
  func.func @transform_9(%arg0: i32) -> (i32, i32) {
    %c0_i32 = arith.constant 0 : i32
    %c0_i32_0 = arith.constant 0 : i32
    %c0_i32_1 = arith.constant 0 : i32
    return %c0_i32, %c0_i32_0 : i32, i32
  }
  func.func @transform_10(%arg0: i32) -> (i32, i32) {
    %c0_i32 = arith.constant 0 : i32
    %c0_i32_0 = arith.constant 0 : i32
    return %arg0, %c0_i32 : i32, i32
  }
  func.func @transform_11(%arg0: i32) -> (i32, i32) {
    %c0_i32 = arith.constant 0 : i32
    %c0_i32_0 = arith.constant 0 : i32
    return %arg0, %c0_i32 : i32, i32
  }
}

module attributes {stable_mosaic.version = 14 : i64} {
  func.func @_fin_body(%arg0: i32, %arg1: memref<1000x128xf32, #tpu.memory_space<vmem>>, %arg2: memref<1000x128xf32, #tpu.memory_space<vmem>>, %arg3: memref<1000x128xf32, #tpu.memory_space<vmem>>, %arg4: memref<1000x128xf32, #tpu.memory_space<vmem>>, %arg5: memref<1000x128xf32, #tpu.memory_space<vmem>>, %arg6: memref<1000x128xf32, #tpu.memory_space<vmem>>) attributes {dimension_semantics = [#tpu.dimension_semantics<arbitrary>], iteration_bounds = array<i64: 10>, scalar_prefetch = 0 : i64, scratch_operands = 0 : i64, tpu.core_type = #tpu.core_type<tc>, window_params = [{transform_indices = @transform_0, window_bounds = array<i64: 1000, 128>}, {transform_indices = @transform_1, window_bounds = array<i64: 1000, 128>}, {transform_indices = @transform_2, window_bounds = array<i64: 1000, 128>}, {transform_indices = @transform_3, window_bounds = array<i64: 1000, 128>}, {transform_indices = @transform_4, window_bounds = array<i64: 1000, 128>}, {transform_indices = @transform_5, window_bounds = array<i64: 1000, 128>}]} {
    %get3A = arith.constant 0 : index
    %get3A_0 = arith.constant 0 : index
    %get3A_1 = vector.load %arg3[%get3A, %get3A_0] : memref<1000x128xf32, #tpu.memory_space<vmem>>, vector<1000x1xf32>
    %get3A_2 = arith.constant 0 : index
    %get3A_3 = arith.constant 0 : index
    %get3A_4 = vector.load %arg4[%get3A_2, %get3A_3] : memref<1000x128xf32, #tpu.memory_space<vmem>>, vector<1000x1xf32>
    %add3A = arith.addf %get3A_1, %get3A_4 : vector<1000x1xf32>
    %max3A = arith.constant 1.000000e+00 : f32
    %max3A_5 = vector.broadcast %max3A : f32 to vector<1000x1xf32>
    %max3A_6 = arith.maximumf %add3A, %max3A_5 : vector<1000x1xf32>
    %div3A = arith.constant 1.000000e+00 : f32
    %div3A_7 = vector.broadcast %div3A : f32 to vector<1000x1xf32>
    %div3A_8 = arith.divf %div3A_7, %max3A_6 : vector<1000x1xf32>
    %get3A_9 = arith.constant 0 : index
    %get3A_10 = arith.constant 0 : index
    %get3A_11 = vector.load %arg1[%get3A_9, %get3A_10] : memref<1000x128xf32, #tpu.memory_space<vmem>>, vector<1000x128xf32>
    %get3A_12 = arith.constant 0 : index
    %get3A_13 = arith.constant 0 : index
    %get3A_14 = vector.load %arg2[%get3A_12, %get3A_13] : memref<1000x128xf32, #tpu.memory_space<vmem>>, vector<1000x128xf32>
    %add3A_15 = arith.addf %get3A_11, %get3A_14 : vector<1000x128xf32>
    %mul3A = vector.broadcast %div3A_8 : vector<1000x1xf32> to vector<1000x128xf32>
    %mul3A_16 = arith.mulf %add3A_15, %mul3A : vector<1000x128xf32>
    %get3A_17 = arith.constant 0 : index
    %get3A_18 = arith.constant 0 : index
    %get3A_19 = vector.load %arg5[%get3A_17, %get3A_18] : memref<1000x128xf32, #tpu.memory_space<vmem>>, vector<1000x128xf32>
    %add3A_20 = arith.addf %mul3A_16, %get3A_19 : vector<1000x128xf32>
    %max3A_21 = arith.constant 0.000000e+00 : f32
    %max3A_22 = vector.broadcast %max3A_21 : f32 to vector<1000x128xf32>
    %max3A_23 = arith.maximumf %add3A_20, %max3A_22 : vector<1000x128xf32>
    %reduce_max3A = arith.constant dense<0xFF800000> : vector<1000xf32>
    %reduce_max3A_24 = vector.multi_reduction <maximumf>, %max3A_23, %reduce_max3A [1] : vector<1000x128xf32> to vector<1000xf32>
    %broadcast_in_dim3A = vector.shape_cast %reduce_max3A_24 : vector<1000xf32> to vector<1000x1xf32>
    %sub3A = vector.broadcast %broadcast_in_dim3A : vector<1000x1xf32> to vector<1000x128xf32>
    %sub3A_25 = arith.subf %max3A_23, %sub3A : vector<1000x128xf32>
    %exp3A = math.exp %sub3A_25 : vector<1000x128xf32>
    %reduce_sum3A = arith.constant dense<0.000000e+00> : vector<1000xf32>
    %reduce_sum3A_26 = vector.multi_reduction <add>, %exp3A, %reduce_sum3A [1] : vector<1000x128xf32> to vector<1000xf32>
    %broadcast_in_dim3A_27 = vector.shape_cast %reduce_sum3A_26 : vector<1000xf32> to vector<1000x1xf32>
    %log3A = math.log %broadcast_in_dim3A_27 : vector<1000x1xf32>
    %sub3A_28 = vector.broadcast %broadcast_in_dim3A : vector<1000x1xf32> to vector<1000x128xf32>
    %sub3A_29 = arith.subf %max3A_23, %sub3A_28 : vector<1000x128xf32>
    %sub3A_30 = vector.broadcast %log3A : vector<1000x1xf32> to vector<1000x128xf32>
    %sub3A_31 = arith.subf %sub3A_29, %sub3A_30 : vector<1000x128xf32>
    %swap3A = arith.constant 0 : index
    %swap3A_32 = arith.constant 0 : index
    %swap3A_33 = vector.load %arg6[%swap3A, %swap3A_32] : memref<1000x128xf32, #tpu.memory_space<vmem>>, vector<1000x128xf32>
    tpu.vector_store %arg6[%swap3A, %swap3A_32], %sub3A_31 {strides = array<i32>} : memref<1000x128xf32, #tpu.memory_space<vmem>>, vector<1000x128xf32>,
    return
  }
  func.func @transform_0(%arg0: i32) -> (i32, i32) {
    %c0_i32 = arith.constant 0 : i32
    %c0_i32_0 = arith.constant 0 : i32
    return %arg0, %c0_i32 : i32, i32
  }
  func.func @transform_1(%arg0: i32) -> (i32, i32) {
    %c0_i32 = arith.constant 0 : i32
    %c0_i32_0 = arith.constant 0 : i32
    return %arg0, %c0_i32 : i32, i32
  }
  func.func @transform_2(%arg0: i32) -> (i32, i32) {
    %c0_i32 = arith.constant 0 : i32
    %c0_i32_0 = arith.constant 0 : i32
    return %arg0, %c0_i32 : i32, i32
  }
  func.func @transform_3(%arg0: i32) -> (i32, i32) {
    %c0_i32 = arith.constant 0 : i32
    %c0_i32_0 = arith.constant 0 : i32
    return %arg0, %c0_i32 : i32, i32
  }
  func.func @transform_4(%arg0: i32) -> (i32, i32) {
    %c0_i32 = arith.constant 0 : i32
    %c0_i32_0 = arith.constant 0 : i32
    return %arg0, %c0_i32 : i32, i32
  }
  func.func @transform_5(%arg0: i32) -> (i32, i32) {
    %c0_i32 = arith.constant 0 : i32
    %c0_i32_0 = arith.constant 0 : i32
    return %arg0, %c0_i32 : i32, i32
  }
}

</mosaic_0001>

<sc_bundles>
// kernel: kernel.11.cloned.1.call-start
scs
__scs_entry_jumppad:
0x0: {  	(pc) =	sbr.rel $0x88, $3  }
0x1: {  	(tag) =	ssettag $0x0;
	lr =	simm.s32 $0x1  }
0x2: {  	[smem:$0x3F99] =	sst lr;
	_ =	strace $0xD0000000  }
0x3: {  	_ = 	snop  }
0x4: {  	_ = 	snop  }
0x5: {  	_ = 	snop  }
0x6: {  	_ = 	snop  }
0x7: {  	_ = 	snop  }
__scs_overlays_trampoline_lowered:
0x8: {  	[smem:$0x3FA8] =	sst s0  }
0x9: {  	[smem:$0x3FA9] =	sst s1  }
0xa: {  	[smem:$0x3FAA] =	sst s2  }
0xb: {  	[smem:$0x3FAB] =	sst s3  }
0xc: {  	[smem:$0x3FAC] =	sst s4  }
0xd: {  	[smem:$0x3FAD] =	sst s5  }
0xe: {  	[smem:$0x3FAE] =	sst s6  }
0xf: {  	[smem:$0x3FAF] =	sst s7  }
0x10: {  	[smem:$0x3FB0] =	sst s8  }
0x11: {  	[smem:$0x3FB1] =	sst s9;
	s0 =	simm.s32 @!p0 $0x0  }
0x12: {  	s1 =	sld [smem:$0x3F97];
	s0 =	simm.s32 @p0 $0x1  }
0x13: {  	[smem:$0x3FB2] =	sst s0;
	s0 =	simm.s32 @!p1 $0x0  }
0x14: {  	s2 =	sld [smem:$0x3F96];
	s0 =	simm.s32 @p1 $0x1  }
0x15: {  	[smem:$0x3FB3] =	sst s0;
	s0 =	simm.s32 @!p2 $0x0  }
0x16: {  	s3 =	sld [smem:$0x3FDB];
	s0 =	simm.s32 @p2 $0x1  }
0x17: {  	s4 =	simm.s32 $0x1BF5;
	[smem:$0x3FB5] =	sst s0  }
0x18: {  	s0 =	sld [smem:$0x3F98];
	_ =	swait.ge [sflag:s4], $0x0  }
0x19: {  	s7 =	sld [smem:$0x3F99]  }
0x1a: {  	s8 =	sadd.s32 $0xFFFFE003, lr  }
0x1b: {  	s9 =	sadd.s32 $0xFFFFFEF7, lr;
	s5 =	simm.s32 $0xFFFFFFFF;
	p2 =	slt.u32 s8, $0xFFFFF086  }
0x1c: {  	p1 =	slt.u32 s9, $0xF7A;
	s5 =	simm.s32 @!p2 $0x0  }
0x1d: {  	s5 =	simm.s32 @p1 $0x1;
	p0 =	seq.s32 s7, s2  }
0x1e: {  	s7 =	smul.u32 @!p0 $0xF7A, s2;
	p2 =	seq.s32 @!p0 s5, $0x0  }
0x1f: {  	s9 =	smul.u32 $0xF7A, s1;
	s8 =	simm.s32 @!p0 $0x1BF5;
	p2 =	por !p2, p0  }
0x20: {  	[sflag:s8] =	ssyncset.s32 @!p0 $0xFFFFF086;
	s6 =	sadd.s32 @!p0 s3, s7;
	s7 =	simm.s32 @!p0 $0x108  }
0x21: {  	s3 =	sadd.s32 s3, s9;
	s6 =	sadd.s32 @!p0 $0x88, s6;
	s7 =	simm.s32 @p2 $0x1082  }
0x22: {  	[simem:s7], [sflag:s8] =	dma.local @!p0 [hbm:s6], $0xF7A  }
0x23: {  	s9 =	sor.u32 $0xD0000000, s2;
	s6 =	simm.s32 $0x108;
	_ =	swait.ge @!p0 [sflag:s8], $0x0  }
0x24: {  	s3 =	sadd.s32 $0x88, s3;
	s6 =	simm.s32 @!p1 $0x1082;
	[sflag:s4] =	ssyncset.s32 $0xFFFFF086  }
0x25: {  	[simem:s6], [sflag:s4] =	dma.local [hbm:s3], $0xF7A  }
0x26: {  	[smem:$0x3F99] =	sst s1;
	(tag) =	ssettag s2;
	_ =	strace s9  }
0x27: {  	s1 =	sld [smem:$0x3FA9]  }
0x28: {  	s2 =	sld [smem:$0x3FAA]  }
0x29: {  	s4 =	sld [smem:$0x3FAC]  }
0x2a: {  	p0 =	seq.s32 s5, $0x0;
	s5 =	sld [smem:$0x3FAD]  }
0x2b: {  	s6 =	sld [smem:$0x3FAE]  }
0x2c: {  	s7 =	sld [smem:$0x3FAF]  }
0x2d: {  	s3 =	simm.s32 $0x108;
	s8 =	sld [smem:$0x3FB0]  }
0x2e: {  	s3 =	simm.s32 @!p0 $0x1082;
	s9 =	sld [smem:$0x3FB1]  }
0x2f: {  	lr =	sadd.s32 s0, s3;
	s0 =	sld [smem:$0x3FA8]  }
0x30: {  	s3 =	sld [smem:$0x3FAB]  }
0x31: {  	[smem:$0x3FB4] =	sst s10  }
0x32: {  	s10 =	sld [smem:$0x3FB2];
	_ =	sdelay $0x3  }
0x33: {  	p0 =	seq.s32 s10, $0x1;
	s10 =	sld [smem:$0x3FB4];
	_ =	sdelay $0x3  }
0x34: {  	[smem:$0x3FB4] =	sst s10  }
0x35: {  	s10 =	sld [smem:$0x3FB3];
	_ =	sdelay $0x3  }
0x36: {  	p1 =	seq.s32 s10, $0x1;
	s10 =	sld [smem:$0x3FB4];
	_ =	sdelay $0x3  }
0x37: {  	[smem:$0x3FB4] =	sst s10  }
0x38: {  	s10 =	sld [smem:$0x3FB5]  }
0x39: {  	_ = 	snop;
	(pc) =	sbr.ind lr, $3  }
0x3a: {  	_ = 	snop  }
0x3b: {  	_ = 	snop  }
0x3c: {  	p2 =	seq.s32 s10, $0x1;
	s10 =	sld [smem:$0x3FB4]  }
0x3d: {  	_ =	shalt  }
0x3e: {  	_ =	shalt  }
0x3f: {  	_ =	shalt  }
0x40: {  	_ =	shalt  }
0x41: {  	_ =	shalt  }
0x42: {  	_ =	shalt  }
0x43: {  	_ =	shalt  }
0x44: {  	_ =	shalt  }
0x45: {  	_ =	shalt  }
0x46: {  	_ =	shalt  }
0x47: {  	_ =	shalt  }
0x48: {  	_ =	shalt  }
0x49: {  	_ =	shalt  }
0x4a: {  	_ =	shalt  }
0x4b: {  	_ =	shalt  }
0x4c: {  	_ =	shalt  }
0x4d: {  	_ =	shalt  }
0x4e: {  	_ =	shalt  }
0x4f: {  	_ =	shalt  }
0x50: {  	_ =	shalt  }
0x51: {  	_ =	shalt  }
0x52: {  	_ =	shalt  }
0x53: {  	_ =	shalt  }
0x54: {  	_ =	shalt  }
0x55: {  	_ =	shalt  }
0x56: {  	_ =	shalt  }
0x57: {  	_ =	shalt  }
0x58: {  	_ =	shalt  }
0x59: {  	_ =	shalt  }
0x5a: {  	_ =	shalt  }
0x5b: {  	_ =	shalt  }
0x5c: {  	_ =	shalt  }
0x5d: {  	_ =	shalt  }
0x5e: {  	_ =	shalt  }
0x5f: {  	_ =	shalt  }
0x60: {  	_ =	shalt  }
0x61: {  	_ =	shalt  }
0x62: {  	_ =	shalt  }
0x63: {  	_ =	shalt  }
0x64: {  	_ =	shalt  }
0x65: {  	_ =	shalt  }
0x66: {  	_ =	shalt  }
0x67: {  	_ =	shalt  }
0x68: {  	_ =	shalt  }
0x69: {  	_ =	shalt  }
0x6a: {  	_ =	shalt  }
0x6b: {  	_ =	shalt  }
0x6c: {  	_ =	shalt  }
0x6d: {  	_ =	shalt  }
0x6e: {  	_ =	shalt  }
0x6f: {  	_ =	shalt  }
0x70: {  	_ =	shalt  }
0x71: {  	_ =	shalt  }
0x72: {  	_ =	shalt  }
0x73: {  	_ =	shalt  }
0x74: {  	_ =	shalt  }
0x75: {  	_ =	shalt  }
0x76: {  	_ =	shalt  }
0x77: {  	_ =	shalt  }
0x78: {  	_ =	shalt  }
0x79: {  	_ =	shalt  }
0x7a: {  	_ =	shalt  }
0x7b: {  	_ =	shalt  }
0x7c: {  	_ =	shalt  }
0x7d: {  	_ =	shalt  }
0x7e: {  	_ =	shalt  }
0x7f: {  	_ =	shalt  }
0x80: {  	_ =	shalt  }
0x81: {  	_ =	shalt  }
0x82: {  	_ =	shalt  }
0x83: {  	_ =	shalt  }
0x84: {  	_ =	shalt  }
0x85: {  	_ =	shalt  }
0x86: {  	_ =	shalt  }
0x87: {  	_ =	shalt  }
.Lfunc_end0:
.L_simem_size_0:
called_computation.1_lowered:
.L_overlay_start_0:
0x88: {  	s2 =	sld [smem:$0x3FD9]  }
0x89: {  	s3 =	sld [smem:$0x3FFE];
	_ =	sdelay $0x1  }
0x8a: {  	s1 =	srdreg.scid  }
0x8b: {  	s0 =	sand.u32 $0x1, s1  }
0x8c: {  	s17 =	sshll.u32 s0, $0xA;
	s2 =	sadd.s32 s3, s2  }
0x8d: {  	s2 =	sadd.s32 s2, s17  }
0x8e: {  	[smem:$0x3FC0] =	sst s2  }
0x8f: {  	_ = 	snop  }
0x90: {  	s2 =	sld [smem:$0x3FD0];
	(tm) =	ssettm $0x1  }
0x91: {  	s18 =	sld [smem:$0x3FFB];
	_ =	sdelay $0x3  }
0x92: {  	_ =	strace s18  }
0x93: {  	s3 =	sld [smem:$0x3FFC];
	_ =	sdelay $0x3  }
0x94: {  	_ =	strace s3  }
0x95: {  	s3 =	sld [smem:$0x3FFD];
	_ =	sdelay $0x3  }
0x96: {  	_ =	strace s3  }
0x97: {  	_ =	strace $0x8FFFFFFF  }
0x98: {  	s19 =	sld [smem:$0x3FDB];
	_ =	sdelay $0x1  }
0x99: {  	s4 =	simm.s32 $_scs_section_size  }
0x9a: {  	s5 =	simm.s32 $_size__tile_overlayer_lowered;
	s6 =	simm.s32 $_tile_overlayer_lowered  }
0x9b: {  	s22 =	simm.s32 $0x1BFF;
	s21 =	sshll.u32 s6, $0x1;
	s3 =	sadd.s32 s4, s19  }
0x9c: {  	s7 =	simm.s32 $0x0;
	s20 =	sshll.u32 s5, $0x1;
	s5 =	sadd.s32 s21, s3  }
0x9d: {  	[timem:s7], [sflag:s22] =	dma.local [hbm:s5], s20  }
0x9e: {  	_ =	swait.ge [sflag:s22], s20  }
0x9f: {  	s4 =	ssub.s32 $0x0, s20;
	[sflag:s22] =	ssyncset.done $0x0  }
0xa0: {  	[sflag:s22] =	ssyncadd.s32 s4;
	_ =	sdelay $0x1  }
0xa1: {  	s23 =	simm.s32 $0x1B8B  }
0xa2: {  	_ =	swait.ge [sflag:s23], $0x1  }
0xa3: {  	[sflag:s23] =	ssyncset.done $0x0  }
0xa4: {  	s25 =	simm.s32 $0x1B8E;
	s24 =	sld [smem:$0x3FFE];
	[sflag:s23] =	ssyncadd.s32 $0xFFFFFFFF  }
0xa5: {  	s26 =	simm.s32 $execute0_lowered;
	[smem:$0x3FD2] =	sst s25  }
0xa6: {  	s5 =	sshll.u32 s26, $0x1;
	_ =	strace $0x80000046;
	[dreg:$0x1] =	wrdreg $0xFFFFFFFF  }
0xa7: {  	s28 =	simm.s32 $_size_execute0_lowered;
	s3 =	sadd.s32 s3, s5;
	[dreg:$0x0] =	wrdreg $0x0  }
0xa8: {  	s5 =	sshll.u32 s28, $0x1;
	[dreg:$0x2] =	wrdreg s3  }
0xa9: {  	[dreg:$0x3] =	wrdreg s5  }
0xaa: {  	[dreg:$0x4] =	wrdreg $0xC0  }
0xab: {  	_ =	task [dreg:s7], $0x5FFFF  }
0xac: {  	[dreg:$0x1] =	wrdreg $0xFFFFFFFF  }
0xad: {  	[dreg:$0x0] =	wrdreg $0x60  }
0xae: {  	[dreg:$0x2] =	wrdreg s2  }
0xaf: {  	[dreg:$0x3] =	wrdreg s24  }
0xb0: {  	[dreg:$0x4] =	wrdreg $0x0  }
0xb1: {  	[dreg:$0x5] =	wrdreg $0xA  }
0xb2: {  	_ =	task.clear_ibuf [dreg:s7], $0x6FFFF;
	_ =	strace $0x90000046  }
0xb3: {  	s29 =	simm.s32 $0xA;
	_ =	strace $0x80000048  }
0xb4: {  	_ =	swait.ge [sflag:s29], $0x1  }
0xb5: {  	[sflag:s29] =	ssyncadd.s32 $0xFFFFFFFF  }
0xb6: {  	_ =	strace $0x90000048  }
0xb7: {  	_ =	sfence  }
0xb8: {  	s30 =	sld [smem:$0x0];
	_ =	sdelay $0x2  }
0xb9: {  	s31 =	sshll.u32 s1, $0xD;
	s1 =	sshrl.u32 s1, $0x2  }
0xba: {  	s3 =	sand.u32 $0x4000, s31;
	s1 =	sadd.s32 s1, s30  }
0xbb: {  	s0 =	sor.u32 s3, s0;
	s1 =	sshll.u32 s1, $0x11  }
0xbc: {  	s0 =	sor.u32 s1, s0  }
0xbd: {  	s0 =	sadd.s32 $0x8F2B, s0  }
0xbe: {  	[sflag:s0] =	ssyncadd.remote.s32 $0x1  }
0xbf: {  	_ =	sfence.sel $0xFFFF  }
0xc0: {  	[dreg:$0x0] =	wrdreg $0xFFFFFFFF;
	(pc) =	sbr.abs _section_cstart, $3  }
0xc1: {  	[dreg:$0x1] =	wrdreg $0xFFFFFFFF  }
0xc2: {  	_ =	task.clear_ibuf [dreg:s7], $0x2FFFF;
	_ =	strace $0x9FFFFFFF  }
0xc3: {  	(tm) =	ssettm $0x7FFFFFFF  }
tec
execute0_lowered:
.L_overlay_start_1:
0x0: {  	(tag) =	ssettag $0x1  }
0x1: {  	s2 =	rddreg [dreg:$0x0]  }
0x2: {  	s0 =	rddreg [dreg:$0x1]  }
0x3: {  	s3 =	rddreg [dreg:$0x2]  }
0x4: {  	s9 =	stileid.u32;
	s1 =	srdreg.scid;
	s4 =	simm.s32 $0x0  }
0x5: {  	s15 =	simm.s32 $0x13C00;
	s16 =	simm.s32 $0x3;
	s17 =	simm.s32 $0x1C000  }
0x6: {  	s26 =	simm.s32 $0x1C080;
	s28 =	simm.s32 $0x1C200;
	s5 =	smul.u32 $0x70, s9  }
0x7: {  	s29 =	simm.s32 $0x1BD80;
	s30 =	simm.s32 $0x1C280;
	s6 =	smul.u32 $0x30, s9  }
0x8: {  	s31 =	simm.s32 $0x1BE00;
	s10 =	simm.s32 $0x0;
	s8 =	smul.u32 $0x13C00, s9  }
0x9: {  	s1 =	sand.u32 $0x1, s1;
	[smem:$0x7FF] =	sst s4;
	s19 =	smul.u32 $0x4F000, s9  }
0xa: {  	s9 =	simm.s32 $0x1BF80;
	s7 =	smul.u32 $0x13C000, s1;
	p0 =	seq.s32 s1, $0x0  }
0xb: {  	_ =	strace $0x80000047;
	s1 =	ssub.s32 $0x2, s1;
	s6 =	sadd.s32 $0x700, s6  }
0xc: {  	[dreg:$0x4] =	wrdreg s26;
	s20 =	sshrl.u32 s1, $0x1;
	s6 =	smov.u32 @p0 s5  }
0xd: {  	s18 =	sadd.s32 s8, s7;
	s7 =	sshrl.u32 s19, $0x2;
	s1 =	ssub.s32 s1, s20  }
0xe: {  	s8 =	simm.s32 $0xE;
	s5 =	sshll.u32 s6, $0x4;
	s6 =	sshrl.u32 s18, $0x3  }
0xf: {  	s8 =	simm.s32 @!p0 $0x6;
	s21 =	smax.u32 s1, $0x1;
	s5 =	sadd.s32 s5, s0  }
0x10: {  	s0 =	sadd.s32 s6, s0;
	s6 =	sadd.s32 s7, s3;
	[dreg:$0x5] =	wrdreg s8  }
0x11: {  	s26 =	simm.s32 $0x1BD00;
	[dreg:$0x8] =	wrdreg s21;
	s7 =	sadd.s32 $0x10000, s6  }
0x12: {  	s19 =	simm.s32 $0x80;
	s0 =	sadd.s32 $0x17600, s0;
	[dreg:$0x6] =	wrdreg s7  }
0x13: {  	s20 =	simm.s32 $0x17C00;
	s22 =	sadd.s32 $0x4000, s6;
	[dreg:$0x7] =	wrdreg s0  }
0x14: {  	s18 =	simm.s32 $0x1BC00;
	s23 =	sadd.s32 $0x8000, s6;
	[dreg:$0x9] =	wrdreg s22  }
0x15: {  	s1 =	simm.s32 $0x1BE80;
	s24 =	sadd.s32 $0xC000, s6;
	[dreg:$0xa] =	wrdreg s23  }
0x16: {  	s21 =	simm.s32 $0x1;
	s25 =	sadd.s32 $0x3600, s5;
	[dreg:$0xb] =	wrdreg s24  }
0x17: {  	s8 =	simm.s32 $0x1BF00;
	s5 =	sadd.s32 $0xD600, s5;
	[dreg:$0xc] =	wrdreg s25  }
0x18: {  	s22 =	simm.s32 $0x1C100;
	s23 =	simm.s32 $0x2;
	s24 =	simm.s32 $0x1BC80  }
0x19: {  	v0 =	vimm.f32 $0.0e+00;
	s25 =	simm.s32 $0x1C180;
	s0 =	simm.s32 $0x1C300;
	s7 =	simm.s32 $0x1C380  }
.LBB2_1:
0x1a: {  	s11 =	simm.s32 $0x0;
	s13 =	simm.s32 $0x200  }
.LBB2_2:
0x1b: {  	p0 =	sne.s32 s13, $0xFE00;
	[tilespmem:s11+$0x13C70] =	vst v0  }
0x1c: {  	[tilespmem:s11+$0x13C00] =	vst v0  }
0x1d: {  	[tilespmem:s11+$0x13C10] =	vst v0  }
.Ltmp0:
0x1e: {  	[tilespmem:s11+$0x13C20] =	vst v0;
	(pc) =	sbr.rel @p0 .LBB2_2-.Ltmp0, $4  }
0x1f: {  	[tilespmem:s11+$0x13C30] =	vst v0  }
0x20: {  	[tilespmem:s11+$0x13C40] =	vst v0  }
0x21: {  	[tilespmem:s11+$0x13C50] =	vst v0  }
0x22: {  	[tilespmem:s11+$0x13C60] =	vst v0;
	s11 =	sshra.s32 s13, $0x2;
	s13 =	sadd.s32 $0x200, s13  }
0x23: {  	[tilespmem:s11+$0x13C70] =	vst v0  }
0x24: {  	[tilespmem:s11+$0x13C00] =	vst v0  }
0x25: {  	[tilespmem:s11+$0x13C10] =	vst v0  }
0x26: {  	[tilespmem:s11+$0x13C20] =	vst v0  }
0x27: {  	[tilespmem:s11+$0x13C30] =	vst v0  }
0x28: {  	[tilespmem:s11+$0x13C40] =	vst v0  }
0x29: {  	[tilespmem:s11+$0x13C50] =	vst v0  }
0x2a: {  	[tilespmem:s11+$0x13C60] =	vst v0  }
0x2b: {  	[spmem:s6] =	stream.linear.scatter [tilespmem:s15], [sflag:$0x3], $0x4000, $0x38;
	[tilespmem:$0x1C400] =	vst v63  }
0x2c: {  	_ =	swait.ge [sflag:s16], $0x4000  }
0x2d: {  	[sflag:s16] =	ssyncset.done $0x0  }
0x2e: {  	s14 =	rddreg [dreg:$0x9];
	[sflag:s16] =	ssyncadd.s32 $0xFFFFC000  }
0x2f: {  	[spmem:s14] =	stream.linear.scatter [tilespmem:s15], [sflag:$0x3], $0x4000, $0x38;
	[tilespmem:$0x1C400] =	vst v63  }
0x30: {  	_ =	swait.ge [sflag:s16], $0x4000  }
0x31: {  	[sflag:s16] =	ssyncset.done $0x0  }
0x32: {  	s12 =	rddreg [dreg:$0xa];
	[sflag:s16] =	ssyncadd.s32 $0xFFFFC000  }
0x33: {  	[spmem:s12] =	stream.linear.scatter [tilespmem:s15], [sflag:$0x3], $0x4000, $0x38;
	[tilespmem:$0x1C400] =	vst v63  }
0x34: {  	_ =	swait.ge [sflag:s16], $0x4000  }
0x35: {  	[sflag:s16] =	ssyncset.done $0x0  }
0x36: {  	s13 =	rddreg [dreg:$0xb];
	[sflag:s16] =	ssyncadd.s32 $0xFFFFC000  }
0x37: {  	[spmem:s13] =	stream.linear.scatter [tilespmem:s15], [sflag:$0x3], $0x4000, $0x38;
	[tilespmem:$0x1C400] =	vst v63  }
0x38: {  	_ =	swait.ge [sflag:s16], $0x4000  }
0x39: {  	[sflag:s16] =	ssyncset.done $0x0  }
0x3a: {  	s14 =	rddreg [dreg:$0x6];
	[sflag:s16] =	ssyncadd.s32 $0xFFFFC000  }
0x3b: {  	[spmem:s14] =	stream.linear.scatter [tilespmem:s15], [sflag:$0x3], $0x3C00, $0x38;
	[tilespmem:$0x1C400] =	vst v63  }
0x3c: {  	_ =	swait.ge [sflag:s16], $0x3C00  }
0x3d: {  	[sflag:s16] =	ssyncset.done $0x0  }
0x3e: {  	[sflag:s16] =	ssyncadd.s32 $0xFFFFC400  }
0x3f: {  	[bflag:$0x0] =	sbarrier.arrive $0xFFFF  }
0x40: {  	[tilespmem:s17], [sflag:$0x3] =	stream.linear.gather [hbm4b:s5+s4], $0x400, $0x38;
	[tilespmem:$0x1C400] =	vst v63  }
0x41: {  	_ =	swait.ge [sflag:s16], $0x400  }
0x42: {  	[sflag:s16] =	ssyncset.done $0x0  }
0x43: {  	s13 =	rddreg [dreg:$0xc];
	[sflag:s16] =	ssyncadd.s32 $0xFFFFFC00  }
0x44: {  	[tilespmem:s18], [sflag:$0x3] =	stream.linear.gather [hbm4b:s13+s4], $0x400, $0x38;
	[tilespmem:$0x1C400] =	vst v63  }
0x45: {  	_ =	swait.ge [sflag:s16], $0x400  }
0x46: {  	[sflag:s16] =	ssyncset.done $0x0  }
0x47: {  	[sflag:s16] =	ssyncadd.s32 $0xFFFFFC00  }
0x48: {  	[tilespmem:s15], [sflag:$0x1] =	stream.indirect.gather [hbm4b:s2+s19], $0x80, s17, s19, $0xb8;
	[tilespmem:$0x1C400] =	vst v63  }
0x49: {  	s12 =	rddreg [dreg:$0x4]  }
0x4a: {  	[tilespmem:s20], [sflag:$0x2] =	stream.indirect.gather [hbm4b:s2+s19], $0x80, s12, s19, $0xb8;
	[tilespmem:$0x1C400] =	vst v63  }
0x4b: {  	_ =	swait.ge [sflag:s21], $0x4000  }
0x4c: {  	[sflag:s21] =	ssyncset.done $0x0  }
0x4d: {  	[sflag:s21] =	ssyncadd.s32 $0xFFFFC000  }
0x4e: {  	[spmem:s3] =	stream.indirect.scatter.add.f32 [tilespmem:s15], [sflag:$0x3], $0x80, s18, s19, $0xb8;
	[tilespmem:$0x1C400] =	vst v63  }
0x4f: {  	_ =	swait.ge [sflag:s16], $0x4000  }
0x50: {  	[sflag:s16] =	ssyncset.done $0x0  }
0x51: {  	[sflag:s16] =	ssyncadd.s32 $0xFFFFC000  }
0x52: {  	[tilespmem:s15], [sflag:$0x1] =	stream.indirect.gather [hbm4b:s2+s19], $0x80, s22, s19, $0xb8;
	[tilespmem:$0x1C400] =	vst v63  }
0x53: {  	_ =	swait.ge [sflag:s23], $0x4000  }
0x54: {  	[sflag:s23] =	ssyncset.done $0x0  }
0x55: {  	[sflag:s23] =	ssyncadd.s32 $0xFFFFC000  }
0x56: {  	[spmem:s3] =	stream.indirect.scatter.add.f32 [tilespmem:s20], [sflag:$0x3], $0x80, s24, s19, $0xb8;
	[tilespmem:$0x1C400] =	vst v63  }
0x57: {  	_ =	swait.ge [sflag:s16], $0x4000  }
0x58: {  	[sflag:s16] =	ssyncset.done $0x0  }
0x59: {  	[sflag:s16] =	ssyncadd.s32 $0xFFFFC000  }
0x5a: {  	[tilespmem:s20], [sflag:$0x2] =	stream.indirect.gather [hbm4b:s2+s19], $0x80, s25, s19, $0xb8;
	[tilespmem:$0x1C400] =	vst v63  }
0x5b: {  	_ =	swait.ge [sflag:s21], $0x4000  }
0x5c: {  	[sflag:s21] =	ssyncset.done $0x0  }
0x5d: {  	[sflag:s21] =	ssyncadd.s32 $0xFFFFC000  }
0x5e: {  	[spmem:s3] =	stream.indirect.scatter.add.f32 [tilespmem:s15], [sflag:$0x3], $0x80, s26, s19, $0xb8;
	[tilespmem:$0x1C400] =	vst v63  }
0x5f: {  	_ =	swait.ge [sflag:s16], $0x4000  }
0x60: {  	[sflag:s16] =	ssyncset.done $0x0  }
0x61: {  	[sflag:s16] =	ssyncadd.s32 $0xFFFFC000  }
0x62: {  	[tilespmem:s15], [sflag:$0x1] =	stream.indirect.gather [hbm4b:s2+s19], $0x80, s28, s19, $0xb8;
	[tilespmem:$0x1C400] =	vst v63  }
0x63: {  	_ =	swait.ge [sflag:s23], $0x4000  }
0x64: {  	[sflag:s23] =	ssyncset.done $0x0  }
0x65: {  	[sflag:s23] =	ssyncadd.s32 $0xFFFFC000  }
0x66: {  	[spmem:s3] =	stream.indirect.scatter.add.f32 [tilespmem:s20], [sflag:$0x3], $0x80, s29, s19, $0xb8;
	[tilespmem:$0x1C400] =	vst v63  }
0x67: {  	_ =	swait.ge [sflag:s16], $0x4000  }
0x68: {  	[sflag:s16] =	ssyncset.done $0x0  }
0x69: {  	[sflag:s16] =	ssyncadd.s32 $0xFFFFC000  }
0x6a: {  	[tilespmem:s20], [sflag:$0x2] =	stream.indirect.gather [hbm4b:s2+s19], $0x80, s30, s19, $0xb8;
	[tilespmem:$0x1C400] =	vst v63  }
0x6b: {  	_ =	swait.ge [sflag:s21], $0x4000  }
0x6c: {  	[sflag:s21] =	ssyncset.done $0x0  }
0x6d: {  	[sflag:s21] =	ssyncadd.s32 $0xFFFFC000  }
0x6e: {  	[spmem:s3] =	stream.indirect.scatter.add.f32 [tilespmem:s15], [sflag:$0x3], $0x80, s31, s19, $0xb8;
	[tilespmem:$0x1C400] =	vst v63  }
0x6f: {  	_ =	swait.ge [sflag:s16], $0x4000  }
0x70: {  	[sflag:s16] =	ssyncset.done $0x0  }
0x71: {  	[sflag:s16] =	ssyncadd.s32 $0xFFFFC000  }
0x72: {  	[tilespmem:s15], [sflag:$0x1] =	stream.indirect.gather [hbm4b:s2+s19], $0x80, s0, s19, $0xb8;
	[tilespmem:$0x1C400] =	vst v63  }
0x73: {  	_ =	swait.ge [sflag:s23], $0x4000  }
0x74: {  	[sflag:s23] =	ssyncset.done $0x0  }
0x75: {  	[sflag:s23] =	ssyncadd.s32 $0xFFFFC000  }
0x76: {  	[spmem:s3] =	stream.indirect.scatter.add.f32 [tilespmem:s20], [sflag:$0x3], $0x80, s1, s19, $0xb8;
	[tilespmem:$0x1C400] =	vst v63  }
0x77: {  	_ =	swait.ge [sflag:s16], $0x4000  }
0x78: {  	[sflag:s16] =	ssyncset.done $0x0  }
0x79: {  	[sflag:s16] =	ssyncadd.s32 $0xFFFFC000  }
0x7a: {  	[tilespmem:s20], [sflag:$0x2] =	stream.indirect.gather [hbm4b:s2+s19], $0x80, s7, s19, $0xb8;
	[tilespmem:$0x1C400] =	vst v63  }
0x7b: {  	_ =	swait.ge [sflag:s21], $0x4000  }
0x7c: {  	[sflag:s21] =	ssyncset.done $0x0  }
0x7d: {  	[sflag:s21] =	ssyncadd.s32 $0xFFFFC000  }
0x7e: {  	[spmem:s3] =	stream.indirect.scatter.add.f32 [tilespmem:s15], [sflag:$0x3], $0x80, s8, s19, $0xb8;
	[tilespmem:$0x1C400] =	vst v63  }
0x7f: {  	_ =	swait.ge [sflag:s16], $0x4000  }
0x80: {  	[sflag:s16] =	ssyncset.done $0x0  }
0x81: {  	[sflag:s16] =	ssyncadd.s32 $0xFFFFC000  }
0x82: {  	_ =	swait.ge [sflag:s23], $0x4000  }
0x83: {  	s14 =	rddreg [dreg:$0x5]  }
0x84: {  	p0 =	sne.s32 s14, $0x1  }
.Ltmp1:
0x85: {  	[sflag:s23] =	ssyncset.done $0x0;
	(pc) =	sbr.rel @!p0 .LBB2_5-.Ltmp1, $4  }
0x86: {  	[sflag:s23] =	ssyncadd.s32 $0xFFFFC000  }
0x87: {  	[spmem:s3] =	stream.indirect.scatter.add.f32 [tilespmem:s20], [sflag:$0x3], $0x80, s9, s19, $0xb8;
	[tilespmem:$0x1C400] =	vst v63  }
0x88: {  	_ =	swait.ge [sflag:s16], $0x4000  }
0x89: {  	s11 =	sadd.s32 $0xFFFFFFFF, s14;
	s14 =	smov.u32 s5;
	[sflag:s16] =	ssyncset.done $0x0  }
.LBB2_4:
0x8a: {  	[sflag:s16] =	ssyncadd.s32 $0xFFFFC000;
	s14 =	sadd.s32 $0x80, s14  }
0x8b: {  	[tilespmem:s17], [sflag:$0x3] =	stream.linear.gather [hbm4b:s14+s4], $0x400, $0x38;
	[tilespmem:$0x1C400] =	vst v63  }
0x8c: {  	_ =	swait.ge [sflag:s16], $0x400  }
0x8d: {  	[sflag:s16] =	ssyncset.done $0x0  }
0x8e: {  	s13 =	sadd.s32 $0x80, s13;
	[sflag:s16] =	ssyncadd.s32 $0xFFFFFC00  }
0x8f: {  	[tilespmem:s18], [sflag:$0x3] =	stream.linear.gather [hbm4b:s13+s4], $0x400, $0x38;
	[tilespmem:$0x1C400] =	vst v63  }
0x90: {  	_ =	swait.ge [sflag:s16], $0x400  }
0x91: {  	[sflag:s16] =	ssyncset.done $0x0  }
0x92: {  	[sflag:s16] =	ssyncadd.s32 $0xFFFFFC00  }
0x93: {  	[tilespmem:s15], [sflag:$0x1] =	stream.indirect.gather [hbm4b:s2+s19], $0x80, s17, s19, $0xb8;
	[tilespmem:$0x1C400] =	vst v63  }
0x94: {  	s12 =	rddreg [dreg:$0x4]  }
0x95: {  	[tilespmem:s20], [sflag:$0x2] =	stream.indirect.gather [hbm4b:s2+s19], $0x80, s12, s19, $0xb8;
	[tilespmem:$0x1C400] =	vst v63  }
0x96: {  	_ =	swait.ge [sflag:s21], $0x4000  }
0x97: {  	[sflag:s21] =	ssyncset.done $0x0  }
0x98: {  	[sflag:s21] =	ssyncadd.s32 $0xFFFFC000  }
0x99: {  	[spmem:s3] =	stream.indirect.scatter.add.f32 [tilespmem:s15], [sflag:$0x3], $0x80, s18, s19, $0xb8;
	[tilespmem:$0x1C400] =	vst v63  }
0x9a: {  	_ =	swait.ge [sflag:s16], $0x4000  }
0x9b: {  	[sflag:s16] =	ssyncset.done $0x0  }
0x9c: {  	[sflag:s16] =	ssyncadd.s32 $0xFFFFC000  }
0x9d: {  	[tilespmem:s15], [sflag:$0x1] =	stream.indirect.gather [hbm4b:s2+s19], $0x80, s22, s19, $0xb8;
	[tilespmem:$0x1C400] =	vst v63  }
0x9e: {  	_ =	swait.ge [sflag:s23], $0x4000  }
0x9f: {  	[sflag:s23] =	ssyncset.done $0x0  }
0xa0: {  	[sflag:s23] =	ssyncadd.s32 $0xFFFFC000  }
0xa1: {  	[spmem:s3] =	stream.indirect.scatter.add.f32 [tilespmem:s20], [sflag:$0x3], $0x80, s24, s19, $0xb8;
	[tilespmem:$0x1C400] =	vst v63  }
0xa2: {  	_ =	swait.ge [sflag:s16], $0x4000  }
0xa3: {  	[sflag:s16] =	ssyncset.done $0x0  }
0xa4: {  	[sflag:s16] =	ssyncadd.s32 $0xFFFFC000  }
0xa5: {  	[tilespmem:s20], [sflag:$0x2] =	stream.indirect.gather [hbm4b:s2+s19], $0x80, s25, s19, $0xb8;
	[tilespmem:$0x1C400] =	vst v63  }
0xa6: {  	_ =	swait.ge [sflag:s21], $0x4000  }
0xa7: {  	[sflag:s21] =	ssyncset.done $0x0  }
0xa8: {  	[sflag:s21] =	ssyncadd.s32 $0xFFFFC000  }
0xa9: {  	[spmem:s3] =	stream.indirect.scatter.add.f32 [tilespmem:s15], [sflag:$0x3], $0x80, s26, s19, $0xb8;
	[tilespmem:$0x1C400] =	vst v63  }
0xaa: {  	_ =	swait.ge [sflag:s16], $0x4000  }
0xab: {  	[sflag:s16] =	ssyncset.done $0x0  }
0xac: {  	[sflag:s16] =	ssyncadd.s32 $0xFFFFC000  }
0xad: {  	[tilespmem:s15], [sflag:$0x1] =	stream.indirect.gather [hbm4b:s2+s19], $0x80, s28, s19, $0xb8;
	[tilespmem:$0x1C400] =	vst v63  }
0xae: {  	_ =	swait.ge [sflag:s23], $0x4000  }
0xaf: {  	[sflag:s23] =	ssyncset.done $0x0  }
0xb0: {  	[sflag:s23] =	ssyncadd.s32 $0xFFFFC000  }
0xb1: {  	[spmem:s3] =	stream.indirect.scatter.add.f32 [tilespmem:s20], [sflag:$0x3], $0x80, s29, s19, $0xb8;
	[tilespmem:$0x1C400] =	vst v63  }
0xb2: {  	_ =	swait.ge [sflag:s16], $0x4000  }
0xb3: {  	[sflag:s16] =	ssyncset.done $0x0  }
0xb4: {  	[sflag:s16] =	ssyncadd.s32 $0xFFFFC000  }
0xb5: {  	[tilespmem:s20], [sflag:$0x2] =	stream.indirect.gather [hbm4b:s2+s19], $0x80, s30, s19, $0xb8;
	[tilespmem:$0x1C400] =	vst v63  }
0xb6: {  	_ =	swait.ge [sflag:s21], $0x4000  }
0xb7: {  	[sflag:s21] =	ssyncset.done $0x0  }
0xb8: {  	[sflag:s21] =	ssyncadd.s32 $0xFFFFC000  }
0xb9: {  	[spmem:s3] =	stream.indirect.scatter.add.f32 [tilespmem:s15], [sflag:$0x3], $0x80, s31, s19, $0xb8;
	[tilespmem:$0x1C400] =	vst v63  }
0xba: {  	_ =	swait.ge [sflag:s16], $0x4000  }
0xbb: {  	[sflag:s16] =	ssyncset.done $0x0  }
0xbc: {  	[sflag:s16] =	ssyncadd.s32 $0xFFFFC000  }
0xbd: {  	[tilespmem:s15], [sflag:$0x1] =	stream.indirect.gather [hbm4b:s2+s19], $0x80, s0, s19, $0xb8;
	[tilespmem:$0x1C400] =	vst v63  }
0xbe: {  	_ =	swait.ge [sflag:s23], $0x4000  }
0xbf: {  	[sflag:s23] =	ssyncset.done $0x0  }
0xc0: {  	[sflag:s23] =	ssyncadd.s32 $0xFFFFC000  }
0xc1: {  	[spmem:s3] =	stream.indirect.scatter.add.f32 [tilespmem:s20], [sflag:$0x3], $0x80, s1, s19, $0xb8;
	[tilespmem:$0x1C400] =	vst v63  }
0xc2: {  	_ =	swait.ge [sflag:s16], $0x4000  }
0xc3: {  	[sflag:s16] =	ssyncset.done $0x0  }
0xc4: {  	[sflag:s16] =	ssyncadd.s32 $0xFFFFC000  }
0xc5: {  	[tilespmem:s20], [sflag:$0x2] =	stream.indirect.gather [hbm4b:s2+s19], $0x80, s7, s19, $0xb8;
	[tilespmem:$0x1C400] =	vst v63  }
0xc6: {  	_ =	swait.ge [sflag:s21], $0x4000  }
0xc7: {  	[sflag:s21] =	ssyncset.done $0x0  }
0xc8: {  	[sflag:s21] =	ssyncadd.s32 $0xFFFFC000  }
0xc9: {  	[spmem:s3] =	stream.indirect.scatter.add.f32 [tilespmem:s15], [sflag:$0x3], $0x80, s8, s19, $0xb8;
	[tilespmem:$0x1C400] =	vst v63  }
0xca: {  	_ =	swait.ge [sflag:s16], $0x4000  }
0xcb: {  	[sflag:s16] =	ssyncset.done $0x0  }
0xcc: {  	[sflag:s16] =	ssyncadd.s32 $0xFFFFC000  }
0xcd: {  	p0 =	sne.s32 s11, $0x1;
	_ =	swait.ge [sflag:s23], $0x4000  }
.Ltmp2:
0xce: {  	[sflag:s23] =	ssyncset.done $0x0;
	(pc) =	sbr.rel @p0 .LBB2_4-.Ltmp2, $4  }
0xcf: {  	[sflag:s23] =	ssyncadd.s32 $0xFFFFC000  }
0xd0: {  	[spmem:s3] =	stream.indirect.scatter.add.f32 [tilespmem:s20], [sflag:$0x3], $0x80, s9, s19, $0xb8;
	[tilespmem:$0x1C400] =	vst v63  }
0xd1: {  	_ =	swait.ge [sflag:s16], $0x4000  }
0xd2: {  	s11 =	sadd.s32 $0xFFFFFFFF, s11;
	[sflag:s16] =	ssyncset.done $0x0  }
.LBB2_5:
0xd3: {  	[sflag:s16] =	ssyncadd.s32 $0xFFFFC000;
	s11 =	stileid.u32  }
0xd4: {  	s11 =	sshll.u32 s11, $0x6;
	[bflag:$0x0] =	sbarrier.arrive $0xFFFF  }
0xd5: {  	s12 =	sshrl.u32 s6, $0x3;
	s11 =	sor.u32 $0x1C03, s11;
	s13 =	rddreg [dreg:$0x7]  }
0xd6: {  	[hbm:s13], [sflag:s11] =	dma.local [spmem:s12], $0x2780  }
0xd7: {  	_ =	swait.ge [sflag:s16], $0x2780  }
0xd8: {  	s10 =	sadd.s32 $0x1, s10;
	s14 =	rddreg [dreg:$0x8]  }
0xd9: {  	p0 =	sne.s32 s10, s14  }
.Ltmp3:
0xda: {  	_ = 	snop;
	(pc) =	sbr.rel @p0 .LBB2_1-.Ltmp3, $3  }
0xdb: {  	_ =	sdelay $0x1  }
0xdc: {  	[sflag:s16] =	ssyncset.done $0x0  }
0xdd: {  	[sflag:s16] =	ssyncadd.s32 $0xFFFFD880  }
0xde: {  	_ =	sfence.sel $0x180000  }
0xdf: {  	[bflag:$0x0] =	sbarrier.arrive $0xFFFF  }
0xe0: {  	_ =	strace $0x90000047  }
0xe1: {  	s0 =	stileid.u32;
	[bflag:$0x2] =	sbarrier.arrive $0xFFFF  }
0xe2: {  	p0 =	sne.s32 s0, $0x0;
	s0 =	rddreg [dreg:$0x3]  }
0xe3: {  	s0 =	sadd.s32 @!p0 $0x100000, s0  }
0xe4: {  	[sflag:s0] =	ssyncadd.tile.s32 @!p0 $0x1;
	_ =	shalt  }
.Lfunc_end2:
_tile_overlayer_lowered:
.L_overlay_start_2:
0xe5: {  	(tag) =	ssettag $0x2  }
0xe6: {  	s0 =	rddreg [dreg:$0x0];
	s2 =	stileid.u32  }
0xe7: {  	s1 =	rddreg [dreg:$0x1];
	p0 =	sne.s32 s2, $0x0  }
0xe8: {  	s3 =	rddreg [dreg:$0x2];
	[bflag:$0x3] =	sbarrier.arrive $0xFFFF;
	s2 =	simm.s32 @!p0 $0x1C03  }
0xe9: {  	[timem:s3], [sflag:s2] =	dma.local @!p0 [hbm:s0], s1  }
0xea: {  	s0 =	simm.s32 @!p0 $0x3  }
0xeb: {  	_ =	swait.ge @!p0 [sflag:s0], s1  }
0xec: {  	s1 =	ssub.s32 @!p0 $0x0, s1;
	[sflag:s0] =	ssyncset.done @!p0 $0x0  }
0xed: {  	[sflag:s0] =	ssyncadd.s32 @!p0 s1  }
0xee: {  	[bflag:$0x3] =	sbarrier.arrive $0xFFFF  }
0xef: {  	_ =	shalt  }

// kernel: kernel.14.cloned.1.call-start
scs
__scs_entry_jumppad:
0x0: {  	(pc) =	sbr.rel $0x88, $3  }
0x1: {  	(tag) =	ssettag $0x0;
	lr =	simm.s32 $0x1  }
0x2: {  	[smem:$0x3F99] =	sst lr;
	_ =	strace $0xD0000000  }
0x3: {  	_ = 	snop  }
0x4: {  	_ = 	snop  }
0x5: {  	_ = 	snop  }
0x6: {  	_ = 	snop  }
0x7: {  	_ = 	snop  }
__scs_overlays_trampoline_lowered:
0x8: {  	[smem:$0x3FA8] =	sst s0  }
0x9: {  	[smem:$0x3FA9] =	sst s1  }
0xa: {  	[smem:$0x3FAA] =	sst s2  }
0xb: {  	[smem:$0x3FAB] =	sst s3  }
0xc: {  	[smem:$0x3FAC] =	sst s4  }
0xd: {  	[smem:$0x3FAD] =	sst s5  }
0xe: {  	[smem:$0x3FAE] =	sst s6  }
0xf: {  	[smem:$0x3FAF] =	sst s7  }
0x10: {  	[smem:$0x3FB0] =	sst s8  }
0x11: {  	[smem:$0x3FB1] =	sst s9;
	s0 =	simm.s32 @!p0 $0x0  }
0x12: {  	s1 =	sld [smem:$0x3F97];
	s0 =	simm.s32 @p0 $0x1  }
0x13: {  	[smem:$0x3FB2] =	sst s0;
	s0 =	simm.s32 @!p1 $0x0  }
0x14: {  	s2 =	sld [smem:$0x3F96];
	s0 =	simm.s32 @p1 $0x1  }
0x15: {  	[smem:$0x3FB3] =	sst s0;
	s0 =	simm.s32 @!p2 $0x0  }
0x16: {  	s3 =	sld [smem:$0x3FDB];
	s0 =	simm.s32 @p2 $0x1  }
0x17: {  	s4 =	simm.s32 $0x1BF5;
	[smem:$0x3FB5] =	sst s0  }
0x18: {  	s0 =	sld [smem:$0x3F98];
	_ =	swait.ge [sflag:s4], $0x0  }
0x19: {  	s7 =	sld [smem:$0x3F99]  }
0x1a: {  	s8 =	sadd.s32 $0xFFFFE003, lr  }
0x1b: {  	s9 =	sadd.s32 $0xFFFFFEF7, lr;
	s5 =	simm.s32 $0xFFFFFFFF;
	p2 =	slt.u32 s8, $0xFFFFF086  }
0x1c: {  	p1 =	slt.u32 s9, $0xF7A;
	s5 =	simm.s32 @!p2 $0x0  }
0x1d: {  	s5 =	simm.s32 @p1 $0x1;
	p0 =	seq.s32 s7, s2  }
0x1e: {  	s7 =	smul.u32 @!p0 $0xF7A, s2;
	p2 =	seq.s32 @!p0 s5, $0x0  }
0x1f: {  	s9 =	smul.u32 $0xF7A, s1;
	s8 =	simm.s32 @!p0 $0x1BF5;
	p2 =	por !p2, p0  }
0x20: {  	[sflag:s8] =	ssyncset.s32 @!p0 $0xFFFFF086;
	s6 =	sadd.s32 @!p0 s3, s7;
	s7 =	simm.s32 @!p0 $0x108  }
0x21: {  	s3 =	sadd.s32 s3, s9;
	s6 =	sadd.s32 @!p0 $0x88, s6;
	s7 =	simm.s32 @p2 $0x1082  }
0x22: {  	[simem:s7], [sflag:s8] =	dma.local @!p0 [hbm:s6], $0xF7A  }
0x23: {  	s9 =	sor.u32 $0xD0000000, s2;
	s6 =	simm.s32 $0x108;
	_ =	swait.ge @!p0 [sflag:s8], $0x0  }
0x24: {  	s3 =	sadd.s32 $0x88, s3;
	s6 =	simm.s32 @!p1 $0x1082;
	[sflag:s4] =	ssyncset.s32 $0xFFFFF086  }
0x25: {  	[simem:s6], [sflag:s4] =	dma.local [hbm:s3], $0xF7A  }
0x26: {  	[smem:$0x3F99] =	sst s1;
	(tag) =	ssettag s2;
	_ =	strace s9  }
0x27: {  	s1 =	sld [smem:$0x3FA9]  }
0x28: {  	s2 =	sld [smem:$0x3FAA]  }
0x29: {  	s4 =	sld [smem:$0x3FAC]  }
0x2a: {  	p0 =	seq.s32 s5, $0x0;
	s5 =	sld [smem:$0x3FAD]  }
0x2b: {  	s6 =	sld [smem:$0x3FAE]  }
0x2c: {  	s7 =	sld [smem:$0x3FAF]  }
0x2d: {  	s3 =	simm.s32 $0x108;
	s8 =	sld [smem:$0x3FB0]  }
0x2e: {  	s3 =	simm.s32 @!p0 $0x1082;
	s9 =	sld [smem:$0x3FB1]  }
0x2f: {  	lr =	sadd.s32 s0, s3;
	s0 =	sld [smem:$0x3FA8]  }
0x30: {  	s3 =	sld [smem:$0x3FAB]  }
0x31: {  	[smem:$0x3FB4] =	sst s10  }
0x32: {  	s10 =	sld [smem:$0x3FB2];
	_ =	sdelay $0x3  }
0x33: {  	p0 =	seq.s32 s10, $0x1;
	s10 =	sld [smem:$0x3FB4];
	_ =	sdelay $0x3  }
0x34: {  	[smem:$0x3FB4] =	sst s10  }
0x35: {  	s10 =	sld [smem:$0x3FB3];
	_ =	sdelay $0x3  }
0x36: {  	p1 =	seq.s32 s10, $0x1;
	s10 =	sld [smem:$0x3FB4];
	_ =	sdelay $0x3  }
0x37: {  	[smem:$0x3FB4] =	sst s10  }
0x38: {  	s10 =	sld [smem:$0x3FB5]  }
0x39: {  	_ = 	snop;
	(pc) =	sbr.ind lr, $3  }
0x3a: {  	_ = 	snop  }
0x3b: {  	_ = 	snop  }
0x3c: {  	p2 =	seq.s32 s10, $0x1;
	s10 =	sld [smem:$0x3FB4]  }
0x3d: {  	_ =	shalt  }
0x3e: {  	_ =	shalt  }
0x3f: {  	_ =	shalt  }
0x40: {  	_ =	shalt  }
0x41: {  	_ =	shalt  }
0x42: {  	_ =	shalt  }
0x43: {  	_ =	shalt  }
0x44: {  	_ =	shalt  }
0x45: {  	_ =	shalt  }
0x46: {  	_ =	shalt  }
0x47: {  	_ =	shalt  }
0x48: {  	_ =	shalt  }
0x49: {  	_ =	shalt  }
0x4a: {  	_ =	shalt  }
0x4b: {  	_ =	shalt  }
0x4c: {  	_ =	shalt  }
0x4d: {  	_ =	shalt  }
0x4e: {  	_ =	shalt  }
0x4f: {  	_ =	shalt  }
0x50: {  	_ =	shalt  }
0x51: {  	_ =	shalt  }
0x52: {  	_ =	shalt  }
0x53: {  	_ =	shalt  }
0x54: {  	_ =	shalt  }
0x55: {  	_ =	shalt  }
0x56: {  	_ =	shalt  }
0x57: {  	_ =	shalt  }
0x58: {  	_ =	shalt  }
0x59: {  	_ =	shalt  }
0x5a: {  	_ =	shalt  }
0x5b: {  	_ =	shalt  }
0x5c: {  	_ =	shalt  }
0x5d: {  	_ =	shalt  }
0x5e: {  	_ =	shalt  }
0x5f: {  	_ =	shalt  }
0x60: {  	_ =	shalt  }
0x61: {  	_ =	shalt  }
0x62: {  	_ =	shalt  }
0x63: {  	_ =	shalt  }
0x64: {  	_ =	shalt  }
0x65: {  	_ =	shalt  }
0x66: {  	_ =	shalt  }
0x67: {  	_ =	shalt  }
0x68: {  	_ =	shalt  }
0x69: {  	_ =	shalt  }
0x6a: {  	_ =	shalt  }
0x6b: {  	_ =	shalt  }
0x6c: {  	_ =	shalt  }
0x6d: {  	_ =	shalt  }
0x6e: {  	_ =	shalt  }
0x6f: {  	_ =	shalt  }
0x70: {  	_ =	shalt  }
0x71: {  	_ =	shalt  }
0x72: {  	_ =	shalt  }
0x73: {  	_ =	shalt  }
0x74: {  	_ =	shalt  }
0x75: {  	_ =	shalt  }
0x76: {  	_ =	shalt  }
0x77: {  	_ =	shalt  }
0x78: {  	_ =	shalt  }
0x79: {  	_ =	shalt  }
0x7a: {  	_ =	shalt  }
0x7b: {  	_ =	shalt  }
0x7c: {  	_ =	shalt  }
0x7d: {  	_ =	shalt  }
0x7e: {  	_ =	shalt  }
0x7f: {  	_ =	shalt  }
0x80: {  	_ =	shalt  }
0x81: {  	_ =	shalt  }
0x82: {  	_ =	shalt  }
0x83: {  	_ =	shalt  }
0x84: {  	_ =	shalt  }
0x85: {  	_ =	shalt  }
0x86: {  	_ =	shalt  }
0x87: {  	_ =	shalt  }
.Lfunc_end0:
.L_simem_size_0:
called_computation.2_lowered:
.L_overlay_start_0:
0x88: {  	s2 =	sld [smem:$0x3FD9]  }
0x89: {  	s3 =	sld [smem:$0x3FFE];
	_ =	sdelay $0x1  }
0x8a: {  	s1 =	srdreg.scid  }
0x8b: {  	s0 =	sand.u32 $0x1, s1  }
0x8c: {  	s17 =	sshll.u32 s0, $0xA;
	s2 =	sadd.s32 s3, s2  }
0x8d: {  	s2 =	sadd.s32 s2, s17  }
0x8e: {  	[smem:$0x3FC0] =	sst s2  }
0x8f: {  	_ = 	snop  }
0x90: {  	s2 =	sld [smem:$0x3FD0];
	(tm) =	ssettm $0x1  }
0x91: {  	s18 =	sld [smem:$0x3FFB];
	_ =	sdelay $0x3  }
0x92: {  	_ =	strace s18  }
0x93: {  	s3 =	sld [smem:$0x3FFC];
	_ =	sdelay $0x3  }
0x94: {  	_ =	strace s3  }
0x95: {  	s3 =	sld [smem:$0x3FFD];
	_ =	sdelay $0x3  }
0x96: {  	_ =	strace s3  }
0x97: {  	_ =	strace $0x8FFFFFFF  }
0x98: {  	s19 =	sld [smem:$0x3FDB];
	_ =	sdelay $0x1  }
0x99: {  	s4 =	simm.s32 $_scs_section_size  }
0x9a: {  	s5 =	simm.s32 $_size__tile_overlayer_lowered;
	s6 =	simm.s32 $_tile_overlayer_lowered  }
0x9b: {  	s22 =	simm.s32 $0x1BFF;
	s21 =	sshll.u32 s6, $0x1;
	s3 =	sadd.s32 s4, s19  }
0x9c: {  	s7 =	simm.s32 $0x0;
	s20 =	sshll.u32 s5, $0x1;
	s5 =	sadd.s32 s21, s3  }
0x9d: {  	[timem:s7], [sflag:s22] =	dma.local [hbm:s5], s20  }
0x9e: {  	_ =	swait.ge [sflag:s22], s20  }
0x9f: {  	s4 =	ssub.s32 $0x0, s20;
	[sflag:s22] =	ssyncset.done $0x0  }
0xa0: {  	[sflag:s22] =	ssyncadd.s32 s4;
	_ =	sdelay $0x1  }
0xa1: {  	s23 =	simm.s32 $0x1B8B  }
0xa2: {  	_ =	swait.ge [sflag:s23], $0x1  }
0xa3: {  	[sflag:s23] =	ssyncset.done $0x0  }
0xa4: {  	s25 =	simm.s32 $0x1B8E;
	s24 =	sld [smem:$0x3FFE];
	[sflag:s23] =	ssyncadd.s32 $0xFFFFFFFF  }
0xa5: {  	s26 =	simm.s32 $execute0_lowered;
	[smem:$0x3FD2] =	sst s25  }
0xa6: {  	s5 =	sshll.u32 s26, $0x1;
	_ =	strace $0x8000004C;
	[dreg:$0x1] =	wrdreg $0xFFFFFFFF  }
0xa7: {  	s28 =	simm.s32 $_size_execute0_lowered;
	s3 =	sadd.s32 s3, s5;
	[dreg:$0x0] =	wrdreg $0x0  }
0xa8: {  	s5 =	sshll.u32 s28, $0x1;
	[dreg:$0x2] =	wrdreg s3  }
0xa9: {  	[dreg:$0x3] =	wrdreg s5  }
0xaa: {  	[dreg:$0x4] =	wrdreg $0xC0  }
0xab: {  	_ =	task [dreg:s7], $0x5FFFF  }
0xac: {  	[dreg:$0x1] =	wrdreg $0xFFFFFFFF  }
0xad: {  	[dreg:$0x0] =	wrdreg $0x60  }
0xae: {  	[dreg:$0x2] =	wrdreg s2  }
0xaf: {  	[dreg:$0x3] =	wrdreg s24  }
0xb0: {  	[dreg:$0x4] =	wrdreg $0x0  }
0xb1: {  	[dreg:$0x5] =	wrdreg $0x9  }
0xb2: {  	_ =	task.clear_ibuf [dreg:s7], $0x6FFFF;
	_ =	strace $0x9000004C  }
0xb3: {  	s29 =	simm.s32 $0x9;
	_ =	strace $0x8000004E  }
0xb4: {  	_ =	swait.ge [sflag:s29], $0x1  }
0xb5: {  	[sflag:s29] =	ssyncadd.s32 $0xFFFFFFFF  }
0xb6: {  	_ =	strace $0x9000004E  }
0xb7: {  	_ =	sfence  }
0xb8: {  	s30 =	sld [smem:$0x0];
	_ =	sdelay $0x2  }
0xb9: {  	s31 =	sshll.u32 s1, $0xD;
	s1 =	sshrl.u32 s1, $0x2  }
0xba: {  	s3 =	sand.u32 $0x4000, s31;
	s1 =	sadd.s32 s1, s30  }
0xbb: {  	s0 =	sor.u32 s3, s0;
	s1 =	sshll.u32 s1, $0x11  }
0xbc: {  	s0 =	sor.u32 s1, s0  }
0xbd: {  	s0 =	sadd.s32 $0x8F2B, s0  }
0xbe: {  	[sflag:s0] =	ssyncadd.remote.s32 $0x1  }
0xbf: {  	_ =	sfence.sel $0xFFFF  }
0xc0: {  	[dreg:$0x0] =	wrdreg $0xFFFFFFFF;
	(pc) =	sbr.abs _section_cstart, $3  }
0xc1: {  	[dreg:$0x1] =	wrdreg $0xFFFFFFFF  }
0xc2: {  	_ =	task.clear_ibuf [dreg:s7], $0x2FFFF;
	_ =	strace $0x9FFFFFFF  }
0xc3: {  	(tm) =	ssettm $0x7FFFFFFF  }
tec
execute0_lowered:
.L_overlay_start_1:
0x0: {  	(tag) =	ssettag $0x1  }
0x1: {  	s2 =	rddreg [dreg:$0x0]  }
0x2: {  	s0 =	rddreg [dreg:$0x1]  }
0x3: {  	s3 =	rddreg [dreg:$0x2]  }
0x4: {  	s9 =	stileid.u32;
	s1 =	srdreg.scid;
	s4 =	simm.s32 $0x0  }
0x5: {  	s15 =	simm.s32 $0x13C00;
	s16 =	simm.s32 $0x3;
	s17 =	simm.s32 $0x1C000  }
0x6: {  	s26 =	simm.s32 $0x1C080;
	s28 =	simm.s32 $0x1C200;
	s5 =	smul.u32 $0x70, s9  }
0x7: {  	s29 =	simm.s32 $0x1BD80;
	s30 =	simm.s32 $0x1C280;
	s6 =	smul.u32 $0x30, s9  }
0x8: {  	s31 =	simm.s32 $0x1BE00;
	s10 =	simm.s32 $0x0;
	s8 =	smul.u32 $0x13C00, s9  }
0x9: {  	s1 =	sand.u32 $0x1, s1;
	[smem:$0x7FF] =	sst s4;
	s19 =	smul.u32 $0x4F000, s9  }
0xa: {  	s9 =	simm.s32 $0x1BF80;
	s7 =	smul.u32 $0x13C000, s1;
	p0 =	seq.s32 s1, $0x0  }
0xb: {  	_ =	strace $0x8000004D;
	s1 =	ssub.s32 $0x2, s1;
	s6 =	sadd.s32 $0x700, s6  }
0xc: {  	[dreg:$0x4] =	wrdreg s26;
	s20 =	sshrl.u32 s1, $0x1;
	s6 =	smov.u32 @p0 s5  }
0xd: {  	s18 =	sadd.s32 s8, s7;
	s7 =	sshrl.u32 s19, $0x2;
	s1 =	ssub.s32 s1, s20  }
0xe: {  	s8 =	simm.s32 $0xE;
	s5 =	sshll.u32 s6, $0x4;
	s6 =	sshrl.u32 s18, $0x3  }
0xf: {  	s8 =	simm.s32 @!p0 $0x6;
	s21 =	smax.u32 s1, $0x1;
	s5 =	sadd.s32 s5, s0  }
0x10: {  	s0 =	sadd.s32 s6, s0;
	s6 =	sadd.s32 s7, s3;
	[dreg:$0x5] =	wrdreg s8  }
0x11: {  	s26 =	simm.s32 $0x1BD00;
	[dreg:$0x8] =	wrdreg s21;
	s7 =	sadd.s32 $0x10000, s6  }
0x12: {  	s19 =	simm.s32 $0x80;
	s0 =	sadd.s32 $0x8CC00, s0;
	[dreg:$0x6] =	wrdreg s7  }
0x13: {  	s20 =	simm.s32 $0x17C00;
	s22 =	sadd.s32 $0x4000, s6;
	[dreg:$0x7] =	wrdreg s0  }
0x14: {  	s18 =	simm.s32 $0x1BC00;
	s23 =	sadd.s32 $0x8000, s6;
	[dreg:$0x9] =	wrdreg s22  }
0x15: {  	s1 =	simm.s32 $0x1BE80;
	s24 =	sadd.s32 $0xC000, s6;
	[dreg:$0xa] =	wrdreg s23  }
0x16: {  	s21 =	simm.s32 $0x1;
	s25 =	sadd.s32 $0x3600, s5;
	[dreg:$0xb] =	wrdreg s24  }
0x17: {  	s8 =	simm.s32 $0x1BF00;
	s5 =	sadd.s32 $0xD600, s5;
	[dreg:$0xc] =	wrdreg s25  }
0x18: {  	s22 =	simm.s32 $0x1C100;
	s23 =	simm.s32 $0x2;
	s24 =	simm.s32 $0x1BC80  }
0x19: {  	v0 =	vimm.f32 $0.0e+00;
	s25 =	simm.s32 $0x1C180;
	s0 =	simm.s32 $0x1C300;
	s7 =	simm.s32 $0x1C380  }
.LBB2_1:
0x1a: {  	s11 =	simm.s32 $0x0;
	s13 =	simm.s32 $0x200  }
.LBB2_2:
0x1b: {  	p0 =	sne.s32 s13, $0xFE00;
	[tilespmem:s11+$0x13C70] =	vst v0  }
0x1c: {  	[tilespmem:s11+$0x13C00] =	vst v0  }
0x1d: {  	[tilespmem:s11+$0x13C10] =	vst v0  }
.Ltmp0:
0x1e: {  	[tilespmem:s11+$0x13C20] =	vst v0;
	(pc) =	sbr.rel @p0 .LBB2_2-.Ltmp0, $4  }
0x1f: {  	[tilespmem:s11+$0x13C30] =	vst v0  }
0x20: {  	[tilespmem:s11+$0x13C40] =	vst v0  }
0x21: {  	[tilespmem:s11+$0x13C50] =	vst v0  }
0x22: {  	[tilespmem:s11+$0x13C60] =	vst v0;
	s11 =	sshra.s32 s13, $0x2;
	s13 =	sadd.s32 $0x200, s13  }
0x23: {  	[tilespmem:s11+$0x13C70] =	vst v0  }
0x24: {  	[tilespmem:s11+$0x13C00] =	vst v0  }
0x25: {  	[tilespmem:s11+$0x13C10] =	vst v0  }
0x26: {  	[tilespmem:s11+$0x13C20] =	vst v0  }
0x27: {  	[tilespmem:s11+$0x13C30] =	vst v0  }
0x28: {  	[tilespmem:s11+$0x13C40] =	vst v0  }
0x29: {  	[tilespmem:s11+$0x13C50] =	vst v0  }
0x2a: {  	[tilespmem:s11+$0x13C60] =	vst v0  }
0x2b: {  	[spmem:s6] =	stream.linear.scatter [tilespmem:s15], [sflag:$0x3], $0x4000, $0x38;
	[tilespmem:$0x1C400] =	vst v63  }
0x2c: {  	_ =	swait.ge [sflag:s16], $0x4000  }
0x2d: {  	[sflag:s16] =	ssyncset.done $0x0  }
0x2e: {  	s14 =	rddreg [dreg:$0x9];
	[sflag:s16] =	ssyncadd.s32 $0xFFFFC000  }
0x2f: {  	[spmem:s14] =	stream.linear.scatter [tilespmem:s15], [sflag:$0x3], $0x4000, $0x38;
	[tilespmem:$0x1C400] =	vst v63  }
0x30: {  	_ =	swait.ge [sflag:s16], $0x4000  }
0x31: {  	[sflag:s16] =	ssyncset.done $0x0  }
0x32: {  	s12 =	rddreg [dreg:$0xa];
	[sflag:s16] =	ssyncadd.s32 $0xFFFFC000  }
0x33: {  	[spmem:s12] =	stream.linear.scatter [tilespmem:s15], [sflag:$0x3], $0x4000, $0x38;
	[tilespmem:$0x1C400] =	vst v63  }
0x34: {  	_ =	swait.ge [sflag:s16], $0x4000  }
0x35: {  	[sflag:s16] =	ssyncset.done $0x0  }
0x36: {  	s13 =	rddreg [dreg:$0xb];
	[sflag:s16] =	ssyncadd.s32 $0xFFFFC000  }
0x37: {  	[spmem:s13] =	stream.linear.scatter [tilespmem:s15], [sflag:$0x3], $0x4000, $0x38;
	[tilespmem:$0x1C400] =	vst v63  }
0x38: {  	_ =	swait.ge [sflag:s16], $0x4000  }
0x39: {  	[sflag:s16] =	ssyncset.done $0x0  }
0x3a: {  	s14 =	rddreg [dreg:$0x6];
	[sflag:s16] =	ssyncadd.s32 $0xFFFFC000  }
0x3b: {  	[spmem:s14] =	stream.linear.scatter [tilespmem:s15], [sflag:$0x3], $0x3C00, $0x38;
	[tilespmem:$0x1C400] =	vst v63  }
0x3c: {  	_ =	swait.ge [sflag:s16], $0x3C00  }
0x3d: {  	[sflag:s16] =	ssyncset.done $0x0  }
0x3e: {  	[sflag:s16] =	ssyncadd.s32 $0xFFFFC400  }
0x3f: {  	[bflag:$0x0] =	sbarrier.arrive $0xFFFF  }
0x40: {  	[tilespmem:s17], [sflag:$0x3] =	stream.linear.gather [hbm4b:s5+s4], $0x400, $0x38;
	[tilespmem:$0x1C400] =	vst v63  }
0x41: {  	_ =	swait.ge [sflag:s16], $0x400  }
0x42: {  	[sflag:s16] =	ssyncset.done $0x0  }
0x43: {  	s13 =	rddreg [dreg:$0xc];
	[sflag:s16] =	ssyncadd.s32 $0xFFFFFC00  }
0x44: {  	[tilespmem:s18], [sflag:$0x3] =	stream.linear.gather [hbm4b:s13+s4], $0x400, $0x38;
	[tilespmem:$0x1C400] =	vst v63  }
0x45: {  	_ =	swait.ge [sflag:s16], $0x400  }
0x46: {  	[sflag:s16] =	ssyncset.done $0x0  }
0x47: {  	[sflag:s16] =	ssyncadd.s32 $0xFFFFFC00  }
0x48: {  	[tilespmem:s15], [sflag:$0x1] =	stream.indirect.gather [hbm4b:s2+s19], $0x80, s17, s19, $0xb8;
	[tilespmem:$0x1C400] =	vst v63  }
0x49: {  	s12 =	rddreg [dreg:$0x4]  }
0x4a: {  	[tilespmem:s20], [sflag:$0x2] =	stream.indirect.gather [hbm4b:s2+s19], $0x80, s12, s19, $0xb8;
	[tilespmem:$0x1C400] =	vst v63  }
0x4b: {  	_ =	swait.ge [sflag:s21], $0x4000  }
0x4c: {  	[sflag:s21] =	ssyncset.done $0x0  }
0x4d: {  	[sflag:s21] =	ssyncadd.s32 $0xFFFFC000  }
0x4e: {  	[spmem:s3] =	stream.indirect.scatter.add.f32 [tilespmem:s15], [sflag:$0x3], $0x80, s18, s19, $0xb8;
	[tilespmem:$0x1C400] =	vst v63  }
0x4f: {  	_ =	swait.ge [sflag:s16], $0x4000  }
0x50: {  	[sflag:s16] =	ssyncset.done $0x0  }
0x51: {  	[sflag:s16] =	ssyncadd.s32 $0xFFFFC000  }
0x52: {  	[tilespmem:s15], [sflag:$0x1] =	stream.indirect.gather [hbm4b:s2+s19], $0x80, s22, s19, $0xb8;
	[tilespmem:$0x1C400] =	vst v63  }
0x53: {  	_ =	swait.ge [sflag:s23], $0x4000  }
0x54: {  	[sflag:s23] =	ssyncset.done $0x0  }
0x55: {  	[sflag:s23] =	ssyncadd.s32 $0xFFFFC000  }
0x56: {  	[spmem:s3] =	stream.indirect.scatter.add.f32 [tilespmem:s20], [sflag:$0x3], $0x80, s24, s19, $0xb8;
	[tilespmem:$0x1C400] =	vst v63  }
0x57: {  	_ =	swait.ge [sflag:s16], $0x4000  }
0x58: {  	[sflag:s16] =	ssyncset.done $0x0  }
0x59: {  	[sflag:s16] =	ssyncadd.s32 $0xFFFFC000  }
0x5a: {  	[tilespmem:s20], [sflag:$0x2] =	stream.indirect.gather [hbm4b:s2+s19], $0x80, s25, s19, $0xb8;
	[tilespmem:$0x1C400] =	vst v63  }
0x5b: {  	_ =	swait.ge [sflag:s21], $0x4000  }
0x5c: {  	[sflag:s21] =	ssyncset.done $0x0  }
0x5d: {  	[sflag:s21] =	ssyncadd.s32 $0xFFFFC000  }
0x5e: {  	[spmem:s3] =	stream.indirect.scatter.add.f32 [tilespmem:s15], [sflag:$0x3], $0x80, s26, s19, $0xb8;
	[tilespmem:$0x1C400] =	vst v63  }
0x5f: {  	_ =	swait.ge [sflag:s16], $0x4000  }
0x60: {  	[sflag:s16] =	ssyncset.done $0x0  }
0x61: {  	[sflag:s16] =	ssyncadd.s32 $0xFFFFC000  }
0x62: {  	[tilespmem:s15], [sflag:$0x1] =	stream.indirect.gather [hbm4b:s2+s19], $0x80, s28, s19, $0xb8;
	[tilespmem:$0x1C400] =	vst v63  }
0x63: {  	_ =	swait.ge [sflag:s23], $0x4000  }
0x64: {  	[sflag:s23] =	ssyncset.done $0x0  }
0x65: {  	[sflag:s23] =	ssyncadd.s32 $0xFFFFC000  }
0x66: {  	[spmem:s3] =	stream.indirect.scatter.add.f32 [tilespmem:s20], [sflag:$0x3], $0x80, s29, s19, $0xb8;
	[tilespmem:$0x1C400] =	vst v63  }
0x67: {  	_ =	swait.ge [sflag:s16], $0x4000  }
0x68: {  	[sflag:s16] =	ssyncset.done $0x0  }
0x69: {  	[sflag:s16] =	ssyncadd.s32 $0xFFFFC000  }
0x6a: {  	[tilespmem:s20], [sflag:$0x2] =	stream.indirect.gather [hbm4b:s2+s19], $0x80, s30, s19, $0xb8;
	[tilespmem:$0x1C400] =	vst v63  }
0x6b: {  	_ =	swait.ge [sflag:s21], $0x4000  }
0x6c: {  	[sflag:s21] =	ssyncset.done $0x0  }
0x6d: {  	[sflag:s21] =	ssyncadd.s32 $0xFFFFC000  }
0x6e: {  	[spmem:s3] =	stream.indirect.scatter.add.f32 [tilespmem:s15], [sflag:$0x3], $0x80, s31, s19, $0xb8;
	[tilespmem:$0x1C400] =	vst v63  }
0x6f: {  	_ =	swait.ge [sflag:s16], $0x4000  }
0x70: {  	[sflag:s16] =	ssyncset.done $0x0  }
0x71: {  	[sflag:s16] =	ssyncadd.s32 $0xFFFFC000  }
0x72: {  	[tilespmem:s15], [sflag:$0x1] =	stream.indirect.gather [hbm4b:s2+s19], $0x80, s0, s19, $0xb8;
	[tilespmem:$0x1C400] =	vst v63  }
0x73: {  	_ =	swait.ge [sflag:s23], $0x4000  }
0x74: {  	[sflag:s23] =	ssyncset.done $0x0  }
0x75: {  	[sflag:s23] =	ssyncadd.s32 $0xFFFFC000  }
0x76: {  	[spmem:s3] =	stream.indirect.scatter.add.f32 [tilespmem:s20], [sflag:$0x3], $0x80, s1, s19, $0xb8;
	[tilespmem:$0x1C400] =	vst v63  }
0x77: {  	_ =	swait.ge [sflag:s16], $0x4000  }
0x78: {  	[sflag:s16] =	ssyncset.done $0x0  }
0x79: {  	[sflag:s16] =	ssyncadd.s32 $0xFFFFC000  }
0x7a: {  	[tilespmem:s20], [sflag:$0x2] =	stream.indirect.gather [hbm4b:s2+s19], $0x80, s7, s19, $0xb8;
	[tilespmem:$0x1C400] =	vst v63  }
0x7b: {  	_ =	swait.ge [sflag:s21], $0x4000  }
0x7c: {  	[sflag:s21] =	ssyncset.done $0x0  }
0x7d: {  	[sflag:s21] =	ssyncadd.s32 $0xFFFFC000  }
0x7e: {  	[spmem:s3] =	stream.indirect.scatter.add.f32 [tilespmem:s15], [sflag:$0x3], $0x80, s8, s19, $0xb8;
	[tilespmem:$0x1C400] =	vst v63  }
0x7f: {  	_ =	swait.ge [sflag:s16], $0x4000  }
0x80: {  	[sflag:s16] =	ssyncset.done $0x0  }
0x81: {  	[sflag:s16] =	ssyncadd.s32 $0xFFFFC000  }
0x82: {  	_ =	swait.ge [sflag:s23], $0x4000  }
0x83: {  	s14 =	rddreg [dreg:$0x5]  }
0x84: {  	p0 =	sne.s32 s14, $0x1  }
.Ltmp1:
0x85: {  	[sflag:s23] =	ssyncset.done $0x0;
	(pc) =	sbr.rel @!p0 .LBB2_5-.Ltmp1, $4  }
0x86: {  	[sflag:s23] =	ssyncadd.s32 $0xFFFFC000  }
0x87: {  	[spmem:s3] =	stream.indirect.scatter.add.f32 [tilespmem:s20], [sflag:$0x3], $0x80, s9, s19, $0xb8;
	[tilespmem:$0x1C400] =	vst v63  }
0x88: {  	_ =	swait.ge [sflag:s16], $0x4000  }
0x89: {  	s11 =	sadd.s32 $0xFFFFFFFF, s14;
	s14 =	smov.u32 s5;
	[sflag:s16] =	ssyncset.done $0x0  }
.LBB2_4:
0x8a: {  	[sflag:s16] =	ssyncadd.s32 $0xFFFFC000;
	s14 =	sadd.s32 $0x80, s14  }
0x8b: {  	[tilespmem:s17], [sflag:$0x3] =	stream.linear.gather [hbm4b:s14+s4], $0x400, $0x38;
	[tilespmem:$0x1C400] =	vst v63  }
0x8c: {  	_ =	swait.ge [sflag:s16], $0x400  }
0x8d: {  	[sflag:s16] =	ssyncset.done $0x0  }
0x8e: {  	s13 =	sadd.s32 $0x80, s13;
	[sflag:s16] =	ssyncadd.s32 $0xFFFFFC00  }
0x8f: {  	[tilespmem:s18], [sflag:$0x3] =	stream.linear.gather [hbm4b:s13+s4], $0x400, $0x38;
	[tilespmem:$0x1C400] =	vst v63  }
0x90: {  	_ =	swait.ge [sflag:s16], $0x400  }
0x91: {  	[sflag:s16] =	ssyncset.done $0x0  }
0x92: {  	[sflag:s16] =	ssyncadd.s32 $0xFFFFFC00  }
0x93: {  	[tilespmem:s15], [sflag:$0x1] =	stream.indirect.gather [hbm4b:s2+s19], $0x80, s17, s19, $0xb8;
	[tilespmem:$0x1C400] =	vst v63  }
0x94: {  	s12 =	rddreg [dreg:$0x4]  }
0x95: {  	[tilespmem:s20], [sflag:$0x2] =	stream.indirect.gather [hbm4b:s2+s19], $0x80, s12, s19, $0xb8;
	[tilespmem:$0x1C400] =	vst v63  }
0x96: {  	_ =	swait.ge [sflag:s21], $0x4000  }
0x97: {  	[sflag:s21] =	ssyncset.done $0x0  }
0x98: {  	[sflag:s21] =	ssyncadd.s32 $0xFFFFC000  }
0x99: {  	[spmem:s3] =	stream.indirect.scatter.add.f32 [tilespmem:s15], [sflag:$0x3], $0x80, s18, s19, $0xb8;
	[tilespmem:$0x1C400] =	vst v63  }
0x9a: {  	_ =	swait.ge [sflag:s16], $0x4000  }
0x9b: {  	[sflag:s16] =	ssyncset.done $0x0  }
0x9c: {  	[sflag:s16] =	ssyncadd.s32 $0xFFFFC000  }
0x9d: {  	[tilespmem:s15], [sflag:$0x1] =	stream.indirect.gather [hbm4b:s2+s19], $0x80, s22, s19, $0xb8;
	[tilespmem:$0x1C400] =	vst v63  }
0x9e: {  	_ =	swait.ge [sflag:s23], $0x4000  }
0x9f: {  	[sflag:s23] =	ssyncset.done $0x0  }
0xa0: {  	[sflag:s23] =	ssyncadd.s32 $0xFFFFC000  }
0xa1: {  	[spmem:s3] =	stream.indirect.scatter.add.f32 [tilespmem:s20], [sflag:$0x3], $0x80, s24, s19, $0xb8;
	[tilespmem:$0x1C400] =	vst v63  }
0xa2: {  	_ =	swait.ge [sflag:s16], $0x4000  }
0xa3: {  	[sflag:s16] =	ssyncset.done $0x0  }
0xa4: {  	[sflag:s16] =	ssyncadd.s32 $0xFFFFC000  }
0xa5: {  	[tilespmem:s20], [sflag:$0x2] =	stream.indirect.gather [hbm4b:s2+s19], $0x80, s25, s19, $0xb8;
	[tilespmem:$0x1C400] =	vst v63  }
0xa6: {  	_ =	swait.ge [sflag:s21], $0x4000  }
0xa7: {  	[sflag:s21] =	ssyncset.done $0x0  }
0xa8: {  	[sflag:s21] =	ssyncadd.s32 $0xFFFFC000  }
0xa9: {  	[spmem:s3] =	stream.indirect.scatter.add.f32 [tilespmem:s15], [sflag:$0x3], $0x80, s26, s19, $0xb8;
	[tilespmem:$0x1C400] =	vst v63  }
0xaa: {  	_ =	swait.ge [sflag:s16], $0x4000  }
0xab: {  	[sflag:s16] =	ssyncset.done $0x0  }
0xac: {  	[sflag:s16] =	ssyncadd.s32 $0xFFFFC000  }
0xad: {  	[tilespmem:s15], [sflag:$0x1] =	stream.indirect.gather [hbm4b:s2+s19], $0x80, s28, s19, $0xb8;
	[tilespmem:$0x1C400] =	vst v63  }
0xae: {  	_ =	swait.ge [sflag:s23], $0x4000  }
0xaf: {  	[sflag:s23] =	ssyncset.done $0x0  }
0xb0: {  	[sflag:s23] =	ssyncadd.s32 $0xFFFFC000  }
0xb1: {  	[spmem:s3] =	stream.indirect.scatter.add.f32 [tilespmem:s20], [sflag:$0x3], $0x80, s29, s19, $0xb8;
	[tilespmem:$0x1C400] =	vst v63  }
0xb2: {  	_ =	swait.ge [sflag:s16], $0x4000  }
0xb3: {  	[sflag:s16] =	ssyncset.done $0x0  }
0xb4: {  	[sflag:s16] =	ssyncadd.s32 $0xFFFFC000  }
0xb5: {  	[tilespmem:s20], [sflag:$0x2] =	stream.indirect.gather [hbm4b:s2+s19], $0x80, s30, s19, $0xb8;
	[tilespmem:$0x1C400] =	vst v63  }
0xb6: {  	_ =	swait.ge [sflag:s21], $0x4000  }
0xb7: {  	[sflag:s21] =	ssyncset.done $0x0  }
0xb8: {  	[sflag:s21] =	ssyncadd.s32 $0xFFFFC000  }
0xb9: {  	[spmem:s3] =	stream.indirect.scatter.add.f32 [tilespmem:s15], [sflag:$0x3], $0x80, s31, s19, $0xb8;
	[tilespmem:$0x1C400] =	vst v63  }
0xba: {  	_ =	swait.ge [sflag:s16], $0x4000  }
0xbb: {  	[sflag:s16] =	ssyncset.done $0x0  }
0xbc: {  	[sflag:s16] =	ssyncadd.s32 $0xFFFFC000  }
0xbd: {  	[tilespmem:s15], [sflag:$0x1] =	stream.indirect.gather [hbm4b:s2+s19], $0x80, s0, s19, $0xb8;
	[tilespmem:$0x1C400] =	vst v63  }
0xbe: {  	_ =	swait.ge [sflag:s23], $0x4000  }
0xbf: {  	[sflag:s23] =	ssyncset.done $0x0  }
0xc0: {  	[sflag:s23] =	ssyncadd.s32 $0xFFFFC000  }
0xc1: {  	[spmem:s3] =	stream.indirect.scatter.add.f32 [tilespmem:s20], [sflag:$0x3], $0x80, s1, s19, $0xb8;
	[tilespmem:$0x1C400] =	vst v63  }
0xc2: {  	_ =	swait.ge [sflag:s16], $0x4000  }
0xc3: {  	[sflag:s16] =	ssyncset.done $0x0  }
0xc4: {  	[sflag:s16] =	ssyncadd.s32 $0xFFFFC000  }
0xc5: {  	[tilespmem:s20], [sflag:$0x2] =	stream.indirect.gather [hbm4b:s2+s19], $0x80, s7, s19, $0xb8;
	[tilespmem:$0x1C400] =	vst v63  }
0xc6: {  	_ =	swait.ge [sflag:s21], $0x4000  }
0xc7: {  	[sflag:s21] =	ssyncset.done $0x0  }
0xc8: {  	[sflag:s21] =	ssyncadd.s32 $0xFFFFC000  }
0xc9: {  	[spmem:s3] =	stream.indirect.scatter.add.f32 [tilespmem:s15], [sflag:$0x3], $0x80, s8, s19, $0xb8;
	[tilespmem:$0x1C400] =	vst v63  }
0xca: {  	_ =	swait.ge [sflag:s16], $0x4000  }
0xcb: {  	[sflag:s16] =	ssyncset.done $0x0  }
0xcc: {  	[sflag:s16] =	ssyncadd.s32 $0xFFFFC000  }
0xcd: {  	p0 =	sne.s32 s11, $0x1;
	_ =	swait.ge [sflag:s23], $0x4000  }
.Ltmp2:
0xce: {  	[sflag:s23] =	ssyncset.done $0x0;
	(pc) =	sbr.rel @p0 .LBB2_4-.Ltmp2, $4  }
0xcf: {  	[sflag:s23] =	ssyncadd.s32 $0xFFFFC000  }
0xd0: {  	[spmem:s3] =	stream.indirect.scatter.add.f32 [tilespmem:s20], [sflag:$0x3], $0x80, s9, s19, $0xb8;
	[tilespmem:$0x1C400] =	vst v63  }
0xd1: {  	_ =	swait.ge [sflag:s16], $0x4000  }
0xd2: {  	s11 =	sadd.s32 $0xFFFFFFFF, s11;
	[sflag:s16] =	ssyncset.done $0x0  }
.LBB2_5:
0xd3: {  	[sflag:s16] =	ssyncadd.s32 $0xFFFFC000;
	s11 =	stileid.u32  }
0xd4: {  	s11 =	sshll.u32 s11, $0x6;
	[bflag:$0x0] =	sbarrier.arrive $0xFFFF  }
0xd5: {  	s12 =	sshrl.u32 s6, $0x3;
	s11 =	sor.u32 $0x1C03, s11;
	s13 =	rddreg [dreg:$0x7]  }
0xd6: {  	[hbm:s13], [sflag:s11] =	dma.local [spmem:s12], $0x2780  }
0xd7: {  	_ =	swait.ge [sflag:s16], $0x2780  }
0xd8: {  	s10 =	sadd.s32 $0x1, s10;
	s14 =	rddreg [dreg:$0x8]  }
0xd9: {  	p0 =	sne.s32 s10, s14  }
.Ltmp3:
0xda: {  	_ = 	snop;
	(pc) =	sbr.rel @p0 .LBB2_1-.Ltmp3, $3  }
0xdb: {  	_ =	sdelay $0x1  }
0xdc: {  	[sflag:s16] =	ssyncset.done $0x0  }
0xdd: {  	[sflag:s16] =	ssyncadd.s32 $0xFFFFD880  }
0xde: {  	_ =	sfence.sel $0x180000  }
0xdf: {  	[bflag:$0x0] =	sbarrier.arrive $0xFFFF  }
0xe0: {  	_ =	strace $0x9000004D  }
0xe1: {  	s0 =	stileid.u32;
	[bflag:$0x2] =	sbarrier.arrive $0xFFFF  }
0xe2: {  	p0 =	sne.s32 s0, $0x0;
	s0 =	rddreg [dreg:$0x3]  }
0xe3: {  	s0 =	sadd.s32 @!p0 $0x100000, s0  }
0xe4: {  	[sflag:s0] =	ssyncadd.tile.s32 @!p0 $0x1;
	_ =	shalt  }
.Lfunc_end2:
_tile_overlayer_lowered:
.L_overlay_start_2:
0xe5: {  	(tag) =	ssettag $0x2  }
0xe6: {  	s0 =	rddreg [dreg:$0x0];
	s2 =	stileid.u32  }
0xe7: {  	s1 =	rddreg [dreg:$0x1];
	p0 =	sne.s32 s2, $0x0  }
0xe8: {  	s3 =	rddreg [dreg:$0x2];
	[bflag:$0x3] =	sbarrier.arrive $0xFFFF;
	s2 =	simm.s32 @!p0 $0x1C03  }
0xe9: {  	[timem:s3], [sflag:s2] =	dma.local @!p0 [hbm:s0], s1  }
0xea: {  	s0 =	simm.s32 @!p0 $0x3  }
0xeb: {  	_ =	swait.ge @!p0 [sflag:s0], s1  }
0xec: {  	s1 =	ssub.s32 @!p0 $0x0, s1;
	[sflag:s0] =	ssyncset.done @!p0 $0x0  }
0xed: {  	[sflag:s0] =	ssyncadd.s32 @!p0 s1  }
0xee: {  	[bflag:$0x3] =	sbarrier.arrive $0xFFFF  }
0xef: {  	_ =	shalt  }

// kernel: kernel.8.cloned.1.call-start
scs
__scs_entry_jumppad:
0x0: {  	(pc) =	sbr.rel $0x88, $3  }
0x1: {  	(tag) =	ssettag $0x0;
	lr =	simm.s32 $0x1  }
0x2: {  	[smem:$0x3F99] =	sst lr;
	_ =	strace $0xD0000000  }
0x3: {  	_ = 	snop  }
0x4: {  	_ = 	snop  }
0x5: {  	_ = 	snop  }
0x6: {  	_ = 	snop  }
0x7: {  	_ = 	snop  }
__scs_overlays_trampoline_lowered:
0x8: {  	[smem:$0x3FA8] =	sst s0  }
0x9: {  	[smem:$0x3FA9] =	sst s1  }
0xa: {  	[smem:$0x3FAA] =	sst s2  }
0xb: {  	[smem:$0x3FAB] =	sst s3  }
0xc: {  	[smem:$0x3FAC] =	sst s4  }
0xd: {  	[smem:$0x3FAD] =	sst s5  }
0xe: {  	[smem:$0x3FAE] =	sst s6  }
0xf: {  	[smem:$0x3FAF] =	sst s7  }
0x10: {  	[smem:$0x3FB0] =	sst s8  }
0x11: {  	[smem:$0x3FB1] =	sst s9;
	s0 =	simm.s32 @!p0 $0x0  }
0x12: {  	s1 =	sld [smem:$0x3F97];
	s0 =	simm.s32 @p0 $0x1  }
0x13: {  	[smem:$0x3FB2] =	sst s0;
	s0 =	simm.s32 @!p1 $0x0  }
0x14: {  	s2 =	sld [smem:$0x3F96];
	s0 =	simm.s32 @p1 $0x1  }
0x15: {  	[smem:$0x3FB3] =	sst s0;
	s0 =	simm.s32 @!p2 $0x0  }
0x16: {  	s3 =	sld [smem:$0x3FDB];
	s0 =	simm.s32 @p2 $0x1  }
0x17: {  	s4 =	simm.s32 $0x1BF5;
	[smem:$0x3FB5] =	sst s0  }
0x18: {  	s0 =	sld [smem:$0x3F98];
	_ =	swait.ge [sflag:s4], $0x0  }
0x19: {  	s7 =	sld [smem:$0x3F99]  }
0x1a: {  	s8 =	sadd.s32 $0xFFFFE003, lr  }
0x1b: {  	s9 =	sadd.s32 $0xFFFFFEF7, lr;
	s5 =	simm.s32 $0xFFFFFFFF;
	p2 =	slt.u32 s8, $0xFFFFF086  }
0x1c: {  	p1 =	slt.u32 s9, $0xF7A;
	s5 =	simm.s32 @!p2 $0x0  }
0x1d: {  	s5 =	simm.s32 @p1 $0x1;
	p0 =	seq.s32 s7, s2  }
0x1e: {  	s7 =	smul.u32 @!p0 $0xF7A, s2;
	p2 =	seq.s32 @!p0 s5, $0x0  }
0x1f: {  	s9 =	smul.u32 $0xF7A, s1;
	s8 =	simm.s32 @!p0 $0x1BF5;
	p2 =	por !p2, p0  }
0x20: {  	[sflag:s8] =	ssyncset.s32 @!p0 $0xFFFFF086;
	s6 =	sadd.s32 @!p0 s3, s7;
	s7 =	simm.s32 @!p0 $0x108  }
0x21: {  	s3 =	sadd.s32 s3, s9;
	s6 =	sadd.s32 @!p0 $0x88, s6;
	s7 =	simm.s32 @p2 $0x1082  }
0x22: {  	[simem:s7], [sflag:s8] =	dma.local @!p0 [hbm:s6], $0xF7A  }
0x23: {  	s9 =	sor.u32 $0xD0000000, s2;
	s6 =	simm.s32 $0x108;
	_ =	swait.ge @!p0 [sflag:s8], $0x0  }
0x24: {  	s3 =	sadd.s32 $0x88, s3;
	s6 =	simm.s32 @!p1 $0x1082;
	[sflag:s4] =	ssyncset.s32 $0xFFFFF086  }
0x25: {  	[simem:s6], [sflag:s4] =	dma.local [hbm:s3], $0xF7A  }
0x26: {  	[smem:$0x3F99] =	sst s1;
	(tag) =	ssettag s2;
	_ =	strace s9  }
0x27: {  	s1 =	sld [smem:$0x3FA9]  }
0x28: {  	s2 =	sld [smem:$0x3FAA]  }
0x29: {  	s4 =	sld [smem:$0x3FAC]  }
0x2a: {  	p0 =	seq.s32 s5, $0x0;
	s5 =	sld [smem:$0x3FAD]  }
0x2b: {  	s6 =	sld [smem:$0x3FAE]  }
0x2c: {  	s7 =	sld [smem:$0x3FAF]  }
0x2d: {  	s3 =	simm.s32 $0x108;
	s8 =	sld [smem:$0x3FB0]  }
0x2e: {  	s3 =	simm.s32 @!p0 $0x1082;
	s9 =	sld [smem:$0x3FB1]  }
0x2f: {  	lr =	sadd.s32 s0, s3;
	s0 =	sld [smem:$0x3FA8]  }
0x30: {  	s3 =	sld [smem:$0x3FAB]  }
0x31: {  	[smem:$0x3FB4] =	sst s10  }
0x32: {  	s10 =	sld [smem:$0x3FB2];
	_ =	sdelay $0x3  }
0x33: {  	p0 =	seq.s32 s10, $0x1;
	s10 =	sld [smem:$0x3FB4];
	_ =	sdelay $0x3  }
0x34: {  	[smem:$0x3FB4] =	sst s10  }
0x35: {  	s10 =	sld [smem:$0x3FB3];
	_ =	sdelay $0x3  }
0x36: {  	p1 =	seq.s32 s10, $0x1;
	s10 =	sld [smem:$0x3FB4];
	_ =	sdelay $0x3  }
0x37: {  	[smem:$0x3FB4] =	sst s10  }
0x38: {  	s10 =	sld [smem:$0x3FB5]  }
0x39: {  	_ = 	snop;
	(pc) =	sbr.ind lr, $3  }
0x3a: {  	_ = 	snop  }
0x3b: {  	_ = 	snop  }
0x3c: {  	p2 =	seq.s32 s10, $0x1;
	s10 =	sld [smem:$0x3FB4]  }
0x3d: {  	_ =	shalt  }
0x3e: {  	_ =	shalt  }
0x3f: {  	_ =	shalt  }
0x40: {  	_ =	shalt  }
0x41: {  	_ =	shalt  }
0x42: {  	_ =	shalt  }
0x43: {  	_ =	shalt  }
0x44: {  	_ =	shalt  }
0x45: {  	_ =	shalt  }
0x46: {  	_ =	shalt  }
0x47: {  	_ =	shalt  }
0x48: {  	_ =	shalt  }
0x49: {  	_ =	shalt  }
0x4a: {  	_ =	shalt  }
0x4b: {  	_ =	shalt  }
0x4c: {  	_ =	shalt  }
0x4d: {  	_ =	shalt  }
0x4e: {  	_ =	shalt  }
0x4f: {  	_ =	shalt  }
0x50: {  	_ =	shalt  }
0x51: {  	_ =	shalt  }
0x52: {  	_ =	shalt  }
0x53: {  	_ =	shalt  }
0x54: {  	_ =	shalt  }
0x55: {  	_ =	shalt  }
0x56: {  	_ =	shalt  }
0x57: {  	_ =	shalt  }
0x58: {  	_ =	shalt  }
0x59: {  	_ =	shalt  }
0x5a: {  	_ =	shalt  }
0x5b: {  	_ =	shalt  }
0x5c: {  	_ =	shalt  }
0x5d: {  	_ =	shalt  }
0x5e: {  	_ =	shalt  }
0x5f: {  	_ =	shalt  }
0x60: {  	_ =	shalt  }
0x61: {  	_ =	shalt  }
0x62: {  	_ =	shalt  }
0x63: {  	_ =	shalt  }
0x64: {  	_ =	shalt  }
0x65: {  	_ =	shalt  }
0x66: {  	_ =	shalt  }
0x67: {  	_ =	shalt  }
0x68: {  	_ =	shalt  }
0x69: {  	_ =	shalt  }
0x6a: {  	_ =	shalt  }
0x6b: {  	_ =	shalt  }
0x6c: {  	_ =	shalt  }
0x6d: {  	_ =	shalt  }
0x6e: {  	_ =	shalt  }
0x6f: {  	_ =	shalt  }
0x70: {  	_ =	shalt  }
0x71: {  	_ =	shalt  }
0x72: {  	_ =	shalt  }
0x73: {  	_ =	shalt  }
0x74: {  	_ =	shalt  }
0x75: {  	_ =	shalt  }
0x76: {  	_ =	shalt  }
0x77: {  	_ =	shalt  }
0x78: {  	_ =	shalt  }
0x79: {  	_ =	shalt  }
0x7a: {  	_ =	shalt  }
0x7b: {  	_ =	shalt  }
0x7c: {  	_ =	shalt  }
0x7d: {  	_ =	shalt  }
0x7e: {  	_ =	shalt  }
0x7f: {  	_ =	shalt  }
0x80: {  	_ =	shalt  }
0x81: {  	_ =	shalt  }
0x82: {  	_ =	shalt  }
0x83: {  	_ =	shalt  }
0x84: {  	_ =	shalt  }
0x85: {  	_ =	shalt  }
0x86: {  	_ =	shalt  }
0x87: {  	_ =	shalt  }
.Lfunc_end0:
.L_simem_size_0:
called_computation_lowered:
.L_overlay_start_0:
0x88: {  	s2 =	sld [smem:$0x3FD9]  }
0x89: {  	s3 =	sld [smem:$0x3FFE];
	_ =	sdelay $0x1  }
0x8a: {  	s1 =	srdreg.scid  }
0x8b: {  	s0 =	sand.u32 $0x1, s1  }
0x8c: {  	s17 =	sshll.u32 s0, $0xA;
	s2 =	sadd.s32 s3, s2  }
0x8d: {  	s2 =	sadd.s32 s2, s17  }
0x8e: {  	[smem:$0x3FC0] =	sst s2  }
0x8f: {  	_ = 	snop  }
0x90: {  	(tm) =	ssettm $0x1  }
0x91: {  	s18 =	sld [smem:$0x3FFB];
	_ =	sdelay $0x3  }
0x92: {  	_ =	strace s18  }
0x93: {  	s2 =	sld [smem:$0x3FFC];
	_ =	sdelay $0x3  }
0x94: {  	_ =	strace s2  }
0x95: {  	s2 =	sld [smem:$0x3FFD];
	_ =	sdelay $0x3  }
0x96: {  	_ =	strace s2  }
0x97: {  	_ =	strace $0x8FFFFFFF  }
0x98: {  	s19 =	sld [smem:$0x3FDB];
	_ =	sdelay $0x1  }
0x99: {  	s20 =	simm.s32 $_scs_section_size  }
0x9a: {  	s4 =	simm.s32 $_size__tile_overlayer_lowered;
	s5 =	simm.s32 $_tile_overlayer_lowered  }
0x9b: {  	s6 =	simm.s32 $0x1BFF;
	s21 =	sshll.u32 s5, $0x1;
	s3 =	sadd.s32 s20, s19  }
0x9c: {  	s22 =	simm.s32 $0x0;
	s4 =	sshll.u32 s4, $0x1;
	s5 =	sadd.s32 s21, s3  }
0x9d: {  	[timem:s22], [sflag:s6] =	dma.local [hbm:s5], s4  }
0x9e: {  	_ =	swait.ge [sflag:s6], s4  }
0x9f: {  	s4 =	ssub.s32 $0x0, s4;
	[sflag:s6] =	ssyncset.done $0x0  }
0xa0: {  	[sflag:s6] =	ssyncadd.s32 s4;
	_ =	sdelay $0x1  }
0xa1: {  	s23 =	simm.s32 $0x1B8B  }
0xa2: {  	_ =	swait.ge [sflag:s23], $0x1  }
0xa3: {  	[sflag:s23] =	ssyncset.done $0x0  }
0xa4: {  	[sflag:s23] =	ssyncadd.s32 $0xFFFFFFFF  }
0xa5: {  	s4 =	sld [smem:$0x0]  }
0xa6: {  	s5 =	sand.u32 $0xFFFFFFFE, s1  }
0xa7: {  	p0 =	sne.s32 s1, s5  }
0xa8: {  	s5 =	sshll.u32 @p0 s5, $0xE  }
0xa9: {  	s5 =	sadd.s32 @p0 $0x11B8D, s5;
	s6 =	sshll.u32 @p0 s4, $0x11  }
0xaa: {  	s5 =	sor.u32 @p0 s6, s5  }
0xab: {  	[sflag:s5] =	ssyncadd.remote.s32 @p0 $0x1;
	_ =	sdelay $0x1  }
0xac: {  	s5 =	simm.s32 @p0 $0x1B8D  }
0xad: {  	_ =	swait.eq @p0 [sflag:s5], $0x1  }
0xae: {  	[sflag:s5] =	ssyncadd.s32 @p0 $0xFFFFFFFF  }
0xaf: {  	s6 =	sshll.u32 @!p0 s1, $0xE  }
0xb0: {  	s6 =	sor.u32 @!p0 $0x4000, s6;
	s5 =	simm.s32 @!p0 $0x1B8D  }
0xb1: {  	s4 =	sshll.u32 @!p0 s4, $0x11;
	s6 =	sadd.s32 @!p0 $0x11B8D, s6;
	_ =	swait.eq @!p0 [sflag:s5], $0x1  }
0xb2: {  	s4 =	sor.u32 @!p0 s4, s6;
	[sflag:s5] =	ssyncadd.s32 @!p0 $0xFFFFFFFF  }
0xb3: {  	s25 =	simm.s32 $0x1B8E;
	s24 =	sld [smem:$0x3FFE];
	[sflag:s4] =	ssyncadd.remote.s32 @!p0 $0x1  }
0xb4: {  	s26 =	simm.s32 $execute0_lowered;
	[smem:$0x3FD2] =	sst s25  }
0xb5: {  	s5 =	sshll.u32 s26, $0x1;
	_ =	strace $0x80000049;
	[dreg:$0x1] =	wrdreg $0xFFFFFFFF  }
0xb6: {  	s28 =	simm.s32 $_size_execute0_lowered;
	s3 =	sadd.s32 s3, s5;
	[dreg:$0x0] =	wrdreg $0x0  }
0xb7: {  	s5 =	sshll.u32 s28, $0x1;
	[dreg:$0x2] =	wrdreg s3  }
0xb8: {  	[dreg:$0x3] =	wrdreg s5  }
0xb9: {  	[dreg:$0x4] =	wrdreg $0xC0  }
0xba: {  	_ =	task [dreg:s22], $0x5FFFF  }
0xbb: {  	[dreg:$0x1] =	wrdreg $0xFFFFFFFF  }
0xbc: {  	[dreg:$0x0] =	wrdreg $0x60  }
0xbd: {  	[dreg:$0x2] =	wrdreg s24  }
0xbe: {  	[dreg:$0x3] =	wrdreg $0x40000  }
0xbf: {  	[dreg:$0x4] =	wrdreg $0x9  }
0xc0: {  	_ =	task.clear_ibuf [dreg:s22], $0x5FFFF;
	_ =	strace $0x90000049  }
0xc1: {  	s29 =	simm.s32 $0x9;
	_ =	strace $0x8000004B  }
0xc2: {  	_ =	swait.ge [sflag:s29], $0x1  }
0xc3: {  	[sflag:s29] =	ssyncadd.s32 $0xFFFFFFFF  }
0xc4: {  	_ =	strace $0x9000004B  }
0xc5: {  	_ =	sfence  }
0xc6: {  	s30 =	sld [smem:$0x0];
	_ =	sdelay $0x2  }
0xc7: {  	s31 =	sshll.u32 s1, $0xD;
	s1 =	sshrl.u32 s1, $0x2  }
0xc8: {  	s4 =	sand.u32 $0x4000, s31;
	s1 =	sadd.s32 s1, s30  }
0xc9: {  	s0 =	sor.u32 s4, s0;
	s1 =	sshll.u32 s1, $0x11  }
0xca: {  	s0 =	sor.u32 s1, s0  }
0xcb: {  	s0 =	sadd.s32 $0x8F2B, s0  }
0xcc: {  	[sflag:s0] =	ssyncadd.remote.s32 $0x1  }
0xcd: {  	_ =	sfence.sel $0xFFFF  }
0xce: {  	[dreg:$0x0] =	wrdreg $0xFFFFFFFF;
	(pc) =	sbr.abs _section_cstart, $3  }
0xcf: {  	[dreg:$0x1] =	wrdreg $0xFFFFFFFF  }
0xd0: {  	_ =	task.clear_ibuf [dreg:s22], $0x2FFFF;
	_ =	strace $0x9FFFFFFF  }
0xd1: {  	(tm) =	ssettm $0x7FFFFFFF  }
tec
execute0_lowered:
.L_overlay_start_1:
0x0: {  	(tag) =	ssettag $0x1  }
0x1: {  	s4 =	rddreg [dreg:$0x0]  }
0x2: {  	s0 =	srdreg.scid;
	s2 =	rddreg [dreg:$0x1]  }
0x3: {  	s1 =	stileid.u32;
	s3 =	simm.s32 $0x0;
	s13 =	simm.s32 $0x17C00  }
0x4: {  	s14 =	simm.s32 $0x80;
	s15 =	simm.s32 $0x17C80;
	s16 =	simm.s32 $0x17D00  }
0x5: {  	s17 =	simm.s32 $0x17D80;
	s18 =	simm.s32 $0x17E00;
	s8 =	smul.u32 $0x13C00, s1  }
0x6: {  	s19 =	simm.s32 $0x17E80;
	s20 =	simm.s32 $0x17F00;
	s9 =	smul.u32 $0x4F000, s1  }
0x7: {  	s21 =	simm.s32 $0x17F80;
	s5 =	sand.u32 $0x1, s0;
	s12 =	smul.u32 $0x500, s1  }
0x8: {  	s22 =	simm.s32 $0x0;
	s0 =	rddreg [dreg:$0x2];
	s6 =	smul.u32 $0x5000, s5  }
0x9: {  	[smem:$0x7FF] =	sst s3;
	s7 =	smul.u32 $0x13C000, s5;
	s5 =	ssub.s32 $0x2, s5  }
0xa: {  	_ =	strace $0x8000004A;
	s29 =	sshrl.u32 s9, $0x2;
	s31 =	sshrl.u32 s5, $0x1  }
0xb: {  	s11 =	sadd.s32 s6, s4;
	s28 =	sadd.s32 s8, s7;
	s10 =	ssub.s32 s5, s31  }
0xc: {  	s6 =	sshrl.u32 s28, $0x3;
	s10 =	smax.u32 s10, $0x1;
	s11 =	sadd.s32 s12, s11  }
0xd: {  	s12 =	simm.s32 $0x1;
	s30 =	sadd.s32 s6, s4;
	s4 =	sadd.s32 s29, s2  }
0xe: {  	s11 =	sadd.s32 $0x3600, s11;
	s5 =	sadd.s32 $0x4000, s4;
	s6 =	sadd.s32 $0x8000, s4  }
0xf: {  	v0 =	vimm.f32 $0.0e+00;
	v1 =	vimm.f32 $1.000000000e+00;
	s7 =	sadd.s32 $0xC000, s4;
	s8 =	sadd.s32 $0x10000, s4;
	s9 =	sadd.s32 $0x66600, s30  }
.LBB2_1:
0x10: {  	s23 =	simm.s32 $0x0;
	s24 =	simm.s32 $0x200  }
.LBB2_2:
0x11: {  	p0 =	sne.s32 s24, $0xFE00;
	[tilespmem:s23+$0x70] =	vst v0  }
0x12: {  	[tilespmem:s23+$0x0] =	vst v0  }
0x13: {  	[tilespmem:s23+$0x10] =	vst v0  }
.Ltmp0:
0x14: {  	[tilespmem:s23+$0x20] =	vst v0;
	(pc) =	sbr.rel @p0 .LBB2_2-.Ltmp0, $4  }
0x15: {  	[tilespmem:s23+$0x30] =	vst v0  }
0x16: {  	[tilespmem:s23+$0x40] =	vst v0  }
0x17: {  	[tilespmem:s23+$0x50] =	vst v0  }
0x18: {  	[tilespmem:s23+$0x60] =	vst v0;
	s23 =	sshra.s32 s24, $0x2;
	s24 =	sadd.s32 $0x200, s24  }
0x19: {  	[tilespmem:s23+$0x70] =	vst v0  }
0x1a: {  	[tilespmem:s23+$0x0] =	vst v0  }
0x1b: {  	[tilespmem:s23+$0x10] =	vst v0  }
0x1c: {  	[tilespmem:s23+$0x20] =	vst v0  }
0x1d: {  	[tilespmem:s23+$0x30] =	vst v0  }
0x1e: {  	[tilespmem:s23+$0x40] =	vst v0  }
0x1f: {  	[tilespmem:s23+$0x50] =	vst v0  }
0x20: {  	[tilespmem:s23+$0x60] =	vst v0;
	s31 =	simm.s32 $0x0  }
0x21: {  	[spmem:s4] =	stream.linear.scatter [tilespmem:s31], [sflag:$0x1], $0x4000, $0x38;
	[tilespmem:$0x18000] =	vst v63  }
0x22: {  	_ =	swait.ge [sflag:s12], $0x4000  }
0x23: {  	[sflag:s12] =	ssyncset.done $0x0  }
0x24: {  	[sflag:s12] =	ssyncadd.s32 $0xFFFFC000  }
0x25: {  	[spmem:s5] =	stream.linear.scatter [tilespmem:s31], [sflag:$0x1], $0x4000, $0x38;
	[tilespmem:$0x18000] =	vst v63  }
0x26: {  	_ =	swait.ge [sflag:s12], $0x4000  }
0x27: {  	[sflag:s12] =	ssyncset.done $0x0  }
0x28: {  	[sflag:s12] =	ssyncadd.s32 $0xFFFFC000  }
0x29: {  	[spmem:s6] =	stream.linear.scatter [tilespmem:s31], [sflag:$0x1], $0x4000, $0x38;
	[tilespmem:$0x18000] =	vst v63  }
0x2a: {  	_ =	swait.ge [sflag:s12], $0x4000  }
0x2b: {  	[sflag:s12] =	ssyncset.done $0x0  }
0x2c: {  	[sflag:s12] =	ssyncadd.s32 $0xFFFFC000  }
0x2d: {  	[spmem:s7] =	stream.linear.scatter [tilespmem:s31], [sflag:$0x1], $0x4000, $0x38;
	[tilespmem:$0x18000] =	vst v63  }
0x2e: {  	_ =	swait.ge [sflag:s12], $0x4000  }
0x2f: {  	[sflag:s12] =	ssyncset.done $0x0  }
0x30: {  	[sflag:s12] =	ssyncadd.s32 $0xFFFFC000  }
0x31: {  	[spmem:s8] =	stream.linear.scatter [tilespmem:s31], [sflag:$0x1], $0x3C00, $0x38;
	[tilespmem:$0x18000] =	vst v63  }
0x32: {  	_ =	swait.ge [sflag:s12], $0x3C00  }
0x33: {  	[sflag:s12] =	ssyncset.done $0x0  }
0x34: {  	s23 =	simm.s32 $0x0;
	s24 =	simm.s32 $0x200;
	[sflag:s12] =	ssyncadd.s32 $0xFFFFC400  }
.LBB2_4:
0x35: {  	p0 =	sne.s32 s24, $0xFE00;
	[tilespmem:s23+$0x70] =	vst v1  }
0x36: {  	[tilespmem:s23+$0x0] =	vst v1  }
0x37: {  	[tilespmem:s23+$0x10] =	vst v1  }
.Ltmp1:
0x38: {  	[tilespmem:s23+$0x20] =	vst v1;
	(pc) =	sbr.rel @p0 .LBB2_4-.Ltmp1, $4  }
0x39: {  	[tilespmem:s23+$0x30] =	vst v1  }
0x3a: {  	[tilespmem:s23+$0x40] =	vst v1  }
0x3b: {  	[tilespmem:s23+$0x50] =	vst v1  }
0x3c: {  	[tilespmem:s23+$0x60] =	vst v1;
	s23 =	sshra.s32 s24, $0x2;
	s24 =	sadd.s32 $0x200, s24  }
0x3d: {  	[tilespmem:s23+$0x70] =	vst v1  }
0x3e: {  	[tilespmem:s23+$0x0] =	vst v1  }
0x3f: {  	[tilespmem:s23+$0x10] =	vst v1  }
0x40: {  	[tilespmem:s23+$0x20] =	vst v1  }
0x41: {  	[tilespmem:s23+$0x30] =	vst v1  }
0x42: {  	[tilespmem:s23+$0x40] =	vst v1  }
0x43: {  	[tilespmem:s23+$0x50] =	vst v1  }
0x44: {  	[tilespmem:s23+$0x60] =	vst v1  }
0x45: {  	s31 =	sadd.s32 $0x0, s11;
	[bflag:$0x0] =	sbarrier.arrive $0xFFFF  }
0x46: {  	[tilespmem:s13], [sflag:$0x1] =	stream.linear.gather [hbm4b:s31+s3], $0x400, $0x38;
	[tilespmem:$0x18000] =	vst v63  }
0x47: {  	_ =	swait.ge [sflag:s12], $0x400  }
0x48: {  	[sflag:s12] =	ssyncset.done $0x0  }
0x49: {  	[sflag:s12] =	ssyncadd.s32 $0xFFFFFC00  }
0x4a: {  	[spmem:s2] =	stream.indirect.scatter.add.f32 [tilespmem:s3], [sflag:$0x1], $0x80, s13, s14, $0xb8;
	[tilespmem:$0x18000] =	vst v63  }
0x4b: {  	_ =	swait.ge [sflag:s12], $0x4000  }
0x4c: {  	[sflag:s12] =	ssyncset.done $0x0  }
0x4d: {  	[sflag:s12] =	ssyncadd.s32 $0xFFFFC000  }
0x4e: {  	[spmem:s2] =	stream.indirect.scatter.add.f32 [tilespmem:s3], [sflag:$0x1], $0x80, s15, s14, $0xb8;
	[tilespmem:$0x18000] =	vst v63  }
0x4f: {  	_ =	swait.ge [sflag:s12], $0x4000  }
0x50: {  	[sflag:s12] =	ssyncset.done $0x0  }
0x51: {  	[sflag:s12] =	ssyncadd.s32 $0xFFFFC000  }
0x52: {  	[spmem:s2] =	stream.indirect.scatter.add.f32 [tilespmem:s3], [sflag:$0x1], $0x80, s16, s14, $0xb8;
	[tilespmem:$0x18000] =	vst v63  }
0x53: {  	_ =	swait.ge [sflag:s12], $0x4000  }
0x54: {  	[sflag:s12] =	ssyncset.done $0x0  }
0x55: {  	[sflag:s12] =	ssyncadd.s32 $0xFFFFC000  }
0x56: {  	[spmem:s2] =	stream.indirect.scatter.add.f32 [tilespmem:s3], [sflag:$0x1], $0x80, s17, s14, $0xb8;
	[tilespmem:$0x18000] =	vst v63  }
0x57: {  	_ =	swait.ge [sflag:s12], $0x4000  }
0x58: {  	[sflag:s12] =	ssyncset.done $0x0  }
0x59: {  	[sflag:s12] =	ssyncadd.s32 $0xFFFFC000  }
0x5a: {  	[spmem:s2] =	stream.indirect.scatter.add.f32 [tilespmem:s3], [sflag:$0x1], $0x80, s18, s14, $0xb8;
	[tilespmem:$0x18000] =	vst v63  }
0x5b: {  	_ =	swait.ge [sflag:s12], $0x4000  }
0x5c: {  	[sflag:s12] =	ssyncset.done $0x0  }
0x5d: {  	[sflag:s12] =	ssyncadd.s32 $0xFFFFC000  }
0x5e: {  	[spmem:s2] =	stream.indirect.scatter.add.f32 [tilespmem:s3], [sflag:$0x1], $0x80, s19, s14, $0xb8;
	[tilespmem:$0x18000] =	vst v63  }
0x5f: {  	_ =	swait.ge [sflag:s12], $0x4000  }
0x60: {  	[sflag:s12] =	ssyncset.done $0x0  }
0x61: {  	[sflag:s12] =	ssyncadd.s32 $0xFFFFC000  }
0x62: {  	[spmem:s2] =	stream.indirect.scatter.add.f32 [tilespmem:s3], [sflag:$0x1], $0x80, s20, s14, $0xb8;
	[tilespmem:$0x18000] =	vst v63  }
0x63: {  	_ =	swait.ge [sflag:s12], $0x4000  }
0x64: {  	[sflag:s12] =	ssyncset.done $0x0  }
0x65: {  	[sflag:s12] =	ssyncadd.s32 $0xFFFFC000  }
0x66: {  	[spmem:s2] =	stream.indirect.scatter.add.f32 [tilespmem:s3], [sflag:$0x1], $0x80, s21, s14, $0xb8;
	[tilespmem:$0x18000] =	vst v63  }
0x67: {  	_ =	swait.ge [sflag:s12], $0x4000  }
0x68: {  	s23 =	simm.s32 $0x80;
	s25 =	simm.s32 $0x100;
	[sflag:s12] =	ssyncset.done $0x0  }
.LBB2_6:
0x69: {  	s26 =	sadd.s32 s23, s11  }
0x6a: {  	[sflag:s12] =	ssyncadd.s32 $0xFFFFC000;
	s23 =	smov.u32 s25;
	s24 =	sadd.s32 $0x80, s25  }
0x6b: {  	[tilespmem:s13], [sflag:$0x1] =	stream.linear.gather [hbm4b:s26+s3], $0x400, $0x38;
	[tilespmem:$0x18000] =	vst v63  }
0x6c: {  	p0 =	sne.s32 s25, $0x480;
	_ =	swait.ge [sflag:s12], $0x400  }
0x6d: {  	[sflag:s12] =	ssyncset.done $0x0  }
0x6e: {  	[sflag:s12] =	ssyncadd.s32 $0xFFFFFC00  }
0x6f: {  	[spmem:s2] =	stream.indirect.scatter.add.f32 [tilespmem:s3], [sflag:$0x1], $0x80, s13, s14, $0xb8;
	[tilespmem:$0x18000] =	vst v63  }
0x70: {  	_ =	swait.ge [sflag:s12], $0x4000  }
0x71: {  	[sflag:s12] =	ssyncset.done $0x0  }
0x72: {  	[sflag:s12] =	ssyncadd.s32 $0xFFFFC000  }
0x73: {  	[spmem:s2] =	stream.indirect.scatter.add.f32 [tilespmem:s3], [sflag:$0x1], $0x80, s15, s14, $0xb8;
	[tilespmem:$0x18000] =	vst v63  }
0x74: {  	_ =	swait.ge [sflag:s12], $0x4000  }
0x75: {  	[sflag:s12] =	ssyncset.done $0x0  }
0x76: {  	[sflag:s12] =	ssyncadd.s32 $0xFFFFC000  }
0x77: {  	[spmem:s2] =	stream.indirect.scatter.add.f32 [tilespmem:s3], [sflag:$0x1], $0x80, s16, s14, $0xb8;
	[tilespmem:$0x18000] =	vst v63  }
0x78: {  	_ =	swait.ge [sflag:s12], $0x4000  }
0x79: {  	[sflag:s12] =	ssyncset.done $0x0  }
0x7a: {  	[sflag:s12] =	ssyncadd.s32 $0xFFFFC000  }
0x7b: {  	[spmem:s2] =	stream.indirect.scatter.add.f32 [tilespmem:s3], [sflag:$0x1], $0x80, s17, s14, $0xb8;
	[tilespmem:$0x18000] =	vst v63  }
0x7c: {  	_ =	swait.ge [sflag:s12], $0x4000  }
0x7d: {  	[sflag:s12] =	ssyncset.done $0x0  }
0x7e: {  	[sflag:s12] =	ssyncadd.s32 $0xFFFFC000  }
0x7f: {  	[spmem:s2] =	stream.indirect.scatter.add.f32 [tilespmem:s3], [sflag:$0x1], $0x80, s18, s14, $0xb8;
	[tilespmem:$0x18000] =	vst v63  }
0x80: {  	_ =	swait.ge [sflag:s12], $0x4000  }
0x81: {  	[sflag:s12] =	ssyncset.done $0x0  }
0x82: {  	[sflag:s12] =	ssyncadd.s32 $0xFFFFC000  }
0x83: {  	[spmem:s2] =	stream.indirect.scatter.add.f32 [tilespmem:s3], [sflag:$0x1], $0x80, s19, s14, $0xb8;
	[tilespmem:$0x18000] =	vst v63  }
0x84: {  	_ =	swait.ge [sflag:s12], $0x4000  }
0x85: {  	[sflag:s12] =	ssyncset.done $0x0  }
0x86: {  	[sflag:s12] =	ssyncadd.s32 $0xFFFFC000  }
0x87: {  	[spmem:s2] =	stream.indirect.scatter.add.f32 [tilespmem:s3], [sflag:$0x1], $0x80, s20, s14, $0xb8;
	[tilespmem:$0x18000] =	vst v63  }
0x88: {  	_ =	swait.ge [sflag:s12], $0x4000  }
.Ltmp2:
0x89: {  	[sflag:s12] =	ssyncset.done $0x0;
	(pc) =	sbr.rel @p0 .LBB2_6-.Ltmp2, $4  }
0x8a: {  	[sflag:s12] =	ssyncadd.s32 $0xFFFFC000  }
0x8b: {  	[spmem:s2] =	stream.indirect.scatter.add.f32 [tilespmem:s3], [sflag:$0x1], $0x80, s21, s14, $0xb8;
	[tilespmem:$0x18000] =	vst v63  }
0x8c: {  	_ =	swait.ge [sflag:s12], $0x4000  }
0x8d: {  	s25 =	smov.u32 s24;
	[sflag:s12] =	ssyncset.done $0x0  }
0x8e: {  	s23 =	sadd.s32 s23, s11;
	[sflag:s12] =	ssyncadd.s32 $0xFFFFC000  }
0x8f: {  	[tilespmem:s13], [sflag:$0x1] =	stream.linear.gather [hbm4b:s23+s3], $0x400, $0x38;
	[tilespmem:$0x18000] =	vst v63  }
0x90: {  	_ =	swait.ge [sflag:s12], $0x400  }
0x91: {  	[sflag:s12] =	ssyncset.done $0x0  }
0x92: {  	[sflag:s12] =	ssyncadd.s32 $0xFFFFFC00  }
0x93: {  	[spmem:s2] =	stream.indirect.scatter.add.f32 [tilespmem:s3], [sflag:$0x1], $0x80, s13, s14, $0xb8;
	[tilespmem:$0x18000] =	vst v63  }
0x94: {  	_ =	swait.ge [sflag:s12], $0x4000  }
0x95: {  	[sflag:s12] =	ssyncset.done $0x0  }
0x96: {  	[sflag:s12] =	ssyncadd.s32 $0xFFFFC000  }
0x97: {  	[spmem:s2] =	stream.indirect.scatter.add.f32 [tilespmem:s3], [sflag:$0x1], $0x80, s15, s14, $0xb8;
	[tilespmem:$0x18000] =	vst v63  }
0x98: {  	_ =	swait.ge [sflag:s12], $0x4000  }
0x99: {  	[sflag:s12] =	ssyncset.done $0x0  }
0x9a: {  	[sflag:s12] =	ssyncadd.s32 $0xFFFFC000  }
0x9b: {  	[spmem:s2] =	stream.indirect.scatter.add.f32 [tilespmem:s3], [sflag:$0x1], $0x80, s16, s14, $0xb8;
	[tilespmem:$0x18000] =	vst v63  }
0x9c: {  	_ =	swait.ge [sflag:s12], $0x4000  }
0x9d: {  	[sflag:s12] =	ssyncset.done $0x0  }
0x9e: {  	[sflag:s12] =	ssyncadd.s32 $0xFFFFC000  }
0x9f: {  	[spmem:s2] =	stream.indirect.scatter.add.f32 [tilespmem:s3], [sflag:$0x1], $0x80, s17, s14, $0xb8;
	[tilespmem:$0x18000] =	vst v63  }
0xa0: {  	_ =	swait.ge [sflag:s12], $0x4000  }
0xa1: {  	[sflag:s12] =	ssyncset.done $0x0  }
0xa2: {  	[sflag:s12] =	ssyncadd.s32 $0xFFFFC000  }
0xa3: {  	[spmem:s2] =	stream.indirect.scatter.add.f32 [tilespmem:s3], [sflag:$0x1], $0x80, s18, s14, $0xb8;
	[tilespmem:$0x18000] =	vst v63  }
0xa4: {  	_ =	swait.ge [sflag:s12], $0x4000  }
0xa5: {  	[sflag:s12] =	ssyncset.done $0x0  }
0xa6: {  	[sflag:s12] =	ssyncadd.s32 $0xFFFFC000  }
0xa7: {  	[spmem:s2] =	stream.indirect.scatter.add.f32 [tilespmem:s3], [sflag:$0x1], $0x80, s19, s14, $0xb8;
	[tilespmem:$0x18000] =	vst v63  }
0xa8: {  	_ =	swait.ge [sflag:s12], $0x4000  }
0xa9: {  	[sflag:s12] =	ssyncset.done $0x0  }
0xaa: {  	[sflag:s12] =	ssyncadd.s32 $0xFFFFC000  }
0xab: {  	[spmem:s2] =	stream.indirect.scatter.add.f32 [tilespmem:s3], [sflag:$0x1], $0x80, s20, s14, $0xb8;
	[tilespmem:$0x18000] =	vst v63  }
0xac: {  	_ =	swait.ge [sflag:s12], $0x4000  }
0xad: {  	[sflag:s12] =	ssyncset.done $0x0  }
0xae: {  	[sflag:s12] =	ssyncadd.s32 $0xFFFFC000  }
0xaf: {  	[spmem:s2] =	stream.indirect.scatter.add.f32 [tilespmem:s3], [sflag:$0x1], $0x80, s21, s14, $0xb8;
	[tilespmem:$0x18000] =	vst v63  }
0xb0: {  	_ =	swait.ge [sflag:s12], $0x4000  }
0xb1: {  	s31 =	sshll.u32 s1, $0x6;
	s22 =	sadd.s32 $0x1, s22;
	[sflag:s12] =	ssyncset.done $0x0  }
0xb2: {  	s24 =	sshrl.u32 s4, $0x3;
	p0 =	sne.s32 s22, s10;
	[sflag:s12] =	ssyncadd.s32 $0xFFFFC000  }
.Ltmp3:
0xb3: {  	s23 =	sor.u32 $0x1C01, s31;
	[bflag:$0x0] =	sbarrier.arrive $0xFFFF;
	(pc) =	sbr.rel @p0 .LBB2_1-.Ltmp3, $4  }
0xb4: {  	[hbm:s9], [sflag:s23] =	dma.local [spmem:s24], $0x2780  }
0xb5: {  	_ =	swait.ge [sflag:s12], $0x2780  }
0xb6: {  	[sflag:s12] =	ssyncset.done $0x0  }
0xb7: {  	[sflag:s12] =	ssyncadd.s32 $0xFFFFD880  }
0xb8: {  	_ =	sfence.sel $0x180000  }
0xb9: {  	[bflag:$0x0] =	sbarrier.arrive $0xFFFF  }
0xba: {  	p0 =	sne.s32 s1, $0x0;
	_ =	strace $0x9000004A  }
0xbb: {  	s0 =	sadd.s32 @!p0 $0x100000, s0;
	[bflag:$0x2] =	sbarrier.arrive $0xFFFF  }
0xbc: {  	[sflag:s0] =	ssyncadd.tile.s32 @!p0 $0x1;
	_ =	shalt  }
.Lfunc_end2:
_tile_overlayer_lowered:
.L_overlay_start_2:
0xbd: {  	(tag) =	ssettag $0x2  }
0xbe: {  	s0 =	rddreg [dreg:$0x0];
	s2 =	stileid.u32  }
0xbf: {  	s1 =	rddreg [dreg:$0x1];
	p0 =	sne.s32 s2, $0x0  }
0xc0: {  	s3 =	rddreg [dreg:$0x2];
	[bflag:$0x3] =	sbarrier.arrive $0xFFFF;
	s2 =	simm.s32 @!p0 $0x1C01  }
0xc1: {  	[timem:s3], [sflag:s2] =	dma.local @!p0 [hbm:s0], s1  }
0xc2: {  	s0 =	simm.s32 @!p0 $0x1  }
0xc3: {  	_ =	swait.ge @!p0 [sflag:s0], s1  }
0xc4: {  	s1 =	ssub.s32 @!p0 $0x0, s1;
	[sflag:s0] =	ssyncset.done @!p0 $0x0  }
0xc5: {  	[sflag:s0] =	ssyncadd.s32 @!p0 s1  }
0xc6: {  	[bflag:$0x3] =	sbarrier.arrive $0xFFFF  }
0xc7: {  	_ =	shalt  }

</sc_bundles>
